<compile_context>
chip_gen: v7x
topology: tpu7x:2x2x1
jax: 0.10.2.dev20260603
libtpu: 0.0.44.dev20260713+nightly
codegen_flags: <defaults>
</compile_context>

<pallas_src>
import functools

import jax
import jax.numpy as jnp
from jax import lax
from jax.experimental import pallas as pl
from jax.experimental.pallas import tpu as pltpu
from jax.experimental.pallas import tpu_sc as plsc

N = 10000
E = 320000
D = 128

NC = 2
NS = 16
EPS = E // (NC * NS)
C = 80
CHF = EPS // C
RPS = 640
RLAST = N - 15 * RPS
RCH = 80
CW = 16
NB = 5
GIF = 4
SIF = 1


def _sc_agg_body(do_cnt, *refs):
    if do_cnt:
        (xs, srcb, dstb, zrow, zcnt, orow, agg_o, cnt_o,
         srcv, dstv, rows, zbuf, onesb, aggsh, cntsh, sem) = refs
    else:
        (xs, srcb, dstb, zrow, agg_o,
         srcv, dstv, rows, zbuf, aggsh, sem) = refs

    cid = lax.axis_index("c")
    sid = lax.axis_index("s")

    pltpu.sync_copy(srcb.at[cid, sid], srcv)
    pltpu.sync_copy(dstb.at[cid, sid], dstv)

    pltpu.sync_copy(zrow, zbuf)
    if do_cnt:
        pltpu.sync_copy(orow, onesb)
    r0 = sid * RPS

    @pl.when(sid < NS - 1)
    def _():
        for k in range(RPS // RCH):
            pltpu.sync_copy(zbuf, aggsh.at[pl.ds(r0 + k * RCH, RCH)])
        if do_cnt:
            pltpu.sync_copy(zcnt, cntsh.at[pl.ds(r0, RPS)])

    @pl.when(sid == NS - 1)
    def _():
        for k in range(RLAST // RCH):
            pltpu.sync_copy(zbuf, aggsh.at[pl.ds(r0 + k * RCH, RCH)])
        if do_cnt:
            pltpu.sync_copy(zcnt.at[pl.ds(0, RLAST)], cntsh.at[pl.ds(r0, RLAST)])

    plsc.subcore_barrier()

    semg, sems, semc = sem
    for b in range(GIF):
        pltpu.async_copy(xs.at[srcv.at[b]], rows.at[b], semg)

    def step(gN, carry):
        for b in range(NB):
            g = gN * NB + b
            pltpu.make_async_copy(xs.at[srcv.at[g]], rows.at[b], semg).wait()
            pltpu.async_copy(rows.at[b], aggsh.at[dstv.at[g]], sems, add=True)
            if do_cnt:
                pltpu.async_copy(onesb, cntsh.at[dstv.at[g]], semc, add=True)

            @pl.when(g >= SIF)
            def _():
                pltpu.make_async_copy(rows.at[(b + NB - SIF) % NB],
                                      aggsh.at[dstv.at[g - SIF]], sems).wait()

            @pl.when(g + GIF < CHF)
            def _():
                pltpu.async_copy(xs.at[srcv.at[g + GIF]],
                                 rows.at[(b + GIF) % NB], semg)
        return carry

    lax.fori_loop(0, CHF // NB, step, 0)
    for t in range(SIF):
        g = CHF - SIF + t
        pltpu.make_async_copy(rows.at[g % NB],
                              aggsh.at[dstv.at[g]], sems).wait()
    if do_cnt:
        def drain(i, carry):
            pltpu.make_async_copy(onesb, cntsh.at[dstv.at[i]], semc).wait()
            return carry
        lax.fori_loop(0, CHF, drain, 0)

    plsc.subcore_barrier()

    @pl.when(sid < NS - 1)
    def _():
        pltpu.sync_copy(aggsh.at[pl.ds(r0, RPS)],
                        agg_o.at[cid, pl.ds(r0, RPS)])
        if do_cnt:
            pltpu.sync_copy(cntsh.at[pl.ds(r0, RPS)],
                            cnt_o.at[cid, pl.ds(r0, RPS)])

    @pl.when(sid == NS - 1)
    def _():
        pltpu.sync_copy(aggsh.at[pl.ds(r0, RLAST)],
                        agg_o.at[cid, pl.ds(r0, RLAST)])
        if do_cnt:
            pltpu.sync_copy(cntsh.at[pl.ds(r0, RLAST)],
                            cnt_o.at[cid, pl.ds(r0, RLAST)])


def _make_sc_agg(do_cnt):
    mesh = plsc.VectorSubcoreMesh(core_axis_name="c", subcore_axis_name="s",
                                  num_cores=NC, num_subcores=NS)
    out_type = [jax.ShapeDtypeStruct((NC, N, D), jnp.bfloat16)]
    scratch = [
        pltpu.VMEM((CHF, C), jnp.int32),
        pltpu.VMEM((CHF, C), jnp.int32),
        pltpu.VMEM((NB, C, D), jnp.bfloat16),
        pltpu.VMEM((RCH, D), jnp.bfloat16),
    ]
    if do_cnt:
        out_type.append(jax.ShapeDtypeStruct((NC, N, CW), jnp.float32))
        scratch.append(pltpu.VMEM((C, CW), jnp.float32))
    scratch.append(pltpu.VMEM_SHARED((N, D), jnp.bfloat16))
    if do_cnt:
        scratch.append(pltpu.VMEM_SHARED((N, CW), jnp.float32))
    scratch.append((pltpu.SemaphoreType.DMA, pltpu.SemaphoreType.DMA,
                    pltpu.SemaphoreType.DMA))
    return pl.kernel(functools.partial(_sc_agg_body, do_cnt),
                     out_type=out_type, mesh=mesh, scratch_types=scratch,
                     compiler_params=pltpu.CompilerParams(
                         use_tc_tiling_on_sc=False))


_sc_agg_cnt = _make_sc_agg(True)
_sc_agg = _make_sc_agg(False)

BN = 1000


def _dense_body(relu, agg_ref, cnt_ref, h_ref, wl_ref, bl_ref, wr_ref, o_ref,
                ob_ref=None):
    cnt = cnt_ref[0, :, 0] + cnt_ref[1, :, 0]
    agg = agg_ref[0].astype(jnp.float32) + agg_ref[1].astype(jnp.float32)
    mean = agg / jnp.maximum(cnt, 1.0)[:, None]
    y = jnp.dot(mean, wl_ref[...], preferred_element_type=jnp.float32)
    y = y + jnp.dot(h_ref[...], wr_ref[...], preferred_element_type=jnp.float32)
    y = y + h_ref[...] + bl_ref[...]
    if relu:
        y = jnp.maximum(y, 0.0)
    o_ref[...] = y
    if ob_ref is not None:
        ob_ref[...] = y.astype(jnp.bfloat16)


def _make_dense(relu, emit_bf16):
    out_specs = [pl.BlockSpec((BN, D), lambda i: (i, 0))]
    out_shape = [jax.ShapeDtypeStruct((N, D), jnp.float32)]
    if emit_bf16:
        out_specs.append(pl.BlockSpec((BN, D), lambda i: (i, 0)))
        out_shape.append(jax.ShapeDtypeStruct((N, D), jnp.bfloat16))
    return pl.pallas_call(
        functools.partial(_dense_body, relu),
        grid=(N // BN,),
        in_specs=[
            pl.BlockSpec((NC, BN, D), lambda i: (0, i, 0)),
            pl.BlockSpec((NC, BN, CW), lambda i: (0, i, 0)),
            pl.BlockSpec((BN, D), lambda i: (i, 0)),
            pl.BlockSpec((D, D), lambda i: (0, 0)),
            pl.BlockSpec((1, D), lambda i: (0, 0)),
            pl.BlockSpec((D, D), lambda i: (0, 0)),
        ],
        out_specs=out_specs,
        out_shape=out_shape,
    )


_dense_relu = _make_dense(True, True)
_dense_plain = _make_dense(False, False)


def kernel(x, edge_index, Wl1, bl1, Wr1, Wl2, bl2, Wr2):
    srcb = edge_index[0].reshape(NC, NS, CHF, C)
    dstb = edge_index[1].reshape(NC, NS, CHF, C)
    zrow = jnp.zeros((RCH, D), jnp.bfloat16)
    zcnt = jnp.zeros((RPS, CW), jnp.float32)
    orow = jnp.ones((C, CW), jnp.float32)

    xb = x.astype(jnp.bfloat16)
    agg1, cntp = _sc_agg_cnt(xb, srcb, dstb, zrow, zcnt, orow)
    h, hb = _dense_relu(agg1, cntp, x, Wl1, bl1.reshape(1, D), Wr1)
    (agg2,) = _sc_agg(hb, srcb, dstb, zrow)
    (out,) = _dense_plain(agg2, cntp, h, Wl2, bl2.reshape(1, D), Wr2)
    return out

# --- scband reference (transcript-rebuilt; emitter-appended) ---
"""Pipeline reference for scband-sage-87591563034885 (READ-ONLY COPY).

The authoritative reference and input builder live on the scoring server;
editing this copy changes nothing except your own understanding.
"""

import jax, jax.numpy as jnp
import numpy as np

N = 10000
E = 320000
D = 128


def setup_inputs(seed: int = 0) -> dict:
    key = jax.random.key(seed)
    ks = jax.random.split(key, 9)
    x = jax.random.normal(ks[0], (N, D), dtype=jnp.float32)
    edge_index = jax.random.randint(ks[1], (2, E), 0, N, dtype=jnp.int32)
    s = 1.0 / np.sqrt(D)
    Wl1 = jax.random.uniform(ks[2], (D, D), jnp.float32, -s, s)
    bl1 = jax.random.uniform(ks[3], (D,), jnp.float32, -s, s)
    Wr1 = jax.random.uniform(ks[4], (D, D), jnp.float32, -s, s)
    Wl2 = jax.random.uniform(ks[5], (D, D), jnp.float32, -s, s)
    bl2 = jax.random.uniform(ks[6], (D,), jnp.float32, -s, s)
    Wr2 = jax.random.uniform(ks[7], (D, D), jnp.float32, -s, s)
    return {"x": x, "edge_index": edge_index, "Wl1": Wl1, "bl1": bl1, "Wr1": Wr1,
            "Wl2": Wl2, "bl2": bl2, "Wr2": Wr2}


def _sage_layer(x, edge_index, Wl, bl, Wr):
    # ResidualSAGEConv: out = lin_l(mean_{j in N(i)} x_j) + lin_r(x_i) + x_i
    src = edge_index[0]
    dst = edge_index[1]
    msg = jnp.take(x, src, axis=0)  # gather source features
    agg = jax.ops.segment_sum(msg, dst, num_segments=N)  # scatter-add by dst
    cnt = jax.ops.segment_sum(jnp.ones((msg.shape[0],), x.dtype), dst, num_segments=N)
    mean = agg / jnp.maximum(cnt, 1.0)[:, None]
    out = mean @ Wl + bl  # lin_l (with bias)
    out = out + x @ Wr    # lin_r (no bias, PyG SAGEConv root weight)
    out = out + x         # residual
    return out


def reference(x, edge_index, Wl1, bl1, Wr1, Wl2, bl2, Wr2):
    # SAGE.full_forward with num_layers=2, eval mode (dropout inactive)
    h = _sage_layer(x, edge_index, Wl1, bl1, Wr1)
    h = jax.nn.relu(h)
    h = _sage_layer(h, edge_index, Wl2, bl2, Wr2)
    return h

if __name__ == "__main__":
    import jax
    _d = setup_inputs()
    print(jax.jit(kernel)(*tuple(_d.values())))

</pallas_src>

<mosaic_0001>
#map = affine_map<(d0, d1) -> (0, 0)>
#map1 = affine_map<(d0, d1) -> (0, 0, 0, 0)>
#map2 = affine_map<(d0, d1) -> (0, 0, 0)>
module attributes {stable_mosaic.version = 14 : i64} {
  func.func @_sc_agg_body(%arg0: i32, %arg1: i32, %arg2: memref<10000x128xbf16, #tpu.memory_space<hbm>>, %arg3: memref<2x16x125x80xi32, #tpu.memory_space<hbm>>, %arg4: memref<2x16x125x80xi32, #tpu.memory_space<hbm>>, %arg5: memref<80x128xbf16, #tpu.memory_space<hbm>>, %arg6: memref<640x16xf32, #tpu.memory_space<hbm>>, %arg7: memref<80x16xf32, #tpu.memory_space<hbm>>, %arg8: memref<2x10000x128xbf16, #tpu.memory_space<hbm>>, %arg9: memref<2x10000x16xf32, #tpu.memory_space<hbm>>, %arg10: memref<125x80xi32, #tpu.memory_space<vmem>>, %arg11: memref<125x80xi32, #tpu.memory_space<vmem>>, %arg12: memref<5x80x128xbf16, #tpu.memory_space<vmem>>, %arg13: memref<80x128xbf16, #tpu.memory_space<vmem>>, %arg14: memref<80x16xf32, #tpu.memory_space<vmem>>, %arg15: memref<10000x128xbf16, #tpu.memory_space<vmem_shared>>, %arg16: memref<10000x16xf32, #tpu.memory_space<vmem_shared>>, %arg17: memref<!tpu.dma_semaphore, #tpu.memory_space<semaphore_mem>>, %arg18: memref<!tpu.dma_semaphore, #tpu.memory_space<semaphore_mem>>, %arg19: memref<!tpu.dma_semaphore, #tpu.memory_space<semaphore_mem>>) attributes {dimension_semantics = [#tpu.dimension_semantics<core_parallel>, #tpu.dimension_semantics<subcore_parallel>], iteration_bounds = array<i64: 2, 16>, scalar_prefetch = 0 : i64, scratch_operands = 10 : i64, tpu.core_type = #tpu.core_type<sc_vector_subcore>, window_params = [{transform_indices = #map}, {transform_indices = #map1}, {transform_indices = #map1}, {transform_indices = #map}, {transform_indices = #map}, {transform_indices = #map}, {transform_indices = #map2}, {transform_indices = #map2}]} {
    "tpu.region"() ({
      %run_scoped3A = tpu.sem_alloc : memref<!tpu.dma_semaphore, #tpu.memory_space<semaphore_mem>>
      %dma_start3A_87 = arith.constant 0 : i32
      %dma_start3A_88 = arith.constant 0 : i32
      %dma_start3A_89 = tpu.memref_slice %arg3[%arg0, %arg1, %dma_start3A_87, %dma_start3A_88] : memref<2x16x125x80xi32, #tpu.memory_space<hbm>> -> memref<1x1x125x80xi32, #tpu.memory_space<hbm>>
      %dma_start3A_90 = tpu.memref_squeeze %dma_start3A_89 : memref<1x1x125x80xi32, #tpu.memory_space<hbm>> -> memref<125x80xi32, #tpu.memory_space<hbm>>
      %dma_start3A_91 = arith.constant 0 : i32
      %dma_start3A_92 = arith.constant 0 : i32
      %dma_start3A_93 = tpu.memref_slice %arg3[%arg0, %arg1, %dma_start3A_91, %dma_start3A_92] : memref<2x16x125x80xi32, #tpu.memory_space<hbm>> -> memref<1x1x125x80xi32, #tpu.memory_space<hbm>>
      %dma_start3A_94 = tpu.memref_squeeze %dma_start3A_93 : memref<1x1x125x80xi32, #tpu.memory_space<hbm>> -> memref<125x80xi32, #tpu.memory_space<hbm>>
      tpu.enqueue_dma source(%dma_start3A_94 : memref<125x80xi32, #tpu.memory_space<hbm>>) target(%arg10 : memref<125x80xi32, #tpu.memory_space<vmem>>) target_semaphore(%run_scoped3A : memref<!tpu.dma_semaphore, #tpu.memory_space<semaphore_mem>>)
      %dma_wait3A_95 = arith.constant 0 : i32
      %dma_wait3A_96 = arith.constant 0 : i32
      %dma_wait3A_97 = tpu.memref_slice %arg3[%arg0, %arg1, %dma_wait3A_95, %dma_wait3A_96] : memref<2x16x125x80xi32, #tpu.memory_space<hbm>> -> memref<1x1x125x80xi32, #tpu.memory_space<hbm>>
      %dma_wait3A_98 = tpu.memref_squeeze %dma_wait3A_97 : memref<1x1x125x80xi32, #tpu.memory_space<hbm>> -> memref<125x80xi32, #tpu.memory_space<hbm>>
      %dma_wait3A_99 = arith.constant 0 : i32
      %dma_wait3A_100 = arith.constant 0 : i32
      %dma_wait3A_101 = tpu.memref_slice %arg3[%arg0, %arg1, %dma_wait3A_99, %dma_wait3A_100] : memref<2x16x125x80xi32, #tpu.memory_space<hbm>> -> memref<1x1x125x80xi32, #tpu.memory_space<hbm>>
      %dma_wait3A_102 = tpu.memref_squeeze %dma_wait3A_101 : memref<1x1x125x80xi32, #tpu.memory_space<hbm>> -> memref<125x80xi32, #tpu.memory_space<hbm>>
      tpu.wait_dma2 semaphore(%run_scoped3A : memref<!tpu.dma_semaphore, #tpu.memory_space<semaphore_mem>>) src(%dma_wait3A_102 : memref<125x80xi32, #tpu.memory_space<hbm>>) dst(%arg10 : memref<125x80xi32, #tpu.memory_space<vmem>>)
      tpu.yield
    }) : () -> ()
    "tpu.region"() ({
      %run_scoped3A = tpu.sem_alloc : memref<!tpu.dma_semaphore, #tpu.memory_space<semaphore_mem>>
      %dma_start3A_87 = arith.constant 0 : i32
      %dma_start3A_88 = arith.constant 0 : i32
      %dma_start3A_89 = tpu.memref_slice %arg4[%arg0, %arg1, %dma_start3A_87, %dma_start3A_88] : memref<2x16x125x80xi32, #tpu.memory_space<hbm>> -> memref<1x1x125x80xi32, #tpu.memory_space<hbm>>
      %dma_start3A_90 = tpu.memref_squeeze %dma_start3A_89 : memref<1x1x125x80xi32, #tpu.memory_space<hbm>> -> memref<125x80xi32, #tpu.memory_space<hbm>>
      %dma_start3A_91 = arith.constant 0 : i32
      %dma_start3A_92 = arith.constant 0 : i32
      %dma_start3A_93 = tpu.memref_slice %arg4[%arg0, %arg1, %dma_start3A_91, %dma_start3A_92] : memref<2x16x125x80xi32, #tpu.memory_space<hbm>> -> memref<1x1x125x80xi32, #tpu.memory_space<hbm>>
      %dma_start3A_94 = tpu.memref_squeeze %dma_start3A_93 : memref<1x1x125x80xi32, #tpu.memory_space<hbm>> -> memref<125x80xi32, #tpu.memory_space<hbm>>
      tpu.enqueue_dma source(%dma_start3A_94 : memref<125x80xi32, #tpu.memory_space<hbm>>) target(%arg11 : memref<125x80xi32, #tpu.memory_space<vmem>>) target_semaphore(%run_scoped3A : memref<!tpu.dma_semaphore, #tpu.memory_space<semaphore_mem>>)
      %dma_wait3A_95 = arith.constant 0 : i32
      %dma_wait3A_96 = arith.constant 0 : i32
      %dma_wait3A_97 = tpu.memref_slice %arg4[%arg0, %arg1, %dma_wait3A_95, %dma_wait3A_96] : memref<2x16x125x80xi32, #tpu.memory_space<hbm>> -> memref<1x1x125x80xi32, #tpu.memory_space<hbm>>
      %dma_wait3A_98 = tpu.memref_squeeze %dma_wait3A_97 : memref<1x1x125x80xi32, #tpu.memory_space<hbm>> -> memref<125x80xi32, #tpu.memory_space<hbm>>
      %dma_wait3A_99 = arith.constant 0 : i32
      %dma_wait3A_100 = arith.constant 0 : i32
      %dma_wait3A_101 = tpu.memref_slice %arg4[%arg0, %arg1, %dma_wait3A_99, %dma_wait3A_100] : memref<2x16x125x80xi32, #tpu.memory_space<hbm>> -> memref<1x1x125x80xi32, #tpu.memory_space<hbm>>
      %dma_wait3A_102 = tpu.memref_squeeze %dma_wait3A_101 : memref<1x1x125x80xi32, #tpu.memory_space<hbm>> -> memref<125x80xi32, #tpu.memory_space<hbm>>
      tpu.wait_dma2 semaphore(%run_scoped3A : memref<!tpu.dma_semaphore, #tpu.memory_space<semaphore_mem>>) src(%dma_wait3A_102 : memref<125x80xi32, #tpu.memory_space<hbm>>) dst(%arg11 : memref<125x80xi32, #tpu.memory_space<vmem>>)
      tpu.yield
    }) : () -> ()
    "tpu.region"() ({
      %run_scoped3A = tpu.sem_alloc : memref<!tpu.dma_semaphore, #tpu.memory_space<semaphore_mem>>
      tpu.enqueue_dma source(%arg5 : memref<80x128xbf16, #tpu.memory_space<hbm>>) target(%arg13 : memref<80x128xbf16, #tpu.memory_space<vmem>>) target_semaphore(%run_scoped3A : memref<!tpu.dma_semaphore, #tpu.memory_space<semaphore_mem>>)
      tpu.wait_dma2 semaphore(%run_scoped3A : memref<!tpu.dma_semaphore, #tpu.memory_space<semaphore_mem>>) src(%arg5 : memref<80x128xbf16, #tpu.memory_space<hbm>>) dst(%arg13 : memref<80x128xbf16, #tpu.memory_space<vmem>>)
      tpu.yield
    }) : () -> ()
    "tpu.region"() ({
      %run_scoped3A = tpu.sem_alloc : memref<!tpu.dma_semaphore, #tpu.memory_space<semaphore_mem>>
      tpu.enqueue_dma source(%arg7 : memref<80x16xf32, #tpu.memory_space<hbm>>) target(%arg14 : memref<80x16xf32, #tpu.memory_space<vmem>>) target_semaphore(%run_scoped3A : memref<!tpu.dma_semaphore, #tpu.memory_space<semaphore_mem>>)
      tpu.wait_dma2 semaphore(%run_scoped3A : memref<!tpu.dma_semaphore, #tpu.memory_space<semaphore_mem>>) src(%arg7 : memref<80x16xf32, #tpu.memory_space<hbm>>) dst(%arg14 : memref<80x16xf32, #tpu.memory_space<vmem>>)
      tpu.yield
    }) : () -> ()
    %mul3A = arith.constant 640 : i32
    %mul3A_0 = arith.muli %arg1, %mul3A : i32
    %lt3A = arith.constant 15 : i32
    %lt3A_1 = arith.cmpi slt, %arg1, %lt3A : i32
    %convert_element_type3A = arith.extui %lt3A_1 : i1 to i32
    %cond3A = arith.constant 0 : i32
    %cond3A_2 = arith.cmpi ne, %convert_element_type3A, %cond3A : i32
    scf.if %cond3A_2 {
      %add3A = arith.constant 0 : i32
      %add3A_87 = arith.addi %mul3A_0, %add3A : i32
      "tpu.region"() ({
        %run_scoped3A = tpu.sem_alloc : memref<!tpu.dma_semaphore, #tpu.memory_space<semaphore_mem>>
        %dma_start3A_102 = arith.constant 0 : i32
        %dma_start3A_103 = tpu.memref_slice %arg15[%add3A_87, %dma_start3A_102] : memref<10000x128xbf16, #tpu.memory_space<vmem_shared>> -> memref<80x128xbf16, #tpu.memory_space<vmem_shared>>
        %dma_start3A_104 = arith.constant 0 : i32
        %dma_start3A_105 = tpu.memref_slice %arg15[%add3A_87, %dma_start3A_104] : memref<10000x128xbf16, #tpu.memory_space<vmem_shared>> -> memref<80x128xbf16, #tpu.memory_space<vmem_shared>>
        tpu.enqueue_dma source(%arg13 : memref<80x128xbf16, #tpu.memory_space<vmem>>) target(%dma_start3A_105 : memref<80x128xbf16, #tpu.memory_space<vmem_shared>>) target_semaphore(%run_scoped3A : memref<!tpu.dma_semaphore, #tpu.memory_space<semaphore_mem>>)
        %dma_wait3A_106 = arith.constant 0 : i32
        %dma_wait3A_107 = tpu.memref_slice %arg15[%add3A_87, %dma_wait3A_106] : memref<10000x128xbf16, #tpu.memory_space<vmem_shared>> -> memref<80x128xbf16, #tpu.memory_space<vmem_shared>>
        %dma_wait3A_108 = arith.constant 0 : i32
        %dma_wait3A_109 = tpu.memref_slice %arg15[%add3A_87, %dma_wait3A_108] : memref<10000x128xbf16, #tpu.memory_space<vmem_shared>> -> memref<80x128xbf16, #tpu.memory_space<vmem_shared>>
        tpu.wait_dma2 semaphore(%run_scoped3A : memref<!tpu.dma_semaphore, #tpu.memory_space<semaphore_mem>>) src(%arg13 : memref<80x128xbf16, #tpu.memory_space<vmem>>) dst(%dma_wait3A_109 : memref<80x128xbf16, #tpu.memory_space<vmem_shared>>)
        tpu.yield
      }) : () -> ()
      %add3A_88 = arith.constant 80 : i32
      %add3A_89 = arith.addi %mul3A_0, %add3A_88 : i32
      "tpu.region"() ({
        %run_scoped3A = tpu.sem_alloc : memref<!tpu.dma_semaphore, #tpu.memory_space<semaphore_mem>>
        %dma_start3A_102 = arith.constant 0 : i32
        %dma_start3A_103 = tpu.memref_slice %arg15[%add3A_89, %dma_start3A_102] : memref<10000x128xbf16, #tpu.memory_space<vmem_shared>> -> memref<80x128xbf16, #tpu.memory_space<vmem_shared>>
        %dma_start3A_104 = arith.constant 0 : i32
        %dma_start3A_105 = tpu.memref_slice %arg15[%add3A_89, %dma_start3A_104] : memref<10000x128xbf16, #tpu.memory_space<vmem_shared>> -> memref<80x128xbf16, #tpu.memory_space<vmem_shared>>
        tpu.enqueue_dma source(%arg13 : memref<80x128xbf16, #tpu.memory_space<vmem>>) target(%dma_start3A_105 : memref<80x128xbf16, #tpu.memory_space<vmem_shared>>) target_semaphore(%run_scoped3A : memref<!tpu.dma_semaphore, #tpu.memory_space<semaphore_mem>>)
        %dma_wait3A_106 = arith.constant 0 : i32
        %dma_wait3A_107 = tpu.memref_slice %arg15[%add3A_89, %dma_wait3A_106] : memref<10000x128xbf16, #tpu.memory_space<vmem_shared>> -> memref<80x128xbf16, #tpu.memory_space<vmem_shared>>
        %dma_wait3A_108 = arith.constant 0 : i32
        %dma_wait3A_109 = tpu.memref_slice %arg15[%add3A_89, %dma_wait3A_108] : memref<10000x128xbf16, #tpu.memory_space<vmem_shared>> -> memref<80x128xbf16, #tpu.memory_space<vmem_shared>>
        tpu.wait_dma2 semaphore(%run_scoped3A : memref<!tpu.dma_semaphore, #tpu.memory_space<semaphore_mem>>) src(%arg13 : memref<80x128xbf16, #tpu.memory_space<vmem>>) dst(%dma_wait3A_109 : memref<80x128xbf16, #tpu.memory_space<vmem_shared>>)
        tpu.yield
      }) : () -> ()
      %add3A_90 = arith.constant 160 : i32
      %add3A_91 = arith.addi %mul3A_0, %add3A_90 : i32
      "tpu.region"() ({
        %run_scoped3A = tpu.sem_alloc : memref<!tpu.dma_semaphore, #tpu.memory_space<semaphore_mem>>
        %dma_start3A_102 = arith.constant 0 : i32
        %dma_start3A_103 = tpu.memref_slice %arg15[%add3A_91, %dma_start3A_102] : memref<10000x128xbf16, #tpu.memory_space<vmem_shared>> -> memref<80x128xbf16, #tpu.memory_space<vmem_shared>>
        %dma_start3A_104 = arith.constant 0 : i32
        %dma_start3A_105 = tpu.memref_slice %arg15[%add3A_91, %dma_start3A_104] : memref<10000x128xbf16, #tpu.memory_space<vmem_shared>> -> memref<80x128xbf16, #tpu.memory_space<vmem_shared>>
        tpu.enqueue_dma source(%arg13 : memref<80x128xbf16, #tpu.memory_space<vmem>>) target(%dma_start3A_105 : memref<80x128xbf16, #tpu.memory_space<vmem_shared>>) target_semaphore(%run_scoped3A : memref<!tpu.dma_semaphore, #tpu.memory_space<semaphore_mem>>)
        %dma_wait3A_106 = arith.constant 0 : i32
        %dma_wait3A_107 = tpu.memref_slice %arg15[%add3A_91, %dma_wait3A_106] : memref<10000x128xbf16, #tpu.memory_space<vmem_shared>> -> memref<80x128xbf16, #tpu.memory_space<vmem_shared>>
        %dma_wait3A_108 = arith.constant 0 : i32
        %dma_wait3A_109 = tpu.memref_slice %arg15[%add3A_91, %dma_wait3A_108] : memref<10000x128xbf16, #tpu.memory_space<vmem_shared>> -> memref<80x128xbf16, #tpu.memory_space<vmem_shared>>
        tpu.wait_dma2 semaphore(%run_scoped3A : memref<!tpu.dma_semaphore, #tpu.memory_space<semaphore_mem>>) src(%arg13 : memref<80x128xbf16, #tpu.memory_space<vmem>>) dst(%dma_wait3A_109 : memref<80x128xbf16, #tpu.memory_space<vmem_shared>>)
        tpu.yield
      }) : () -> ()
      %add3A_92 = arith.constant 240 : i32
      %add3A_93 = arith.addi %mul3A_0, %add3A_92 : i32
      "tpu.region"() ({
        %run_scoped3A = tpu.sem_alloc : memref<!tpu.dma_semaphore, #tpu.memory_space<semaphore_mem>>
        %dma_start3A_102 = arith.constant 0 : i32
        %dma_start3A_103 = tpu.memref_slice %arg15[%add3A_93, %dma_start3A_102] : memref<10000x128xbf16, #tpu.memory_space<vmem_shared>> -> memref<80x128xbf16, #tpu.memory_space<vmem_shared>>
        %dma_start3A_104 = arith.constant 0 : i32
        %dma_start3A_105 = tpu.memref_slice %arg15[%add3A_93, %dma_start3A_104] : memref<10000x128xbf16, #tpu.memory_space<vmem_shared>> -> memref<80x128xbf16, #tpu.memory_space<vmem_shared>>
        tpu.enqueue_dma source(%arg13 : memref<80x128xbf16, #tpu.memory_space<vmem>>) target(%dma_start3A_105 : memref<80x128xbf16, #tpu.memory_space<vmem_shared>>) target_semaphore(%run_scoped3A : memref<!tpu.dma_semaphore, #tpu.memory_space<semaphore_mem>>)
        %dma_wait3A_106 = arith.constant 0 : i32
        %dma_wait3A_107 = tpu.memref_slice %arg15[%add3A_93, %dma_wait3A_106] : memref<10000x128xbf16, #tpu.memory_space<vmem_shared>> -> memref<80x128xbf16, #tpu.memory_space<vmem_shared>>
        %dma_wait3A_108 = arith.constant 0 : i32
        %dma_wait3A_109 = tpu.memref_slice %arg15[%add3A_93, %dma_wait3A_108] : memref<10000x128xbf16, #tpu.memory_space<vmem_shared>> -> memref<80x128xbf16, #tpu.memory_space<vmem_shared>>
        tpu.wait_dma2 semaphore(%run_scoped3A : memref<!tpu.dma_semaphore, #tpu.memory_space<semaphore_mem>>) src(%arg13 : memref<80x128xbf16, #tpu.memory_space<vmem>>) dst(%dma_wait3A_109 : memref<80x128xbf16, #tpu.memory_space<vmem_shared>>)
        tpu.yield
      }) : () -> ()
      %add3A_94 = arith.constant 320 : i32
      %add3A_95 = arith.addi %mul3A_0, %add3A_94 : i32
      "tpu.region"() ({
        %run_scoped3A = tpu.sem_alloc : memref<!tpu.dma_semaphore, #tpu.memory_space<semaphore_mem>>
        %dma_start3A_102 = arith.constant 0 : i32
        %dma_start3A_103 = tpu.memref_slice %arg15[%add3A_95, %dma_start3A_102] : memref<10000x128xbf16, #tpu.memory_space<vmem_shared>> -> memref<80x128xbf16, #tpu.memory_space<vmem_shared>>
        %dma_start3A_104 = arith.constant 0 : i32
        %dma_start3A_105 = tpu.memref_slice %arg15[%add3A_95, %dma_start3A_104] : memref<10000x128xbf16, #tpu.memory_space<vmem_shared>> -> memref<80x128xbf16, #tpu.memory_space<vmem_shared>>
        tpu.enqueue_dma source(%arg13 : memref<80x128xbf16, #tpu.memory_space<vmem>>) target(%dma_start3A_105 : memref<80x128xbf16, #tpu.memory_space<vmem_shared>>) target_semaphore(%run_scoped3A : memref<!tpu.dma_semaphore, #tpu.memory_space<semaphore_mem>>)
        %dma_wait3A_106 = arith.constant 0 : i32
        %dma_wait3A_107 = tpu.memref_slice %arg15[%add3A_95, %dma_wait3A_106] : memref<10000x128xbf16, #tpu.memory_space<vmem_shared>> -> memref<80x128xbf16, #tpu.memory_space<vmem_shared>>
        %dma_wait3A_108 = arith.constant 0 : i32
        %dma_wait3A_109 = tpu.memref_slice %arg15[%add3A_95, %dma_wait3A_108] : memref<10000x128xbf16, #tpu.memory_space<vmem_shared>> -> memref<80x128xbf16, #tpu.memory_space<vmem_shared>>
        tpu.wait_dma2 semaphore(%run_scoped3A : memref<!tpu.dma_semaphore, #tpu.memory_space<semaphore_mem>>) src(%arg13 : memref<80x128xbf16, #tpu.memory_space<vmem>>) dst(%dma_wait3A_109 : memref<80x128xbf16, #tpu.memory_space<vmem_shared>>)
        tpu.yield
      }) : () -> ()
      %add3A_96 = arith.constant 400 : i32
      %add3A_97 = arith.addi %mul3A_0, %add3A_96 : i32
      "tpu.region"() ({
        %run_scoped3A = tpu.sem_alloc : memref<!tpu.dma_semaphore, #tpu.memory_space<semaphore_mem>>
        %dma_start3A_102 = arith.constant 0 : i32
        %dma_start3A_103 = tpu.memref_slice %arg15[%add3A_97, %dma_start3A_102] : memref<10000x128xbf16, #tpu.memory_space<vmem_shared>> -> memref<80x128xbf16, #tpu.memory_space<vmem_shared>>
        %dma_start3A_104 = arith.constant 0 : i32
        %dma_start3A_105 = tpu.memref_slice %arg15[%add3A_97, %dma_start3A_104] : memref<10000x128xbf16, #tpu.memory_space<vmem_shared>> -> memref<80x128xbf16, #tpu.memory_space<vmem_shared>>
        tpu.enqueue_dma source(%arg13 : memref<80x128xbf16, #tpu.memory_space<vmem>>) target(%dma_start3A_105 : memref<80x128xbf16, #tpu.memory_space<vmem_shared>>) target_semaphore(%run_scoped3A : memref<!tpu.dma_semaphore, #tpu.memory_space<semaphore_mem>>)
        %dma_wait3A_106 = arith.constant 0 : i32
        %dma_wait3A_107 = tpu.memref_slice %arg15[%add3A_97, %dma_wait3A_106] : memref<10000x128xbf16, #tpu.memory_space<vmem_shared>> -> memref<80x128xbf16, #tpu.memory_space<vmem_shared>>
        %dma_wait3A_108 = arith.constant 0 : i32
        %dma_wait3A_109 = tpu.memref_slice %arg15[%add3A_97, %dma_wait3A_108] : memref<10000x128xbf16, #tpu.memory_space<vmem_shared>> -> memref<80x128xbf16, #tpu.memory_space<vmem_shared>>
        tpu.wait_dma2 semaphore(%run_scoped3A : memref<!tpu.dma_semaphore, #tpu.memory_space<semaphore_mem>>) src(%arg13 : memref<80x128xbf16, #tpu.memory_space<vmem>>) dst(%dma_wait3A_109 : memref<80x128xbf16, #tpu.memory_space<vmem_shared>>)
        tpu.yield
      }) : () -> ()
      %add3A_98 = arith.constant 480 : i32
      %add3A_99 = arith.addi %mul3A_0, %add3A_98 : i32
      "tpu.region"() ({
        %run_scoped3A = tpu.sem_alloc : memref<!tpu.dma_semaphore, #tpu.memory_space<semaphore_mem>>
        %dma_start3A_102 = arith.constant 0 : i32
        %dma_start3A_103 = tpu.memref_slice %arg15[%add3A_99, %dma_start3A_102] : memref<10000x128xbf16, #tpu.memory_space<vmem_shared>> -> memref<80x128xbf16, #tpu.memory_space<vmem_shared>>
        %dma_start3A_104 = arith.constant 0 : i32
        %dma_start3A_105 = tpu.memref_slice %arg15[%add3A_99, %dma_start3A_104] : memref<10000x128xbf16, #tpu.memory_space<vmem_shared>> -> memref<80x128xbf16, #tpu.memory_space<vmem_shared>>
        tpu.enqueue_dma source(%arg13 : memref<80x128xbf16, #tpu.memory_space<vmem>>) target(%dma_start3A_105 : memref<80x128xbf16, #tpu.memory_space<vmem_shared>>) target_semaphore(%run_scoped3A : memref<!tpu.dma_semaphore, #tpu.memory_space<semaphore_mem>>)
        %dma_wait3A_106 = arith.constant 0 : i32
        %dma_wait3A_107 = tpu.memref_slice %arg15[%add3A_99, %dma_wait3A_106] : memref<10000x128xbf16, #tpu.memory_space<vmem_shared>> -> memref<80x128xbf16, #tpu.memory_space<vmem_shared>>
        %dma_wait3A_108 = arith.constant 0 : i32
        %dma_wait3A_109 = tpu.memref_slice %arg15[%add3A_99, %dma_wait3A_108] : memref<10000x128xbf16, #tpu.memory_space<vmem_shared>> -> memref<80x128xbf16, #tpu.memory_space<vmem_shared>>
        tpu.wait_dma2 semaphore(%run_scoped3A : memref<!tpu.dma_semaphore, #tpu.memory_space<semaphore_mem>>) src(%arg13 : memref<80x128xbf16, #tpu.memory_space<vmem>>) dst(%dma_wait3A_109 : memref<80x128xbf16, #tpu.memory_space<vmem_shared>>)
        tpu.yield
      }) : () -> ()
      %add3A_100 = arith.constant 560 : i32
      %add3A_101 = arith.addi %mul3A_0, %add3A_100 : i32
      "tpu.region"() ({
        %run_scoped3A = tpu.sem_alloc : memref<!tpu.dma_semaphore, #tpu.memory_space<semaphore_mem>>
        %dma_start3A_102 = arith.constant 0 : i32
        %dma_start3A_103 = tpu.memref_slice %arg15[%add3A_101, %dma_start3A_102] : memref<10000x128xbf16, #tpu.memory_space<vmem_shared>> -> memref<80x128xbf16, #tpu.memory_space<vmem_shared>>
        %dma_start3A_104 = arith.constant 0 : i32
        %dma_start3A_105 = tpu.memref_slice %arg15[%add3A_101, %dma_start3A_104] : memref<10000x128xbf16, #tpu.memory_space<vmem_shared>> -> memref<80x128xbf16, #tpu.memory_space<vmem_shared>>
        tpu.enqueue_dma source(%arg13 : memref<80x128xbf16, #tpu.memory_space<vmem>>) target(%dma_start3A_105 : memref<80x128xbf16, #tpu.memory_space<vmem_shared>>) target_semaphore(%run_scoped3A : memref<!tpu.dma_semaphore, #tpu.memory_space<semaphore_mem>>)
        %dma_wait3A_106 = arith.constant 0 : i32
        %dma_wait3A_107 = tpu.memref_slice %arg15[%add3A_101, %dma_wait3A_106] : memref<10000x128xbf16, #tpu.memory_space<vmem_shared>> -> memref<80x128xbf16, #tpu.memory_space<vmem_shared>>
        %dma_wait3A_108 = arith.constant 0 : i32
        %dma_wait3A_109 = tpu.memref_slice %arg15[%add3A_101, %dma_wait3A_108] : memref<10000x128xbf16, #tpu.memory_space<vmem_shared>> -> memref<80x128xbf16, #tpu.memory_space<vmem_shared>>
        tpu.wait_dma2 semaphore(%run_scoped3A : memref<!tpu.dma_semaphore, #tpu.memory_space<semaphore_mem>>) src(%arg13 : memref<80x128xbf16, #tpu.memory_space<vmem>>) dst(%dma_wait3A_109 : memref<80x128xbf16, #tpu.memory_space<vmem_shared>>)
        tpu.yield
      }) : () -> ()
      "tpu.region"() ({
        %run_scoped3A = tpu.sem_alloc : memref<!tpu.dma_semaphore, #tpu.memory_space<semaphore_mem>>
        %dma_start3A_102 = arith.constant 0 : i32
        %dma_start3A_103 = tpu.memref_slice %arg16[%mul3A_0, %dma_start3A_102] : memref<10000x16xf32, #tpu.memory_space<vmem_shared>> -> memref<640x16xf32, #tpu.memory_space<vmem_shared>>
        tpu.enqueue_dma source(%arg6 : memref<640x16xf32, #tpu.memory_space<hbm>>) target(%dma_start3A_103 : memref<640x16xf32, #tpu.memory_space<vmem_shared>>) target_semaphore(%run_scoped3A : memref<!tpu.dma_semaphore, #tpu.memory_space<semaphore_mem>>)
        %dma_wait3A_104 = arith.constant 0 : i32
        %dma_wait3A_105 = tpu.memref_slice %arg16[%mul3A_0, %dma_wait3A_104] : memref<10000x16xf32, #tpu.memory_space<vmem_shared>> -> memref<640x16xf32, #tpu.memory_space<vmem_shared>>
        tpu.wait_dma2 semaphore(%run_scoped3A : memref<!tpu.dma_semaphore, #tpu.memory_space<semaphore_mem>>) src(%arg6 : memref<640x16xf32, #tpu.memory_space<hbm>>) dst(%dma_wait3A_105 : memref<640x16xf32, #tpu.memory_space<vmem_shared>>)
        tpu.yield
      }) : () -> ()
    } else {
    }
    %eq3A = arith.constant 15 : i32
    %eq3A_3 = arith.cmpi eq, %arg1, %eq3A : i32
    %convert_element_type3A_4 = arith.extui %eq3A_3 : i1 to i32
    %cond3A_5 = arith.constant 0 : i32
    %cond3A_6 = arith.cmpi ne, %convert_element_type3A_4, %cond3A_5 : i32
    scf.if %cond3A_6 {
      %add3A = arith.constant 0 : i32
      %add3A_87 = arith.addi %mul3A_0, %add3A : i32
      "tpu.region"() ({
        %run_scoped3A = tpu.sem_alloc : memref<!tpu.dma_semaphore, #tpu.memory_space<semaphore_mem>>
        %dma_start3A_96 = arith.constant 0 : i32
        %dma_start3A_97 = tpu.memref_slice %arg15[%add3A_87, %dma_start3A_96] : memref<10000x128xbf16, #tpu.memory_space<vmem_shared>> -> memref<80x128xbf16, #tpu.memory_space<vmem_shared>>
        %dma_start3A_98 = arith.constant 0 : i32
        %dma_start3A_99 = tpu.memref_slice %arg15[%add3A_87, %dma_start3A_98] : memref<10000x128xbf16, #tpu.memory_space<vmem_shared>> -> memref<80x128xbf16, #tpu.memory_space<vmem_shared>>
        tpu.enqueue_dma source(%arg13 : memref<80x128xbf16, #tpu.memory_space<vmem>>) target(%dma_start3A_99 : memref<80x128xbf16, #tpu.memory_space<vmem_shared>>) target_semaphore(%run_scoped3A : memref<!tpu.dma_semaphore, #tpu.memory_space<semaphore_mem>>)
        %dma_wait3A_100 = arith.constant 0 : i32
        %dma_wait3A_101 = tpu.memref_slice %arg15[%add3A_87, %dma_wait3A_100] : memref<10000x128xbf16, #tpu.memory_space<vmem_shared>> -> memref<80x128xbf16, #tpu.memory_space<vmem_shared>>
        %dma_wait3A_102 = arith.constant 0 : i32
        %dma_wait3A_103 = tpu.memref_slice %arg15[%add3A_87, %dma_wait3A_102] : memref<10000x128xbf16, #tpu.memory_space<vmem_shared>> -> memref<80x128xbf16, #tpu.memory_space<vmem_shared>>
        tpu.wait_dma2 semaphore(%run_scoped3A : memref<!tpu.dma_semaphore, #tpu.memory_space<semaphore_mem>>) src(%arg13 : memref<80x128xbf16, #tpu.memory_space<vmem>>) dst(%dma_wait3A_103 : memref<80x128xbf16, #tpu.memory_space<vmem_shared>>)
        tpu.yield
      }) : () -> ()
      %add3A_88 = arith.constant 80 : i32
      %add3A_89 = arith.addi %mul3A_0, %add3A_88 : i32
      "tpu.region"() ({
        %run_scoped3A = tpu.sem_alloc : memref<!tpu.dma_semaphore, #tpu.memory_space<semaphore_mem>>
        %dma_start3A_96 = arith.constant 0 : i32
        %dma_start3A_97 = tpu.memref_slice %arg15[%add3A_89, %dma_start3A_96] : memref<10000x128xbf16, #tpu.memory_space<vmem_shared>> -> memref<80x128xbf16, #tpu.memory_space<vmem_shared>>
        %dma_start3A_98 = arith.constant 0 : i32
        %dma_start3A_99 = tpu.memref_slice %arg15[%add3A_89, %dma_start3A_98] : memref<10000x128xbf16, #tpu.memory_space<vmem_shared>> -> memref<80x128xbf16, #tpu.memory_space<vmem_shared>>
        tpu.enqueue_dma source(%arg13 : memref<80x128xbf16, #tpu.memory_space<vmem>>) target(%dma_start3A_99 : memref<80x128xbf16, #tpu.memory_space<vmem_shared>>) target_semaphore(%run_scoped3A : memref<!tpu.dma_semaphore, #tpu.memory_space<semaphore_mem>>)
        %dma_wait3A_100 = arith.constant 0 : i32
        %dma_wait3A_101 = tpu.memref_slice %arg15[%add3A_89, %dma_wait3A_100] : memref<10000x128xbf16, #tpu.memory_space<vmem_shared>> -> memref<80x128xbf16, #tpu.memory_space<vmem_shared>>
        %dma_wait3A_102 = arith.constant 0 : i32
        %dma_wait3A_103 = tpu.memref_slice %arg15[%add3A_89, %dma_wait3A_102] : memref<10000x128xbf16, #tpu.memory_space<vmem_shared>> -> memref<80x128xbf16, #tpu.memory_space<vmem_shared>>
        tpu.wait_dma2 semaphore(%run_scoped3A : memref<!tpu.dma_semaphore, #tpu.memory_space<semaphore_mem>>) src(%arg13 : memref<80x128xbf16, #tpu.memory_space<vmem>>) dst(%dma_wait3A_103 : memref<80x128xbf16, #tpu.memory_space<vmem_shared>>)
        tpu.yield
      }) : () -> ()
      %add3A_90 = arith.constant 160 : i32
      %add3A_91 = arith.addi %mul3A_0, %add3A_90 : i32
      "tpu.region"() ({
        %run_scoped3A = tpu.sem_alloc : memref<!tpu.dma_semaphore, #tpu.memory_space<semaphore_mem>>
        %dma_start3A_96 = arith.constant 0 : i32
        %dma_start3A_97 = tpu.memref_slice %arg15[%add3A_91, %dma_start3A_96] : memref<10000x128xbf16, #tpu.memory_space<vmem_shared>> -> memref<80x128xbf16, #tpu.memory_space<vmem_shared>>
        %dma_start3A_98 = arith.constant 0 : i32
        %dma_start3A_99 = tpu.memref_slice %arg15[%add3A_91, %dma_start3A_98] : memref<10000x128xbf16, #tpu.memory_space<vmem_shared>> -> memref<80x128xbf16, #tpu.memory_space<vmem_shared>>
        tpu.enqueue_dma source(%arg13 : memref<80x128xbf16, #tpu.memory_space<vmem>>) target(%dma_start3A_99 : memref<80x128xbf16, #tpu.memory_space<vmem_shared>>) target_semaphore(%run_scoped3A : memref<!tpu.dma_semaphore, #tpu.memory_space<semaphore_mem>>)
        %dma_wait3A_100 = arith.constant 0 : i32
        %dma_wait3A_101 = tpu.memref_slice %arg15[%add3A_91, %dma_wait3A_100] : memref<10000x128xbf16, #tpu.memory_space<vmem_shared>> -> memref<80x128xbf16, #tpu.memory_space<vmem_shared>>
        %dma_wait3A_102 = arith.constant 0 : i32
        %dma_wait3A_103 = tpu.memref_slice %arg15[%add3A_91, %dma_wait3A_102] : memref<10000x128xbf16, #tpu.memory_space<vmem_shared>> -> memref<80x128xbf16, #tpu.memory_space<vmem_shared>>
        tpu.wait_dma2 semaphore(%run_scoped3A : memref<!tpu.dma_semaphore, #tpu.memory_space<semaphore_mem>>) src(%arg13 : memref<80x128xbf16, #tpu.memory_space<vmem>>) dst(%dma_wait3A_103 : memref<80x128xbf16, #tpu.memory_space<vmem_shared>>)
        tpu.yield
      }) : () -> ()
      %add3A_92 = arith.constant 240 : i32
      %add3A_93 = arith.addi %mul3A_0, %add3A_92 : i32
      "tpu.region"() ({
        %run_scoped3A = tpu.sem_alloc : memref<!tpu.dma_semaphore, #tpu.memory_space<semaphore_mem>>
        %dma_start3A_96 = arith.constant 0 : i32
        %dma_start3A_97 = tpu.memref_slice %arg15[%add3A_93, %dma_start3A_96] : memref<10000x128xbf16, #tpu.memory_space<vmem_shared>> -> memref<80x128xbf16, #tpu.memory_space<vmem_shared>>
        %dma_start3A_98 = arith.constant 0 : i32
        %dma_start3A_99 = tpu.memref_slice %arg15[%add3A_93, %dma_start3A_98] : memref<10000x128xbf16, #tpu.memory_space<vmem_shared>> -> memref<80x128xbf16, #tpu.memory_space<vmem_shared>>
        tpu.enqueue_dma source(%arg13 : memref<80x128xbf16, #tpu.memory_space<vmem>>) target(%dma_start3A_99 : memref<80x128xbf16, #tpu.memory_space<vmem_shared>>) target_semaphore(%run_scoped3A : memref<!tpu.dma_semaphore, #tpu.memory_space<semaphore_mem>>)
        %dma_wait3A_100 = arith.constant 0 : i32
        %dma_wait3A_101 = tpu.memref_slice %arg15[%add3A_93, %dma_wait3A_100] : memref<10000x128xbf16, #tpu.memory_space<vmem_shared>> -> memref<80x128xbf16, #tpu.memory_space<vmem_shared>>
        %dma_wait3A_102 = arith.constant 0 : i32
        %dma_wait3A_103 = tpu.memref_slice %arg15[%add3A_93, %dma_wait3A_102] : memref<10000x128xbf16, #tpu.memory_space<vmem_shared>> -> memref<80x128xbf16, #tpu.memory_space<vmem_shared>>
        tpu.wait_dma2 semaphore(%run_scoped3A : memref<!tpu.dma_semaphore, #tpu.memory_space<semaphore_mem>>) src(%arg13 : memref<80x128xbf16, #tpu.memory_space<vmem>>) dst(%dma_wait3A_103 : memref<80x128xbf16, #tpu.memory_space<vmem_shared>>)
        tpu.yield
      }) : () -> ()
      %add3A_94 = arith.constant 320 : i32
      %add3A_95 = arith.addi %mul3A_0, %add3A_94 : i32
      "tpu.region"() ({
        %run_scoped3A = tpu.sem_alloc : memref<!tpu.dma_semaphore, #tpu.memory_space<semaphore_mem>>
        %dma_start3A_96 = arith.constant 0 : i32
        %dma_start3A_97 = tpu.memref_slice %arg15[%add3A_95, %dma_start3A_96] : memref<10000x128xbf16, #tpu.memory_space<vmem_shared>> -> memref<80x128xbf16, #tpu.memory_space<vmem_shared>>
        %dma_start3A_98 = arith.constant 0 : i32
        %dma_start3A_99 = tpu.memref_slice %arg15[%add3A_95, %dma_start3A_98] : memref<10000x128xbf16, #tpu.memory_space<vmem_shared>> -> memref<80x128xbf16, #tpu.memory_space<vmem_shared>>
        tpu.enqueue_dma source(%arg13 : memref<80x128xbf16, #tpu.memory_space<vmem>>) target(%dma_start3A_99 : memref<80x128xbf16, #tpu.memory_space<vmem_shared>>) target_semaphore(%run_scoped3A : memref<!tpu.dma_semaphore, #tpu.memory_space<semaphore_mem>>)
        %dma_wait3A_100 = arith.constant 0 : i32
        %dma_wait3A_101 = tpu.memref_slice %arg15[%add3A_95, %dma_wait3A_100] : memref<10000x128xbf16, #tpu.memory_space<vmem_shared>> -> memref<80x128xbf16, #tpu.memory_space<vmem_shared>>
        %dma_wait3A_102 = arith.constant 0 : i32
        %dma_wait3A_103 = tpu.memref_slice %arg15[%add3A_95, %dma_wait3A_102] : memref<10000x128xbf16, #tpu.memory_space<vmem_shared>> -> memref<80x128xbf16, #tpu.memory_space<vmem_shared>>
        tpu.wait_dma2 semaphore(%run_scoped3A : memref<!tpu.dma_semaphore, #tpu.memory_space<semaphore_mem>>) src(%arg13 : memref<80x128xbf16, #tpu.memory_space<vmem>>) dst(%dma_wait3A_103 : memref<80x128xbf16, #tpu.memory_space<vmem_shared>>)
        tpu.yield
      }) : () -> ()
      "tpu.region"() ({
        %run_scoped3A = tpu.sem_alloc : memref<!tpu.dma_semaphore, #tpu.memory_space<semaphore_mem>>
        %dma_start3A_96 = arith.constant 0 : i32
        %dma_start3A_97 = tpu.memref_slice %arg16[%mul3A_0, %dma_start3A_96] : memref<10000x16xf32, #tpu.memory_space<vmem_shared>> -> memref<400x16xf32, #tpu.memory_space<vmem_shared>>
        %dma_start3A_98 = arith.constant 0 : i32
        %dma_start3A_99 = arith.constant 0 : i32
        %dma_start3A_100 = tpu.memref_slice %arg6[%dma_start3A_98, %dma_start3A_99] : memref<640x16xf32, #tpu.memory_space<hbm>> -> memref<400x16xf32, #tpu.memory_space<hbm>>
        tpu.enqueue_dma source(%dma_start3A_100 : memref<400x16xf32, #tpu.memory_space<hbm>>) target(%dma_start3A_97 : memref<400x16xf32, #tpu.memory_space<vmem_shared>>) target_semaphore(%run_scoped3A : memref<!tpu.dma_semaphore, #tpu.memory_space<semaphore_mem>>)
        %dma_wait3A_101 = arith.constant 0 : i32
        %dma_wait3A_102 = tpu.memref_slice %arg16[%mul3A_0, %dma_wait3A_101] : memref<10000x16xf32, #tpu.memory_space<vmem_shared>> -> memref<400x16xf32, #tpu.memory_space<vmem_shared>>
        %dma_wait3A_103 = arith.constant 0 : i32
        %dma_wait3A_104 = arith.constant 0 : i32
        %dma_wait3A_105 = tpu.memref_slice %arg6[%dma_wait3A_103, %dma_wait3A_104] : memref<640x16xf32, #tpu.memory_space<hbm>> -> memref<400x16xf32, #tpu.memory_space<hbm>>
        tpu.wait_dma2 semaphore(%run_scoped3A : memref<!tpu.dma_semaphore, #tpu.memory_space<semaphore_mem>>) src(%dma_wait3A_105 : memref<400x16xf32, #tpu.memory_space<hbm>>) dst(%dma_wait3A_102 : memref<400x16xf32, #tpu.memory_space<vmem_shared>>)
        tpu.yield
      }) : () -> ()
    } else {
    }
    %barrier3A = arith.constant 0 : index
    tpu.barrier barrier_id(%barrier3A)
    %dma_start3A = arith.constant 0 : i32
    %dma_start3A_7 = arith.constant 0 : i32
    %dma_start3A_8 = arith.constant 0 : i32
    %dma_start3A_9 = arith.constant 0 : i32
    %dma_start3A_10 = tpu.memref_slice %arg12[%dma_start3A_7, %dma_start3A_8, %dma_start3A_9] : memref<5x80x128xbf16, #tpu.memory_space<vmem>> -> memref<1x80x128xbf16, #tpu.memory_space<vmem>>
    %dma_start3A_11 = tpu.memref_squeeze %dma_start3A_10 : memref<1x80x128xbf16, #tpu.memory_space<vmem>> -> memref<80x128xbf16, #tpu.memory_space<vmem>>
    %dma_start3A_12 = arith.constant 0 : i32
    %dma_start3A_13 = tpu.memref_slice %arg10[%dma_start3A, %dma_start3A_12] : memref<125x80xi32, #tpu.memory_space<vmem>> -> memref<1x80xi32, #tpu.memory_space<vmem>>
    %dma_start3A_14 = tpu.memref_squeeze %dma_start3A_13 : memref<1x80xi32, #tpu.memory_space<vmem>> -> memref<80xi32, #tpu.memory_space<vmem>>
    %dma_start3A_15 = arith.constant 0 : i32
    %dma_start3A_16 = arith.constant 0 : i32
    %dma_start3A_17 = tpu.memref_slice %arg2[%dma_start3A_15, %dma_start3A_16] : memref<10000x128xbf16, #tpu.memory_space<hbm>> -> memref<10000x128xbf16, #tpu.memory_space<hbm>>
    tpu.enqueue_indirect_dma source(%dma_start3A_17 : memref<10000x128xbf16, #tpu.memory_space<hbm>>) target(%dma_start3A_11 : memref<80x128xbf16, #tpu.memory_space<vmem>>) offsets(%dma_start3A_14 : memref<80xi32, #tpu.memory_space<vmem>>) semaphore(%arg17 : memref<!tpu.dma_semaphore, #tpu.memory_space<semaphore_mem>>)
    %dma_start3A_18 = arith.constant 1 : i32
    %dma_start3A_19 = arith.constant 1 : i32
    %dma_start3A_20 = arith.constant 0 : i32
    %dma_start3A_21 = arith.constant 0 : i32
    %dma_start3A_22 = tpu.memref_slice %arg12[%dma_start3A_19, %dma_start3A_20, %dma_start3A_21] : memref<5x80x128xbf16, #tpu.memory_space<vmem>> -> memref<1x80x128xbf16, #tpu.memory_space<vmem>>
    %dma_start3A_23 = tpu.memref_squeeze %dma_start3A_22 : memref<1x80x128xbf16, #tpu.memory_space<vmem>> -> memref<80x128xbf16, #tpu.memory_space<vmem>>
    %dma_start3A_24 = arith.constant 0 : i32
    %dma_start3A_25 = tpu.memref_slice %arg10[%dma_start3A_18, %dma_start3A_24] : memref<125x80xi32, #tpu.memory_space<vmem>> -> memref<1x80xi32, #tpu.memory_space<vmem>>
    %dma_start3A_26 = tpu.memref_squeeze %dma_start3A_25 : memref<1x80xi32, #tpu.memory_space<vmem>> -> memref<80xi32, #tpu.memory_space<vmem>>
    %dma_start3A_27 = arith.constant 0 : i32
    %dma_start3A_28 = arith.constant 0 : i32
    %dma_start3A_29 = tpu.memref_slice %arg2[%dma_start3A_27, %dma_start3A_28] : memref<10000x128xbf16, #tpu.memory_space<hbm>> -> memref<10000x128xbf16, #tpu.memory_space<hbm>>
    tpu.enqueue_indirect_dma source(%dma_start3A_29 : memref<10000x128xbf16, #tpu.memory_space<hbm>>) target(%dma_start3A_23 : memref<80x128xbf16, #tpu.memory_space<vmem>>) offsets(%dma_start3A_26 : memref<80xi32, #tpu.memory_space<vmem>>) semaphore(%arg17 : memref<!tpu.dma_semaphore, #tpu.memory_space<semaphore_mem>>)
    %dma_start3A_30 = arith.constant 2 : i32
    %dma_start3A_31 = arith.constant 2 : i32
    %dma_start3A_32 = arith.constant 0 : i32
    %dma_start3A_33 = arith.constant 0 : i32
    %dma_start3A_34 = tpu.memref_slice %arg12[%dma_start3A_31, %dma_start3A_32, %dma_start3A_33] : memref<5x80x128xbf16, #tpu.memory_space<vmem>> -> memref<1x80x128xbf16, #tpu.memory_space<vmem>>
    %dma_start3A_35 = tpu.memref_squeeze %dma_start3A_34 : memref<1x80x128xbf16, #tpu.memory_space<vmem>> -> memref<80x128xbf16, #tpu.memory_space<vmem>>
    %dma_start3A_36 = arith.constant 0 : i32
    %dma_start3A_37 = tpu.memref_slice %arg10[%dma_start3A_30, %dma_start3A_36] : memref<125x80xi32, #tpu.memory_space<vmem>> -> memref<1x80xi32, #tpu.memory_space<vmem>>
    %dma_start3A_38 = tpu.memref_squeeze %dma_start3A_37 : memref<1x80xi32, #tpu.memory_space<vmem>> -> memref<80xi32, #tpu.memory_space<vmem>>
    %dma_start3A_39 = arith.constant 0 : i32
    %dma_start3A_40 = arith.constant 0 : i32
    %dma_start3A_41 = tpu.memref_slice %arg2[%dma_start3A_39, %dma_start3A_40] : memref<10000x128xbf16, #tpu.memory_space<hbm>> -> memref<10000x128xbf16, #tpu.memory_space<hbm>>
    tpu.enqueue_indirect_dma source(%dma_start3A_41 : memref<10000x128xbf16, #tpu.memory_space<hbm>>) target(%dma_start3A_35 : memref<80x128xbf16, #tpu.memory_space<vmem>>) offsets(%dma_start3A_38 : memref<80xi32, #tpu.memory_space<vmem>>) semaphore(%arg17 : memref<!tpu.dma_semaphore, #tpu.memory_space<semaphore_mem>>)
    %dma_start3A_42 = arith.constant 3 : i32
    %dma_start3A_43 = arith.constant 3 : i32
    %dma_start3A_44 = arith.constant 0 : i32
    %dma_start3A_45 = arith.constant 0 : i32
    %dma_start3A_46 = tpu.memref_slice %arg12[%dma_start3A_43, %dma_start3A_44, %dma_start3A_45] : memref<5x80x128xbf16, #tpu.memory_space<vmem>> -> memref<1x80x128xbf16, #tpu.memory_space<vmem>>
    %dma_start3A_47 = tpu.memref_squeeze %dma_start3A_46 : memref<1x80x128xbf16, #tpu.memory_space<vmem>> -> memref<80x128xbf16, #tpu.memory_space<vmem>>
    %dma_start3A_48 = arith.constant 0 : i32
    %dma_start3A_49 = tpu.memref_slice %arg10[%dma_start3A_42, %dma_start3A_48] : memref<125x80xi32, #tpu.memory_space<vmem>> -> memref<1x80xi32, #tpu.memory_space<vmem>>
    %dma_start3A_50 = tpu.memref_squeeze %dma_start3A_49 : memref<1x80xi32, #tpu.memory_space<vmem>> -> memref<80xi32, #tpu.memory_space<vmem>>
    %dma_start3A_51 = arith.constant 0 : i32
    %dma_start3A_52 = arith.constant 0 : i32
    %dma_start3A_53 = tpu.memref_slice %arg2[%dma_start3A_51, %dma_start3A_52] : memref<10000x128xbf16, #tpu.memory_space<hbm>> -> memref<10000x128xbf16, #tpu.memory_space<hbm>>
    tpu.enqueue_indirect_dma source(%dma_start3A_53 : memref<10000x128xbf16, #tpu.memory_space<hbm>>) target(%dma_start3A_47 : memref<80x128xbf16, #tpu.memory_space<vmem>>) offsets(%dma_start3A_50 : memref<80xi32, #tpu.memory_space<vmem>>) semaphore(%arg17 : memref<!tpu.dma_semaphore, #tpu.memory_space<semaphore_mem>>)
    %scan3A = arith.constant 0 : i32
    %scan3A_54 = arith.constant 0 : i32
    %scan3A_55 = arith.constant 25 : i32
    %scan3A_56 = arith.addi %scan3A_54, %scan3A_55 : i32
    %scan3A_57 = arith.constant 1 : i32
    scf.for %scan3A_87 = %scan3A_54 to %scan3A_56 step %scan3A_57  : i32 {
      %mul3A_88 = arith.constant 5 : i32
      %mul3A_89 = arith.muli %scan3A_87, %mul3A_88 : i32
      %add3A = arith.constant 0 : i32
      %add3A_90 = arith.addi %mul3A_89, %add3A : i32
      %dma_wait3A_91 = arith.constant 0 : i32
      %dma_wait3A_92 = arith.constant 0 : i32
      %dma_wait3A_93 = arith.constant 0 : i32
      %dma_wait3A_94 = tpu.memref_slice %arg12[%dma_wait3A_91, %dma_wait3A_92, %dma_wait3A_93] : memref<5x80x128xbf16, #tpu.memory_space<vmem>> -> memref<1x80x128xbf16, #tpu.memory_space<vmem>>
      %dma_wait3A_95 = tpu.memref_squeeze %dma_wait3A_94 : memref<1x80x128xbf16, #tpu.memory_space<vmem>> -> memref<80x128xbf16, #tpu.memory_space<vmem>>
      %dma_wait3A_96 = arith.constant 0 : i32
      %dma_wait3A_97 = tpu.memref_slice %arg10[%add3A_90, %dma_wait3A_96] : memref<125x80xi32, #tpu.memory_space<vmem>> -> memref<1x80xi32, #tpu.memory_space<vmem>>
      %dma_wait3A_98 = tpu.memref_squeeze %dma_wait3A_97 : memref<1x80xi32, #tpu.memory_space<vmem>> -> memref<80xi32, #tpu.memory_space<vmem>>
      %dma_wait3A_99 = arith.constant 0 : i32
      %dma_wait3A_100 = arith.constant 0 : i32
      %dma_wait3A_101 = tpu.memref_slice %arg2[%dma_wait3A_99, %dma_wait3A_100] : memref<10000x128xbf16, #tpu.memory_space<hbm>> -> memref<10000x128xbf16, #tpu.memory_space<hbm>>
      tpu.wait_indirect_dma semaphore(%arg17 : memref<!tpu.dma_semaphore, #tpu.memory_space<semaphore_mem>>) src(%dma_wait3A_101 : memref<10000x128xbf16, #tpu.memory_space<hbm>>) dst(%dma_wait3A_95 : memref<80x128xbf16, #tpu.memory_space<vmem>>)
      %dma_start3A_102 = arith.constant 0 : i32
      %dma_start3A_103 = arith.constant 0 : i32
      %dma_start3A_104 = arith.constant 0 : i32
      %dma_start3A_105 = tpu.memref_slice %arg12[%dma_start3A_102, %dma_start3A_103, %dma_start3A_104] : memref<5x80x128xbf16, #tpu.memory_space<vmem>> -> memref<1x80x128xbf16, #tpu.memory_space<vmem>>
      %dma_start3A_106 = tpu.memref_squeeze %dma_start3A_105 : memref<1x80x128xbf16, #tpu.memory_space<vmem>> -> memref<80x128xbf16, #tpu.memory_space<vmem>>
      %dma_start3A_107 = arith.constant 0 : i32
      %dma_start3A_108 = tpu.memref_slice %arg11[%add3A_90, %dma_start3A_107] : memref<125x80xi32, #tpu.memory_space<vmem>> -> memref<1x80xi32, #tpu.memory_space<vmem>>
      %dma_start3A_109 = tpu.memref_squeeze %dma_start3A_108 : memref<1x80xi32, #tpu.memory_space<vmem>> -> memref<80xi32, #tpu.memory_space<vmem>>
      %dma_start3A_110 = arith.constant 0 : i32
      %dma_start3A_111 = arith.constant 0 : i32
      %dma_start3A_112 = tpu.memref_slice %arg15[%dma_start3A_110, %dma_start3A_111] : memref<10000x128xbf16, #tpu.memory_space<vmem_shared>> -> memref<10000x128xbf16, #tpu.memory_space<vmem_shared>>
      tpu.enqueue_indirect_dma source(%dma_start3A_106 : memref<80x128xbf16, #tpu.memory_space<vmem>>) target(%dma_start3A_112 : memref<10000x128xbf16, #tpu.memory_space<vmem_shared>>) offsets(%dma_start3A_109 : memref<80xi32, #tpu.memory_space<vmem>>) semaphore(%arg18 : memref<!tpu.dma_semaphore, #tpu.memory_space<semaphore_mem>>) {add = true}
      %dma_start3A_113 = arith.constant 0 : i32
      %dma_start3A_114 = tpu.memref_slice %arg11[%add3A_90, %dma_start3A_113] : memref<125x80xi32, #tpu.memory_space<vmem>> -> memref<1x80xi32, #tpu.memory_space<vmem>>
      %dma_start3A_115 = tpu.memref_squeeze %dma_start3A_114 : memref<1x80xi32, #tpu.memory_space<vmem>> -> memref<80xi32, #tpu.memory_space<vmem>>
      %dma_start3A_116 = arith.constant 0 : i32
      %dma_start3A_117 = arith.constant 0 : i32
      %dma_start3A_118 = tpu.memref_slice %arg16[%dma_start3A_116, %dma_start3A_117] : memref<10000x16xf32, #tpu.memory_space<vmem_shared>> -> memref<10000x16xf32, #tpu.memory_space<vmem_shared>>
      tpu.enqueue_indirect_dma source(%arg14 : memref<80x16xf32, #tpu.memory_space<vmem>>) target(%dma_start3A_118 : memref<10000x16xf32, #tpu.memory_space<vmem_shared>>) offsets(%dma_start3A_115 : memref<80xi32, #tpu.memory_space<vmem>>) semaphore(%arg19 : memref<!tpu.dma_semaphore, #tpu.memory_space<semaphore_mem>>) {add = true}
      %ge3A = arith.constant 1 : i32
      %ge3A_119 = arith.cmpi sge, %add3A_90, %ge3A : i32
      %convert_element_type3A_120 = arith.extui %ge3A_119 : i1 to i32
      %cond3A_121 = arith.constant 0 : i32
      %cond3A_122 = arith.cmpi ne, %convert_element_type3A_120, %cond3A_121 : i32
      scf.if %cond3A_122 {
        %sub3A = arith.constant 1 : i32
        %sub3A_306 = arith.subi %add3A_90, %sub3A : i32
        %dma_wait3A_307 = arith.constant 4 : i32
        %dma_wait3A_308 = arith.constant 0 : i32
        %dma_wait3A_309 = arith.constant 0 : i32
        %dma_wait3A_310 = tpu.memref_slice %arg12[%dma_wait3A_307, %dma_wait3A_308, %dma_wait3A_309] : memref<5x80x128xbf16, #tpu.memory_space<vmem>> -> memref<1x80x128xbf16, #tpu.memory_space<vmem>>
        %dma_wait3A_311 = tpu.memref_squeeze %dma_wait3A_310 : memref<1x80x128xbf16, #tpu.memory_space<vmem>> -> memref<80x128xbf16, #tpu.memory_space<vmem>>
        %dma_wait3A_312 = arith.constant 0 : i32
        %dma_wait3A_313 = tpu.memref_slice %arg11[%sub3A_306, %dma_wait3A_312] : memref<125x80xi32, #tpu.memory_space<vmem>> -> memref<1x80xi32, #tpu.memory_space<vmem>>
        %dma_wait3A_314 = tpu.memref_squeeze %dma_wait3A_313 : memref<1x80xi32, #tpu.memory_space<vmem>> -> memref<80xi32, #tpu.memory_space<vmem>>
        %dma_wait3A_315 = arith.constant 0 : i32
        %dma_wait3A_316 = arith.constant 0 : i32
        %dma_wait3A_317 = tpu.memref_slice %arg15[%dma_wait3A_315, %dma_wait3A_316] : memref<10000x128xbf16, #tpu.memory_space<vmem_shared>> -> memref<10000x128xbf16, #tpu.memory_space<vmem_shared>>
        tpu.wait_indirect_dma semaphore(%arg18 : memref<!tpu.dma_semaphore, #tpu.memory_space<semaphore_mem>>) src(%dma_wait3A_311 : memref<80x128xbf16, #tpu.memory_space<vmem>>) dst(%dma_wait3A_317 : memref<10000x128xbf16, #tpu.memory_space<vmem_shared>>)
      } else {
      }
      %add3A_123 = arith.constant 4 : i32
      %add3A_124 = arith.addi %add3A_90, %add3A_123 : i32
      %lt3A_125 = arith.constant 125 : i32
      %lt3A_126 = arith.cmpi slt, %add3A_124, %lt3A_125 : i32
      %convert_element_type3A_127 = arith.extui %lt3A_126 : i1 to i32
      %cond3A_128 = arith.constant 0 : i32
      %cond3A_129 = arith.cmpi ne, %convert_element_type3A_127, %cond3A_128 : i32
      scf.if %cond3A_129 {
        %add3A_306 = arith.constant 4 : i32
        %add3A_307 = arith.addi %add3A_90, %add3A_306 : i32
        %dma_start3A_308 = arith.constant 4 : i32
        %dma_start3A_309 = arith.constant 0 : i32
        %dma_start3A_310 = arith.constant 0 : i32
        %dma_start3A_311 = tpu.memref_slice %arg12[%dma_start3A_308, %dma_start3A_309, %dma_start3A_310] : memref<5x80x128xbf16, #tpu.memory_space<vmem>> -> memref<1x80x128xbf16, #tpu.memory_space<vmem>>
        %dma_start3A_312 = tpu.memref_squeeze %dma_start3A_311 : memref<1x80x128xbf16, #tpu.memory_space<vmem>> -> memref<80x128xbf16, #tpu.memory_space<vmem>>
        %dma_start3A_313 = arith.constant 0 : i32
        %dma_start3A_314 = tpu.memref_slice %arg10[%add3A_307, %dma_start3A_313] : memref<125x80xi32, #tpu.memory_space<vmem>> -> memref<1x80xi32, #tpu.memory_space<vmem>>
        %dma_start3A_315 = tpu.memref_squeeze %dma_start3A_314 : memref<1x80xi32, #tpu.memory_space<vmem>> -> memref<80xi32, #tpu.memory_space<vmem>>
        %dma_start3A_316 = arith.constant 0 : i32
        %dma_start3A_317 = arith.constant 0 : i32
        %dma_start3A_318 = tpu.memref_slice %arg2[%dma_start3A_316, %dma_start3A_317] : memref<10000x128xbf16, #tpu.memory_space<hbm>> -> memref<10000x128xbf16, #tpu.memory_space<hbm>>
        tpu.enqueue_indirect_dma source(%dma_start3A_318 : memref<10000x128xbf16, #tpu.memory_space<hbm>>) target(%dma_start3A_312 : memref<80x128xbf16, #tpu.memory_space<vmem>>) offsets(%dma_start3A_315 : memref<80xi32, #tpu.memory_space<vmem>>) semaphore(%arg17 : memref<!tpu.dma_semaphore, #tpu.memory_space<semaphore_mem>>)
      } else {
      }
      %mul3A_130 = arith.constant 5 : i32
      %mul3A_131 = arith.muli %scan3A_87, %mul3A_130 : i32
      %add3A_132 = arith.constant 1 : i32
      %add3A_133 = arith.addi %mul3A_131, %add3A_132 : i32
      %dma_wait3A_134 = arith.constant 1 : i32
      %dma_wait3A_135 = arith.constant 0 : i32
      %dma_wait3A_136 = arith.constant 0 : i32
      %dma_wait3A_137 = tpu.memref_slice %arg12[%dma_wait3A_134, %dma_wait3A_135, %dma_wait3A_136] : memref<5x80x128xbf16, #tpu.memory_space<vmem>> -> memref<1x80x128xbf16, #tpu.memory_space<vmem>>
      %dma_wait3A_138 = tpu.memref_squeeze %dma_wait3A_137 : memref<1x80x128xbf16, #tpu.memory_space<vmem>> -> memref<80x128xbf16, #tpu.memory_space<vmem>>
      %dma_wait3A_139 = arith.constant 0 : i32
      %dma_wait3A_140 = tpu.memref_slice %arg10[%add3A_133, %dma_wait3A_139] : memref<125x80xi32, #tpu.memory_space<vmem>> -> memref<1x80xi32, #tpu.memory_space<vmem>>
      %dma_wait3A_141 = tpu.memref_squeeze %dma_wait3A_140 : memref<1x80xi32, #tpu.memory_space<vmem>> -> memref<80xi32, #tpu.memory_space<vmem>>
      %dma_wait3A_142 = arith.constant 0 : i32
      %dma_wait3A_143 = arith.constant 0 : i32
      %dma_wait3A_144 = tpu.memref_slice %arg2[%dma_wait3A_142, %dma_wait3A_143] : memref<10000x128xbf16, #tpu.memory_space<hbm>> -> memref<10000x128xbf16, #tpu.memory_space<hbm>>
      tpu.wait_indirect_dma semaphore(%arg17 : memref<!tpu.dma_semaphore, #tpu.memory_space<semaphore_mem>>) src(%dma_wait3A_144 : memref<10000x128xbf16, #tpu.memory_space<hbm>>) dst(%dma_wait3A_138 : memref<80x128xbf16, #tpu.memory_space<vmem>>)
      %dma_start3A_145 = arith.constant 1 : i32
      %dma_start3A_146 = arith.constant 0 : i32
      %dma_start3A_147 = arith.constant 0 : i32
      %dma_start3A_148 = tpu.memref_slice %arg12[%dma_start3A_145, %dma_start3A_146, %dma_start3A_147] : memref<5x80x128xbf16, #tpu.memory_space<vmem>> -> memref<1x80x128xbf16, #tpu.memory_space<vmem>>
      %dma_start3A_149 = tpu.memref_squeeze %dma_start3A_148 : memref<1x80x128xbf16, #tpu.memory_space<vmem>> -> memref<80x128xbf16, #tpu.memory_space<vmem>>
      %dma_start3A_150 = arith.constant 0 : i32
      %dma_start3A_151 = tpu.memref_slice %arg11[%add3A_133, %dma_start3A_150] : memref<125x80xi32, #tpu.memory_space<vmem>> -> memref<1x80xi32, #tpu.memory_space<vmem>>
      %dma_start3A_152 = tpu.memref_squeeze %dma_start3A_151 : memref<1x80xi32, #tpu.memory_space<vmem>> -> memref<80xi32, #tpu.memory_space<vmem>>
      %dma_start3A_153 = arith.constant 0 : i32
      %dma_start3A_154 = arith.constant 0 : i32
      %dma_start3A_155 = tpu.memref_slice %arg15[%dma_start3A_153, %dma_start3A_154] : memref<10000x128xbf16, #tpu.memory_space<vmem_shared>> -> memref<10000x128xbf16, #tpu.memory_space<vmem_shared>>
      tpu.enqueue_indirect_dma source(%dma_start3A_149 : memref<80x128xbf16, #tpu.memory_space<vmem>>) target(%dma_start3A_155 : memref<10000x128xbf16, #tpu.memory_space<vmem_shared>>) offsets(%dma_start3A_152 : memref<80xi32, #tpu.memory_space<vmem>>) semaphore(%arg18 : memref<!tpu.dma_semaphore, #tpu.memory_space<semaphore_mem>>) {add = true}
      %dma_start3A_156 = arith.constant 0 : i32
      %dma_start3A_157 = tpu.memref_slice %arg11[%add3A_133, %dma_start3A_156] : memref<125x80xi32, #tpu.memory_space<vmem>> -> memref<1x80xi32, #tpu.memory_space<vmem>>
      %dma_start3A_158 = tpu.memref_squeeze %dma_start3A_157 : memref<1x80xi32, #tpu.memory_space<vmem>> -> memref<80xi32, #tpu.memory_space<vmem>>
      %dma_start3A_159 = arith.constant 0 : i32
      %dma_start3A_160 = arith.constant 0 : i32
      %dma_start3A_161 = tpu.memref_slice %arg16[%dma_start3A_159, %dma_start3A_160] : memref<10000x16xf32, #tpu.memory_space<vmem_shared>> -> memref<10000x16xf32, #tpu.memory_space<vmem_shared>>
      tpu.enqueue_indirect_dma source(%arg14 : memref<80x16xf32, #tpu.memory_space<vmem>>) target(%dma_start3A_161 : memref<10000x16xf32, #tpu.memory_space<vmem_shared>>) offsets(%dma_start3A_158 : memref<80xi32, #tpu.memory_space<vmem>>) semaphore(%arg19 : memref<!tpu.dma_semaphore, #tpu.memory_space<semaphore_mem>>) {add = true}
      %ge3A_162 = arith.constant 1 : i32
      %ge3A_163 = arith.cmpi sge, %add3A_133, %ge3A_162 : i32
      %convert_element_type3A_164 = arith.extui %ge3A_163 : i1 to i32
      %cond3A_165 = arith.constant 0 : i32
      %cond3A_166 = arith.cmpi ne, %convert_element_type3A_164, %cond3A_165 : i32
      scf.if %cond3A_166 {
        %sub3A = arith.constant 1 : i32
        %sub3A_306 = arith.subi %add3A_133, %sub3A : i32
        %dma_wait3A_307 = arith.constant 0 : i32
        %dma_wait3A_308 = arith.constant 0 : i32
        %dma_wait3A_309 = arith.constant 0 : i32
        %dma_wait3A_310 = tpu.memref_slice %arg12[%dma_wait3A_307, %dma_wait3A_308, %dma_wait3A_309] : memref<5x80x128xbf16, #tpu.memory_space<vmem>> -> memref<1x80x128xbf16, #tpu.memory_space<vmem>>
        %dma_wait3A_311 = tpu.memref_squeeze %dma_wait3A_310 : memref<1x80x128xbf16, #tpu.memory_space<vmem>> -> memref<80x128xbf16, #tpu.memory_space<vmem>>
        %dma_wait3A_312 = arith.constant 0 : i32
        %dma_wait3A_313 = tpu.memref_slice %arg11[%sub3A_306, %dma_wait3A_312] : memref<125x80xi32, #tpu.memory_space<vmem>> -> memref<1x80xi32, #tpu.memory_space<vmem>>
        %dma_wait3A_314 = tpu.memref_squeeze %dma_wait3A_313 : memref<1x80xi32, #tpu.memory_space<vmem>> -> memref<80xi32, #tpu.memory_space<vmem>>
        %dma_wait3A_315 = arith.constant 0 : i32
        %dma_wait3A_316 = arith.constant 0 : i32
        %dma_wait3A_317 = tpu.memref_slice %arg15[%dma_wait3A_315, %dma_wait3A_316] : memref<10000x128xbf16, #tpu.memory_space<vmem_shared>> -> memref<10000x128xbf16, #tpu.memory_space<vmem_shared>>
        tpu.wait_indirect_dma semaphore(%arg18 : memref<!tpu.dma_semaphore, #tpu.memory_space<semaphore_mem>>) src(%dma_wait3A_311 : memref<80x128xbf16, #tpu.memory_space<vmem>>) dst(%dma_wait3A_317 : memref<10000x128xbf16, #tpu.memory_space<vmem_shared>>)
      } else {
      }
      %add3A_167 = arith.constant 4 : i32
      %add3A_168 = arith.addi %add3A_133, %add3A_167 : i32
      %lt3A_169 = arith.constant 125 : i32
      %lt3A_170 = arith.cmpi slt, %add3A_168, %lt3A_169 : i32
      %convert_element_type3A_171 = arith.extui %lt3A_170 : i1 to i32
      %cond3A_172 = arith.constant 0 : i32
      %cond3A_173 = arith.cmpi ne, %convert_element_type3A_171, %cond3A_172 : i32
      scf.if %cond3A_173 {
        %add3A_306 = arith.constant 4 : i32
        %add3A_307 = arith.addi %add3A_133, %add3A_306 : i32
        %dma_start3A_308 = arith.constant 0 : i32
        %dma_start3A_309 = arith.constant 0 : i32
        %dma_start3A_310 = arith.constant 0 : i32
        %dma_start3A_311 = tpu.memref_slice %arg12[%dma_start3A_308, %dma_start3A_309, %dma_start3A_310] : memref<5x80x128xbf16, #tpu.memory_space<vmem>> -> memref<1x80x128xbf16, #tpu.memory_space<vmem>>
        %dma_start3A_312 = tpu.memref_squeeze %dma_start3A_311 : memref<1x80x128xbf16, #tpu.memory_space<vmem>> -> memref<80x128xbf16, #tpu.memory_space<vmem>>
        %dma_start3A_313 = arith.constant 0 : i32
        %dma_start3A_314 = tpu.memref_slice %arg10[%add3A_307, %dma_start3A_313] : memref<125x80xi32, #tpu.memory_space<vmem>> -> memref<1x80xi32, #tpu.memory_space<vmem>>
        %dma_start3A_315 = tpu.memref_squeeze %dma_start3A_314 : memref<1x80xi32, #tpu.memory_space<vmem>> -> memref<80xi32, #tpu.memory_space<vmem>>
        %dma_start3A_316 = arith.constant 0 : i32
        %dma_start3A_317 = arith.constant 0 : i32
        %dma_start3A_318 = tpu.memref_slice %arg2[%dma_start3A_316, %dma_start3A_317] : memref<10000x128xbf16, #tpu.memory_space<hbm>> -> memref<10000x128xbf16, #tpu.memory_space<hbm>>
        tpu.enqueue_indirect_dma source(%dma_start3A_318 : memref<10000x128xbf16, #tpu.memory_space<hbm>>) target(%dma_start3A_312 : memref<80x128xbf16, #tpu.memory_space<vmem>>) offsets(%dma_start3A_315 : memref<80xi32, #tpu.memory_space<vmem>>) semaphore(%arg17 : memref<!tpu.dma_semaphore, #tpu.memory_space<semaphore_mem>>)
      } else {
      }
      %mul3A_174 = arith.constant 5 : i32
      %mul3A_175 = arith.muli %scan3A_87, %mul3A_174 : i32
      %add3A_176 = arith.constant 2 : i32
      %add3A_177 = arith.addi %mul3A_175, %add3A_176 : i32
      %dma_wait3A_178 = arith.constant 2 : i32
      %dma_wait3A_179 = arith.constant 0 : i32
      %dma_wait3A_180 = arith.constant 0 : i32
      %dma_wait3A_181 = tpu.memref_slice %arg12[%dma_wait3A_178, %dma_wait3A_179, %dma_wait3A_180] : memref<5x80x128xbf16, #tpu.memory_space<vmem>> -> memref<1x80x128xbf16, #tpu.memory_space<vmem>>
      %dma_wait3A_182 = tpu.memref_squeeze %dma_wait3A_181 : memref<1x80x128xbf16, #tpu.memory_space<vmem>> -> memref<80x128xbf16, #tpu.memory_space<vmem>>
      %dma_wait3A_183 = arith.constant 0 : i32
      %dma_wait3A_184 = tpu.memref_slice %arg10[%add3A_177, %dma_wait3A_183] : memref<125x80xi32, #tpu.memory_space<vmem>> -> memref<1x80xi32, #tpu.memory_space<vmem>>
      %dma_wait3A_185 = tpu.memref_squeeze %dma_wait3A_184 : memref<1x80xi32, #tpu.memory_space<vmem>> -> memref<80xi32, #tpu.memory_space<vmem>>
      %dma_wait3A_186 = arith.constant 0 : i32
      %dma_wait3A_187 = arith.constant 0 : i32
      %dma_wait3A_188 = tpu.memref_slice %arg2[%dma_wait3A_186, %dma_wait3A_187] : memref<10000x128xbf16, #tpu.memory_space<hbm>> -> memref<10000x128xbf16, #tpu.memory_space<hbm>>
      tpu.wait_indirect_dma semaphore(%arg17 : memref<!tpu.dma_semaphore, #tpu.memory_space<semaphore_mem>>) src(%dma_wait3A_188 : memref<10000x128xbf16, #tpu.memory_space<hbm>>) dst(%dma_wait3A_182 : memref<80x128xbf16, #tpu.memory_space<vmem>>)
      %dma_start3A_189 = arith.constant 2 : i32
      %dma_start3A_190 = arith.constant 0 : i32
      %dma_start3A_191 = arith.constant 0 : i32
      %dma_start3A_192 = tpu.memref_slice %arg12[%dma_start3A_189, %dma_start3A_190, %dma_start3A_191] : memref<5x80x128xbf16, #tpu.memory_space<vmem>> -> memref<1x80x128xbf16, #tpu.memory_space<vmem>>
      %dma_start3A_193 = tpu.memref_squeeze %dma_start3A_192 : memref<1x80x128xbf16, #tpu.memory_space<vmem>> -> memref<80x128xbf16, #tpu.memory_space<vmem>>
      %dma_start3A_194 = arith.constant 0 : i32
      %dma_start3A_195 = tpu.memref_slice %arg11[%add3A_177, %dma_start3A_194] : memref<125x80xi32, #tpu.memory_space<vmem>> -> memref<1x80xi32, #tpu.memory_space<vmem>>
      %dma_start3A_196 = tpu.memref_squeeze %dma_start3A_195 : memref<1x80xi32, #tpu.memory_space<vmem>> -> memref<80xi32, #tpu.memory_space<vmem>>
      %dma_start3A_197 = arith.constant 0 : i32
      %dma_start3A_198 = arith.constant 0 : i32
      %dma_start3A_199 = tpu.memref_slice %arg15[%dma_start3A_197, %dma_start3A_198] : memref<10000x128xbf16, #tpu.memory_space<vmem_shared>> -> memref<10000x128xbf16, #tpu.memory_space<vmem_shared>>
      tpu.enqueue_indirect_dma source(%dma_start3A_193 : memref<80x128xbf16, #tpu.memory_space<vmem>>) target(%dma_start3A_199 : memref<10000x128xbf16, #tpu.memory_space<vmem_shared>>) offsets(%dma_start3A_196 : memref<80xi32, #tpu.memory_space<vmem>>) semaphore(%arg18 : memref<!tpu.dma_semaphore, #tpu.memory_space<semaphore_mem>>) {add = true}
      %dma_start3A_200 = arith.constant 0 : i32
      %dma_start3A_201 = tpu.memref_slice %arg11[%add3A_177, %dma_start3A_200] : memref<125x80xi32, #tpu.memory_space<vmem>> -> memref<1x80xi32, #tpu.memory_space<vmem>>
      %dma_start3A_202 = tpu.memref_squeeze %dma_start3A_201 : memref<1x80xi32, #tpu.memory_space<vmem>> -> memref<80xi32, #tpu.memory_space<vmem>>
      %dma_start3A_203 = arith.constant 0 : i32
      %dma_start3A_204 = arith.constant 0 : i32
      %dma_start3A_205 = tpu.memref_slice %arg16[%dma_start3A_203, %dma_start3A_204] : memref<10000x16xf32, #tpu.memory_space<vmem_shared>> -> memref<10000x16xf32, #tpu.memory_space<vmem_shared>>
      tpu.enqueue_indirect_dma source(%arg14 : memref<80x16xf32, #tpu.memory_space<vmem>>) target(%dma_start3A_205 : memref<10000x16xf32, #tpu.memory_space<vmem_shared>>) offsets(%dma_start3A_202 : memref<80xi32, #tpu.memory_space<vmem>>) semaphore(%arg19 : memref<!tpu.dma_semaphore, #tpu.memory_space<semaphore_mem>>) {add = true}
      %ge3A_206 = arith.constant 1 : i32
      %ge3A_207 = arith.cmpi sge, %add3A_177, %ge3A_206 : i32
      %convert_element_type3A_208 = arith.extui %ge3A_207 : i1 to i32
      %cond3A_209 = arith.constant 0 : i32
      %cond3A_210 = arith.cmpi ne, %convert_element_type3A_208, %cond3A_209 : i32
      scf.if %cond3A_210 {
        %sub3A = arith.constant 1 : i32
        %sub3A_306 = arith.subi %add3A_177, %sub3A : i32
        %dma_wait3A_307 = arith.constant 1 : i32
        %dma_wait3A_308 = arith.constant 0 : i32
        %dma_wait3A_309 = arith.constant 0 : i32
        %dma_wait3A_310 = tpu.memref_slice %arg12[%dma_wait3A_307, %dma_wait3A_308, %dma_wait3A_309] : memref<5x80x128xbf16, #tpu.memory_space<vmem>> -> memref<1x80x128xbf16, #tpu.memory_space<vmem>>
        %dma_wait3A_311 = tpu.memref_squeeze %dma_wait3A_310 : memref<1x80x128xbf16, #tpu.memory_space<vmem>> -> memref<80x128xbf16, #tpu.memory_space<vmem>>
        %dma_wait3A_312 = arith.constant 0 : i32
        %dma_wait3A_313 = tpu.memref_slice %arg11[%sub3A_306, %dma_wait3A_312] : memref<125x80xi32, #tpu.memory_space<vmem>> -> memref<1x80xi32, #tpu.memory_space<vmem>>
        %dma_wait3A_314 = tpu.memref_squeeze %dma_wait3A_313 : memref<1x80xi32, #tpu.memory_space<vmem>> -> memref<80xi32, #tpu.memory_space<vmem>>
        %dma_wait3A_315 = arith.constant 0 : i32
        %dma_wait3A_316 = arith.constant 0 : i32
        %dma_wait3A_317 = tpu.memref_slice %arg15[%dma_wait3A_315, %dma_wait3A_316] : memref<10000x128xbf16, #tpu.memory_space<vmem_shared>> -> memref<10000x128xbf16, #tpu.memory_space<vmem_shared>>
        tpu.wait_indirect_dma semaphore(%arg18 : memref<!tpu.dma_semaphore, #tpu.memory_space<semaphore_mem>>) src(%dma_wait3A_311 : memref<80x128xbf16, #tpu.memory_space<vmem>>) dst(%dma_wait3A_317 : memref<10000x128xbf16, #tpu.memory_space<vmem_shared>>)
      } else {
      }
      %add3A_211 = arith.constant 4 : i32
      %add3A_212 = arith.addi %add3A_177, %add3A_211 : i32
      %lt3A_213 = arith.constant 125 : i32
      %lt3A_214 = arith.cmpi slt, %add3A_212, %lt3A_213 : i32
      %convert_element_type3A_215 = arith.extui %lt3A_214 : i1 to i32
      %cond3A_216 = arith.constant 0 : i32
      %cond3A_217 = arith.cmpi ne, %convert_element_type3A_215, %cond3A_216 : i32
      scf.if %cond3A_217 {
        %add3A_306 = arith.constant 4 : i32
        %add3A_307 = arith.addi %add3A_177, %add3A_306 : i32
        %dma_start3A_308 = arith.constant 1 : i32
        %dma_start3A_309 = arith.constant 0 : i32
        %dma_start3A_310 = arith.constant 0 : i32
        %dma_start3A_311 = tpu.memref_slice %arg12[%dma_start3A_308, %dma_start3A_309, %dma_start3A_310] : memref<5x80x128xbf16, #tpu.memory_space<vmem>> -> memref<1x80x128xbf16, #tpu.memory_space<vmem>>
        %dma_start3A_312 = tpu.memref_squeeze %dma_start3A_311 : memref<1x80x128xbf16, #tpu.memory_space<vmem>> -> memref<80x128xbf16, #tpu.memory_space<vmem>>
        %dma_start3A_313 = arith.constant 0 : i32
        %dma_start3A_314 = tpu.memref_slice %arg10[%add3A_307, %dma_start3A_313] : memref<125x80xi32, #tpu.memory_space<vmem>> -> memref<1x80xi32, #tpu.memory_space<vmem>>
        %dma_start3A_315 = tpu.memref_squeeze %dma_start3A_314 : memref<1x80xi32, #tpu.memory_space<vmem>> -> memref<80xi32, #tpu.memory_space<vmem>>
        %dma_start3A_316 = arith.constant 0 : i32
        %dma_start3A_317 = arith.constant 0 : i32
        %dma_start3A_318 = tpu.memref_slice %arg2[%dma_start3A_316, %dma_start3A_317] : memref<10000x128xbf16, #tpu.memory_space<hbm>> -> memref<10000x128xbf16, #tpu.memory_space<hbm>>
        tpu.enqueue_indirect_dma source(%dma_start3A_318 : memref<10000x128xbf16, #tpu.memory_space<hbm>>) target(%dma_start3A_312 : memref<80x128xbf16, #tpu.memory_space<vmem>>) offsets(%dma_start3A_315 : memref<80xi32, #tpu.memory_space<vmem>>) semaphore(%arg17 : memref<!tpu.dma_semaphore, #tpu.memory_space<semaphore_mem>>)
      } else {
      }
      %mul3A_218 = arith.constant 5 : i32
      %mul3A_219 = arith.muli %scan3A_87, %mul3A_218 : i32
      %add3A_220 = arith.constant 3 : i32
      %add3A_221 = arith.addi %mul3A_219, %add3A_220 : i32
      %dma_wait3A_222 = arith.constant 3 : i32
      %dma_wait3A_223 = arith.constant 0 : i32
      %dma_wait3A_224 = arith.constant 0 : i32
      %dma_wait3A_225 = tpu.memref_slice %arg12[%dma_wait3A_222, %dma_wait3A_223, %dma_wait3A_224] : memref<5x80x128xbf16, #tpu.memory_space<vmem>> -> memref<1x80x128xbf16, #tpu.memory_space<vmem>>
      %dma_wait3A_226 = tpu.memref_squeeze %dma_wait3A_225 : memref<1x80x128xbf16, #tpu.memory_space<vmem>> -> memref<80x128xbf16, #tpu.memory_space<vmem>>
      %dma_wait3A_227 = arith.constant 0 : i32
      %dma_wait3A_228 = tpu.memref_slice %arg10[%add3A_221, %dma_wait3A_227] : memref<125x80xi32, #tpu.memory_space<vmem>> -> memref<1x80xi32, #tpu.memory_space<vmem>>
      %dma_wait3A_229 = tpu.memref_squeeze %dma_wait3A_228 : memref<1x80xi32, #tpu.memory_space<vmem>> -> memref<80xi32, #tpu.memory_space<vmem>>
      %dma_wait3A_230 = arith.constant 0 : i32
      %dma_wait3A_231 = arith.constant 0 : i32
      %dma_wait3A_232 = tpu.memref_slice %arg2[%dma_wait3A_230, %dma_wait3A_231] : memref<10000x128xbf16, #tpu.memory_space<hbm>> -> memref<10000x128xbf16, #tpu.memory_space<hbm>>
      tpu.wait_indirect_dma semaphore(%arg17 : memref<!tpu.dma_semaphore, #tpu.memory_space<semaphore_mem>>) src(%dma_wait3A_232 : memref<10000x128xbf16, #tpu.memory_space<hbm>>) dst(%dma_wait3A_226 : memref<80x128xbf16, #tpu.memory_space<vmem>>)
      %dma_start3A_233 = arith.constant 3 : i32
      %dma_start3A_234 = arith.constant 0 : i32
      %dma_start3A_235 = arith.constant 0 : i32
      %dma_start3A_236 = tpu.memref_slice %arg12[%dma_start3A_233, %dma_start3A_234, %dma_start3A_235] : memref<5x80x128xbf16, #tpu.memory_space<vmem>> -> memref<1x80x128xbf16, #tpu.memory_space<vmem>>
      %dma_start3A_237 = tpu.memref_squeeze %dma_start3A_236 : memref<1x80x128xbf16, #tpu.memory_space<vmem>> -> memref<80x128xbf16, #tpu.memory_space<vmem>>
      %dma_start3A_238 = arith.constant 0 : i32
      %dma_start3A_239 = tpu.memref_slice %arg11[%add3A_221, %dma_start3A_238] : memref<125x80xi32, #tpu.memory_space<vmem>> -> memref<1x80xi32, #tpu.memory_space<vmem>>
      %dma_start3A_240 = tpu.memref_squeeze %dma_start3A_239 : memref<1x80xi32, #tpu.memory_space<vmem>> -> memref<80xi32, #tpu.memory_space<vmem>>
      %dma_start3A_241 = arith.constant 0 : i32
      %dma_start3A_242 = arith.constant 0 : i32
      %dma_start3A_243 = tpu.memref_slice %arg15[%dma_start3A_241, %dma_start3A_242] : memref<10000x128xbf16, #tpu.memory_space<vmem_shared>> -> memref<10000x128xbf16, #tpu.memory_space<vmem_shared>>
      tpu.enqueue_indirect_dma source(%dma_start3A_237 : memref<80x128xbf16, #tpu.memory_space<vmem>>) target(%dma_start3A_243 : memref<10000x128xbf16, #tpu.memory_space<vmem_shared>>) offsets(%dma_start3A_240 : memref<80xi32, #tpu.memory_space<vmem>>) semaphore(%arg18 : memref<!tpu.dma_semaphore, #tpu.memory_space<semaphore_mem>>) {add = true}
      %dma_start3A_244 = arith.constant 0 : i32
      %dma_start3A_245 = tpu.memref_slice %arg11[%add3A_221, %dma_start3A_244] : memref<125x80xi32, #tpu.memory_space<vmem>> -> memref<1x80xi32, #tpu.memory_space<vmem>>
      %dma_start3A_246 = tpu.memref_squeeze %dma_start3A_245 : memref<1x80xi32, #tpu.memory_space<vmem>> -> memref<80xi32, #tpu.memory_space<vmem>>
      %dma_start3A_247 = arith.constant 0 : i32
      %dma_start3A_248 = arith.constant 0 : i32
      %dma_start3A_249 = tpu.memref_slice %arg16[%dma_start3A_247, %dma_start3A_248] : memref<10000x16xf32, #tpu.memory_space<vmem_shared>> -> memref<10000x16xf32, #tpu.memory_space<vmem_shared>>
      tpu.enqueue_indirect_dma source(%arg14 : memref<80x16xf32, #tpu.memory_space<vmem>>) target(%dma_start3A_249 : memref<10000x16xf32, #tpu.memory_space<vmem_shared>>) offsets(%dma_start3A_246 : memref<80xi32, #tpu.memory_space<vmem>>) semaphore(%arg19 : memref<!tpu.dma_semaphore, #tpu.memory_space<semaphore_mem>>) {add = true}
      %ge3A_250 = arith.constant 1 : i32
      %ge3A_251 = arith.cmpi sge, %add3A_221, %ge3A_250 : i32
      %convert_element_type3A_252 = arith.extui %ge3A_251 : i1 to i32
      %cond3A_253 = arith.constant 0 : i32
      %cond3A_254 = arith.cmpi ne, %convert_element_type3A_252, %cond3A_253 : i32
      scf.if %cond3A_254 {
        %sub3A = arith.constant 1 : i32
        %sub3A_306 = arith.subi %add3A_221, %sub3A : i32
        %dma_wait3A_307 = arith.constant 2 : i32
        %dma_wait3A_308 = arith.constant 0 : i32
        %dma_wait3A_309 = arith.constant 0 : i32
        %dma_wait3A_310 = tpu.memref_slice %arg12[%dma_wait3A_307, %dma_wait3A_308, %dma_wait3A_309] : memref<5x80x128xbf16, #tpu.memory_space<vmem>> -> memref<1x80x128xbf16, #tpu.memory_space<vmem>>
        %dma_wait3A_311 = tpu.memref_squeeze %dma_wait3A_310 : memref<1x80x128xbf16, #tpu.memory_space<vmem>> -> memref<80x128xbf16, #tpu.memory_space<vmem>>
        %dma_wait3A_312 = arith.constant 0 : i32
        %dma_wait3A_313 = tpu.memref_slice %arg11[%sub3A_306, %dma_wait3A_312] : memref<125x80xi32, #tpu.memory_space<vmem>> -> memref<1x80xi32, #tpu.memory_space<vmem>>
        %dma_wait3A_314 = tpu.memref_squeeze %dma_wait3A_313 : memref<1x80xi32, #tpu.memory_space<vmem>> -> memref<80xi32, #tpu.memory_space<vmem>>
        %dma_wait3A_315 = arith.constant 0 : i32
        %dma_wait3A_316 = arith.constant 0 : i32
        %dma_wait3A_317 = tpu.memref_slice %arg15[%dma_wait3A_315, %dma_wait3A_316] : memref<10000x128xbf16, #tpu.memory_space<vmem_shared>> -> memref<10000x128xbf16, #tpu.memory_space<vmem_shared>>
        tpu.wait_indirect_dma semaphore(%arg18 : memref<!tpu.dma_semaphore, #tpu.memory_space<semaphore_mem>>) src(%dma_wait3A_311 : memref<80x128xbf16, #tpu.memory_space<vmem>>) dst(%dma_wait3A_317 : memref<10000x128xbf16, #tpu.memory_space<vmem_shared>>)
      } else {
      }
      %add3A_255 = arith.constant 4 : i32
      %add3A_256 = arith.addi %add3A_221, %add3A_255 : i32
      %lt3A_257 = arith.constant 125 : i32
      %lt3A_258 = arith.cmpi slt, %add3A_256, %lt3A_257 : i32
      %convert_element_type3A_259 = arith.extui %lt3A_258 : i1 to i32
      %cond3A_260 = arith.constant 0 : i32
      %cond3A_261 = arith.cmpi ne, %convert_element_type3A_259, %cond3A_260 : i32
      scf.if %cond3A_261 {
        %add3A_306 = arith.constant 4 : i32
        %add3A_307 = arith.addi %add3A_221, %add3A_306 : i32
        %dma_start3A_308 = arith.constant 2 : i32
        %dma_start3A_309 = arith.constant 0 : i32
        %dma_start3A_310 = arith.constant 0 : i32
        %dma_start3A_311 = tpu.memref_slice %arg12[%dma_start3A_308, %dma_start3A_309, %dma_start3A_310] : memref<5x80x128xbf16, #tpu.memory_space<vmem>> -> memref<1x80x128xbf16, #tpu.memory_space<vmem>>
        %dma_start3A_312 = tpu.memref_squeeze %dma_start3A_311 : memref<1x80x128xbf16, #tpu.memory_space<vmem>> -> memref<80x128xbf16, #tpu.memory_space<vmem>>
        %dma_start3A_313 = arith.constant 0 : i32
        %dma_start3A_314 = tpu.memref_slice %arg10[%add3A_307, %dma_start3A_313] : memref<125x80xi32, #tpu.memory_space<vmem>> -> memref<1x80xi32, #tpu.memory_space<vmem>>
        %dma_start3A_315 = tpu.memref_squeeze %dma_start3A_314 : memref<1x80xi32, #tpu.memory_space<vmem>> -> memref<80xi32, #tpu.memory_space<vmem>>
        %dma_start3A_316 = arith.constant 0 : i32
        %dma_start3A_317 = arith.constant 0 : i32
        %dma_start3A_318 = tpu.memref_slice %arg2[%dma_start3A_316, %dma_start3A_317] : memref<10000x128xbf16, #tpu.memory_space<hbm>> -> memref<10000x128xbf16, #tpu.memory_space<hbm>>
        tpu.enqueue_indirect_dma source(%dma_start3A_318 : memref<10000x128xbf16, #tpu.memory_space<hbm>>) target(%dma_start3A_312 : memref<80x128xbf16, #tpu.memory_space<vmem>>) offsets(%dma_start3A_315 : memref<80xi32, #tpu.memory_space<vmem>>) semaphore(%arg17 : memref<!tpu.dma_semaphore, #tpu.memory_space<semaphore_mem>>)
      } else {
      }
      %mul3A_262 = arith.constant 5 : i32
      %mul3A_263 = arith.muli %scan3A_87, %mul3A_262 : i32
      %add3A_264 = arith.constant 4 : i32
      %add3A_265 = arith.addi %mul3A_263, %add3A_264 : i32
      %dma_wait3A_266 = arith.constant 4 : i32
      %dma_wait3A_267 = arith.constant 0 : i32
      %dma_wait3A_268 = arith.constant 0 : i32
      %dma_wait3A_269 = tpu.memref_slice %arg12[%dma_wait3A_266, %dma_wait3A_267, %dma_wait3A_268] : memref<5x80x128xbf16, #tpu.memory_space<vmem>> -> memref<1x80x128xbf16, #tpu.memory_space<vmem>>
      %dma_wait3A_270 = tpu.memref_squeeze %dma_wait3A_269 : memref<1x80x128xbf16, #tpu.memory_space<vmem>> -> memref<80x128xbf16, #tpu.memory_space<vmem>>
      %dma_wait3A_271 = arith.constant 0 : i32
      %dma_wait3A_272 = tpu.memref_slice %arg10[%add3A_265, %dma_wait3A_271] : memref<125x80xi32, #tpu.memory_space<vmem>> -> memref<1x80xi32, #tpu.memory_space<vmem>>
      %dma_wait3A_273 = tpu.memref_squeeze %dma_wait3A_272 : memref<1x80xi32, #tpu.memory_space<vmem>> -> memref<80xi32, #tpu.memory_space<vmem>>
      %dma_wait3A_274 = arith.constant 0 : i32
      %dma_wait3A_275 = arith.constant 0 : i32
      %dma_wait3A_276 = tpu.memref_slice %arg2[%dma_wait3A_274, %dma_wait3A_275] : memref<10000x128xbf16, #tpu.memory_space<hbm>> -> memref<10000x128xbf16, #tpu.memory_space<hbm>>
      tpu.wait_indirect_dma semaphore(%arg17 : memref<!tpu.dma_semaphore, #tpu.memory_space<semaphore_mem>>) src(%dma_wait3A_276 : memref<10000x128xbf16, #tpu.memory_space<hbm>>) dst(%dma_wait3A_270 : memref<80x128xbf16, #tpu.memory_space<vmem>>)
      %dma_start3A_277 = arith.constant 4 : i32
      %dma_start3A_278 = arith.constant 0 : i32
      %dma_start3A_279 = arith.constant 0 : i32
      %dma_start3A_280 = tpu.memref_slice %arg12[%dma_start3A_277, %dma_start3A_278, %dma_start3A_279] : memref<5x80x128xbf16, #tpu.memory_space<vmem>> -> memref<1x80x128xbf16, #tpu.memory_space<vmem>>
      %dma_start3A_281 = tpu.memref_squeeze %dma_start3A_280 : memref<1x80x128xbf16, #tpu.memory_space<vmem>> -> memref<80x128xbf16, #tpu.memory_space<vmem>>
      %dma_start3A_282 = arith.constant 0 : i32
      %dma_start3A_283 = tpu.memref_slice %arg11[%add3A_265, %dma_start3A_282] : memref<125x80xi32, #tpu.memory_space<vmem>> -> memref<1x80xi32, #tpu.memory_space<vmem>>
      %dma_start3A_284 = tpu.memref_squeeze %dma_start3A_283 : memref<1x80xi32, #tpu.memory_space<vmem>> -> memref<80xi32, #tpu.memory_space<vmem>>
      %dma_start3A_285 = arith.constant 0 : i32
      %dma_start3A_286 = arith.constant 0 : i32
      %dma_start3A_287 = tpu.memref_slice %arg15[%dma_start3A_285, %dma_start3A_286] : memref<10000x128xbf16, #tpu.memory_space<vmem_shared>> -> memref<10000x128xbf16, #tpu.memory_space<vmem_shared>>
      tpu.enqueue_indirect_dma source(%dma_start3A_281 : memref<80x128xbf16, #tpu.memory_space<vmem>>) target(%dma_start3A_287 : memref<10000x128xbf16, #tpu.memory_space<vmem_shared>>) offsets(%dma_start3A_284 : memref<80xi32, #tpu.memory_space<vmem>>) semaphore(%arg18 : memref<!tpu.dma_semaphore, #tpu.memory_space<semaphore_mem>>) {add = true}
      %dma_start3A_288 = arith.constant 0 : i32
      %dma_start3A_289 = tpu.memref_slice %arg11[%add3A_265, %dma_start3A_288] : memref<125x80xi32, #tpu.memory_space<vmem>> -> memref<1x80xi32, #tpu.memory_space<vmem>>
      %dma_start3A_290 = tpu.memref_squeeze %dma_start3A_289 : memref<1x80xi32, #tpu.memory_space<vmem>> -> memref<80xi32, #tpu.memory_space<vmem>>
      %dma_start3A_291 = arith.constant 0 : i32
      %dma_start3A_292 = arith.constant 0 : i32
      %dma_start3A_293 = tpu.memref_slice %arg16[%dma_start3A_291, %dma_start3A_292] : memref<10000x16xf32, #tpu.memory_space<vmem_shared>> -> memref<10000x16xf32, #tpu.memory_space<vmem_shared>>
      tpu.enqueue_indirect_dma source(%arg14 : memref<80x16xf32, #tpu.memory_space<vmem>>) target(%dma_start3A_293 : memref<10000x16xf32, #tpu.memory_space<vmem_shared>>) offsets(%dma_start3A_290 : memref<80xi32, #tpu.memory_space<vmem>>) semaphore(%arg19 : memref<!tpu.dma_semaphore, #tpu.memory_space<semaphore_mem>>) {add = true}
      %ge3A_294 = arith.constant 1 : i32
      %ge3A_295 = arith.cmpi sge, %add3A_265, %ge3A_294 : i32
      %convert_element_type3A_296 = arith.extui %ge3A_295 : i1 to i32
      %cond3A_297 = arith.constant 0 : i32
      %cond3A_298 = arith.cmpi ne, %convert_element_type3A_296, %cond3A_297 : i32
      scf.if %cond3A_298 {
        %sub3A = arith.constant 1 : i32
        %sub3A_306 = arith.subi %add3A_265, %sub3A : i32
        %dma_wait3A_307 = arith.constant 3 : i32
        %dma_wait3A_308 = arith.constant 0 : i32
        %dma_wait3A_309 = arith.constant 0 : i32
        %dma_wait3A_310 = tpu.memref_slice %arg12[%dma_wait3A_307, %dma_wait3A_308, %dma_wait3A_309] : memref<5x80x128xbf16, #tpu.memory_space<vmem>> -> memref<1x80x128xbf16, #tpu.memory_space<vmem>>
        %dma_wait3A_311 = tpu.memref_squeeze %dma_wait3A_310 : memref<1x80x128xbf16, #tpu.memory_space<vmem>> -> memref<80x128xbf16, #tpu.memory_space<vmem>>
        %dma_wait3A_312 = arith.constant 0 : i32
        %dma_wait3A_313 = tpu.memref_slice %arg11[%sub3A_306, %dma_wait3A_312] : memref<125x80xi32, #tpu.memory_space<vmem>> -> memref<1x80xi32, #tpu.memory_space<vmem>>
        %dma_wait3A_314 = tpu.memref_squeeze %dma_wait3A_313 : memref<1x80xi32, #tpu.memory_space<vmem>> -> memref<80xi32, #tpu.memory_space<vmem>>
        %dma_wait3A_315 = arith.constant 0 : i32
        %dma_wait3A_316 = arith.constant 0 : i32
        %dma_wait3A_317 = tpu.memref_slice %arg15[%dma_wait3A_315, %dma_wait3A_316] : memref<10000x128xbf16, #tpu.memory_space<vmem_shared>> -> memref<10000x128xbf16, #tpu.memory_space<vmem_shared>>
        tpu.wait_indirect_dma semaphore(%arg18 : memref<!tpu.dma_semaphore, #tpu.memory_space<semaphore_mem>>) src(%dma_wait3A_311 : memref<80x128xbf16, #tpu.memory_space<vmem>>) dst(%dma_wait3A_317 : memref<10000x128xbf16, #tpu.memory_space<vmem_shared>>)
      } else {
      }
      %add3A_299 = arith.constant 4 : i32
      %add3A_300 = arith.addi %add3A_265, %add3A_299 : i32
      %lt3A_301 = arith.constant 125 : i32
      %lt3A_302 = arith.cmpi slt, %add3A_300, %lt3A_301 : i32
      %convert_element_type3A_303 = arith.extui %lt3A_302 : i1 to i32
      %cond3A_304 = arith.constant 0 : i32
      %cond3A_305 = arith.cmpi ne, %convert_element_type3A_303, %cond3A_304 : i32
      scf.if %cond3A_305 {
        %add3A_306 = arith.constant 4 : i32
        %add3A_307 = arith.addi %add3A_265, %add3A_306 : i32
        %dma_start3A_308 = arith.constant 3 : i32
        %dma_start3A_309 = arith.constant 0 : i32
        %dma_start3A_310 = arith.constant 0 : i32
        %dma_start3A_311 = tpu.memref_slice %arg12[%dma_start3A_308, %dma_start3A_309, %dma_start3A_310] : memref<5x80x128xbf16, #tpu.memory_space<vmem>> -> memref<1x80x128xbf16, #tpu.memory_space<vmem>>
        %dma_start3A_312 = tpu.memref_squeeze %dma_start3A_311 : memref<1x80x128xbf16, #tpu.memory_space<vmem>> -> memref<80x128xbf16, #tpu.memory_space<vmem>>
        %dma_start3A_313 = arith.constant 0 : i32
        %dma_start3A_314 = tpu.memref_slice %arg10[%add3A_307, %dma_start3A_313] : memref<125x80xi32, #tpu.memory_space<vmem>> -> memref<1x80xi32, #tpu.memory_space<vmem>>
        %dma_start3A_315 = tpu.memref_squeeze %dma_start3A_314 : memref<1x80xi32, #tpu.memory_space<vmem>> -> memref<80xi32, #tpu.memory_space<vmem>>
        %dma_start3A_316 = arith.constant 0 : i32
        %dma_start3A_317 = arith.constant 0 : i32
        %dma_start3A_318 = tpu.memref_slice %arg2[%dma_start3A_316, %dma_start3A_317] : memref<10000x128xbf16, #tpu.memory_space<hbm>> -> memref<10000x128xbf16, #tpu.memory_space<hbm>>
        tpu.enqueue_indirect_dma source(%dma_start3A_318 : memref<10000x128xbf16, #tpu.memory_space<hbm>>) target(%dma_start3A_312 : memref<80x128xbf16, #tpu.memory_space<vmem>>) offsets(%dma_start3A_315 : memref<80xi32, #tpu.memory_space<vmem>>) semaphore(%arg17 : memref<!tpu.dma_semaphore, #tpu.memory_space<semaphore_mem>>)
      } else {
      }
    }
    %scan3A_58 = arith.constant 25 : i32
    %dma_wait3A = arith.constant 4 : i32
    %dma_wait3A_59 = arith.constant 124 : i32
    %dma_wait3A_60 = arith.constant 0 : i32
    %dma_wait3A_61 = arith.constant 0 : i32
    %dma_wait3A_62 = tpu.memref_slice %arg12[%dma_wait3A, %dma_wait3A_60, %dma_wait3A_61] : memref<5x80x128xbf16, #tpu.memory_space<vmem>> -> memref<1x80x128xbf16, #tpu.memory_space<vmem>>
    %dma_wait3A_63 = tpu.memref_squeeze %dma_wait3A_62 : memref<1x80x128xbf16, #tpu.memory_space<vmem>> -> memref<80x128xbf16, #tpu.memory_space<vmem>>
    %dma_wait3A_64 = arith.constant 0 : i32
    %dma_wait3A_65 = tpu.memref_slice %arg11[%dma_wait3A_59, %dma_wait3A_64] : memref<125x80xi32, #tpu.memory_space<vmem>> -> memref<1x80xi32, #tpu.memory_space<vmem>>
    %dma_wait3A_66 = tpu.memref_squeeze %dma_wait3A_65 : memref<1x80xi32, #tpu.memory_space<vmem>> -> memref<80xi32, #tpu.memory_space<vmem>>
    %dma_wait3A_67 = arith.constant 0 : i32
    %dma_wait3A_68 = arith.constant 0 : i32
    %dma_wait3A_69 = tpu.memref_slice %arg15[%dma_wait3A_67, %dma_wait3A_68] : memref<10000x128xbf16, #tpu.memory_space<vmem_shared>> -> memref<10000x128xbf16, #tpu.memory_space<vmem_shared>>
    tpu.wait_indirect_dma semaphore(%arg18 : memref<!tpu.dma_semaphore, #tpu.memory_space<semaphore_mem>>) src(%dma_wait3A_63 : memref<80x128xbf16, #tpu.memory_space<vmem>>) dst(%dma_wait3A_69 : memref<10000x128xbf16, #tpu.memory_space<vmem_shared>>)
    %scan3A_70 = arith.constant 0 : i32
    %scan3A_71 = arith.constant 0 : i32
    %scan3A_72 = arith.constant 125 : i32
    %scan3A_73 = arith.addi %scan3A_71, %scan3A_72 : i32
    %scan3A_74 = arith.constant 1 : i32
    scf.for %scan3A_87 = %scan3A_71 to %scan3A_73 step %scan3A_74  : i32 {
      %dma_wait3A_88 = arith.constant 0 : i32
      %dma_wait3A_89 = tpu.memref_slice %arg11[%scan3A_87, %dma_wait3A_88] : memref<125x80xi32, #tpu.memory_space<vmem>> -> memref<1x80xi32, #tpu.memory_space<vmem>>
      %dma_wait3A_90 = tpu.memref_squeeze %dma_wait3A_89 : memref<1x80xi32, #tpu.memory_space<vmem>> -> memref<80xi32, #tpu.memory_space<vmem>>
      %dma_wait3A_91 = arith.constant 0 : i32
      %dma_wait3A_92 = arith.constant 0 : i32
      %dma_wait3A_93 = tpu.memref_slice %arg16[%dma_wait3A_91, %dma_wait3A_92] : memref<10000x16xf32, #tpu.memory_space<vmem_shared>> -> memref<10000x16xf32, #tpu.memory_space<vmem_shared>>
      tpu.wait_indirect_dma semaphore(%arg19 : memref<!tpu.dma_semaphore, #tpu.memory_space<semaphore_mem>>) src(%arg14 : memref<80x16xf32, #tpu.memory_space<vmem>>) dst(%dma_wait3A_93 : memref<10000x16xf32, #tpu.memory_space<vmem_shared>>)
    }
    %scan3A_75 = arith.constant 125 : i32
    %barrier3A_76 = arith.constant 0 : index
    tpu.barrier barrier_id(%barrier3A_76)
    %lt3A_77 = arith.constant 15 : i32
    %lt3A_78 = arith.cmpi slt, %arg1, %lt3A_77 : i32
    %convert_element_type3A_79 = arith.extui %lt3A_78 : i1 to i32
    %cond3A_80 = arith.constant 0 : i32
    %cond3A_81 = arith.cmpi ne, %convert_element_type3A_79, %cond3A_80 : i32
    scf.if %cond3A_81 {
      "tpu.region"() ({
        %run_scoped3A = tpu.sem_alloc : memref<!tpu.dma_semaphore, #tpu.memory_space<semaphore_mem>>
        %dma_start3A_87 = arith.constant 0 : i32
        %dma_start3A_88 = tpu.memref_slice %arg8[%arg0, %mul3A_0, %dma_start3A_87] : memref<2x10000x128xbf16, #tpu.memory_space<hbm>> -> memref<1x640x128xbf16, #tpu.memory_space<hbm>>
        %dma_start3A_89 = tpu.memref_squeeze %dma_start3A_88 : memref<1x640x128xbf16, #tpu.memory_space<hbm>> -> memref<640x128xbf16, #tpu.memory_space<hbm>>
        %dma_start3A_90 = arith.constant 0 : i32
        %dma_start3A_91 = tpu.memref_slice %arg15[%mul3A_0, %dma_start3A_90] : memref<10000x128xbf16, #tpu.memory_space<vmem_shared>> -> memref<640x128xbf16, #tpu.memory_space<vmem_shared>>
        tpu.enqueue_dma source(%dma_start3A_91 : memref<640x128xbf16, #tpu.memory_space<vmem_shared>>) target(%dma_start3A_89 : memref<640x128xbf16, #tpu.memory_space<hbm>>) target_semaphore(%run_scoped3A : memref<!tpu.dma_semaphore, #tpu.memory_space<semaphore_mem>>)
        %dma_wait3A_92 = arith.constant 0 : i32
        %dma_wait3A_93 = tpu.memref_slice %arg8[%arg0, %mul3A_0, %dma_wait3A_92] : memref<2x10000x128xbf16, #tpu.memory_space<hbm>> -> memref<1x640x128xbf16, #tpu.memory_space<hbm>>
        %dma_wait3A_94 = tpu.memref_squeeze %dma_wait3A_93 : memref<1x640x128xbf16, #tpu.memory_space<hbm>> -> memref<640x128xbf16, #tpu.memory_space<hbm>>
        %dma_wait3A_95 = arith.constant 0 : i32
        %dma_wait3A_96 = tpu.memref_slice %arg15[%mul3A_0, %dma_wait3A_95] : memref<10000x128xbf16, #tpu.memory_space<vmem_shared>> -> memref<640x128xbf16, #tpu.memory_space<vmem_shared>>
        tpu.wait_dma2 semaphore(%run_scoped3A : memref<!tpu.dma_semaphore, #tpu.memory_space<semaphore_mem>>) src(%dma_wait3A_96 : memref<640x128xbf16, #tpu.memory_space<vmem_shared>>) dst(%dma_wait3A_94 : memref<640x128xbf16, #tpu.memory_space<hbm>>)
        tpu.yield
      }) : () -> ()
      "tpu.region"() ({
        %run_scoped3A = tpu.sem_alloc : memref<!tpu.dma_semaphore, #tpu.memory_space<semaphore_mem>>
        %dma_start3A_87 = arith.constant 0 : i32
        %dma_start3A_88 = tpu.memref_slice %arg9[%arg0, %mul3A_0, %dma_start3A_87] : memref<2x10000x16xf32, #tpu.memory_space<hbm>> -> memref<1x640x16xf32, #tpu.memory_space<hbm>>
        %dma_start3A_89 = tpu.memref_squeeze %dma_start3A_88 : memref<1x640x16xf32, #tpu.memory_space<hbm>> -> memref<640x16xf32, #tpu.memory_space<hbm>>
        %dma_start3A_90 = arith.constant 0 : i32
        %dma_start3A_91 = tpu.memref_slice %arg16[%mul3A_0, %dma_start3A_90] : memref<10000x16xf32, #tpu.memory_space<vmem_shared>> -> memref<640x16xf32, #tpu.memory_space<vmem_shared>>
        tpu.enqueue_dma source(%dma_start3A_91 : memref<640x16xf32, #tpu.memory_space<vmem_shared>>) target(%dma_start3A_89 : memref<640x16xf32, #tpu.memory_space<hbm>>) target_semaphore(%run_scoped3A : memref<!tpu.dma_semaphore, #tpu.memory_space<semaphore_mem>>)
        %dma_wait3A_92 = arith.constant 0 : i32
        %dma_wait3A_93 = tpu.memref_slice %arg9[%arg0, %mul3A_0, %dma_wait3A_92] : memref<2x10000x16xf32, #tpu.memory_space<hbm>> -> memref<1x640x16xf32, #tpu.memory_space<hbm>>
        %dma_wait3A_94 = tpu.memref_squeeze %dma_wait3A_93 : memref<1x640x16xf32, #tpu.memory_space<hbm>> -> memref<640x16xf32, #tpu.memory_space<hbm>>
        %dma_wait3A_95 = arith.constant 0 : i32
        %dma_wait3A_96 = tpu.memref_slice %arg16[%mul3A_0, %dma_wait3A_95] : memref<10000x16xf32, #tpu.memory_space<vmem_shared>> -> memref<640x16xf32, #tpu.memory_space<vmem_shared>>
        tpu.wait_dma2 semaphore(%run_scoped3A : memref<!tpu.dma_semaphore, #tpu.memory_space<semaphore_mem>>) src(%dma_wait3A_96 : memref<640x16xf32, #tpu.memory_space<vmem_shared>>) dst(%dma_wait3A_94 : memref<640x16xf32, #tpu.memory_space<hbm>>)
        tpu.yield
      }) : () -> ()
    } else {
    }
    %eq3A_82 = arith.constant 15 : i32
    %eq3A_83 = arith.cmpi eq, %arg1, %eq3A_82 : i32
    %convert_element_type3A_84 = arith.extui %eq3A_83 : i1 to i32
    %cond3A_85 = arith.constant 0 : i32
    %cond3A_86 = arith.cmpi ne, %convert_element_type3A_84, %cond3A_85 : i32
    scf.if %cond3A_86 {
      "tpu.region"() ({
        %run_scoped3A = tpu.sem_alloc : memref<!tpu.dma_semaphore, #tpu.memory_space<semaphore_mem>>
        %dma_start3A_87 = arith.constant 0 : i32
        %dma_start3A_88 = tpu.memref_slice %arg8[%arg0, %mul3A_0, %dma_start3A_87] : memref<2x10000x128xbf16, #tpu.memory_space<hbm>> -> memref<1x400x128xbf16, #tpu.memory_space<hbm>>
        %dma_start3A_89 = tpu.memref_squeeze %dma_start3A_88 : memref<1x400x128xbf16, #tpu.memory_space<hbm>> -> memref<400x128xbf16, #tpu.memory_space<hbm>>
        %dma_start3A_90 = arith.constant 0 : i32
        %dma_start3A_91 = tpu.memref_slice %arg15[%mul3A_0, %dma_start3A_90] : memref<10000x128xbf16, #tpu.memory_space<vmem_shared>> -> memref<400x128xbf16, #tpu.memory_space<vmem_shared>>
        tpu.enqueue_dma source(%dma_start3A_91 : memref<400x128xbf16, #tpu.memory_space<vmem_shared>>) target(%dma_start3A_89 : memref<400x128xbf16, #tpu.memory_space<hbm>>) target_semaphore(%run_scoped3A : memref<!tpu.dma_semaphore, #tpu.memory_space<semaphore_mem>>)
        %dma_wait3A_92 = arith.constant 0 : i32
        %dma_wait3A_93 = tpu.memref_slice %arg8[%arg0, %mul3A_0, %dma_wait3A_92] : memref<2x10000x128xbf16, #tpu.memory_space<hbm>> -> memref<1x400x128xbf16, #tpu.memory_space<hbm>>
        %dma_wait3A_94 = tpu.memref_squeeze %dma_wait3A_93 : memref<1x400x128xbf16, #tpu.memory_space<hbm>> -> memref<400x128xbf16, #tpu.memory_space<hbm>>
        %dma_wait3A_95 = arith.constant 0 : i32
        %dma_wait3A_96 = tpu.memref_slice %arg15[%mul3A_0, %dma_wait3A_95] : memref<10000x128xbf16, #tpu.memory_space<vmem_shared>> -> memref<400x128xbf16, #tpu.memory_space<vmem_shared>>
        tpu.wait_dma2 semaphore(%run_scoped3A : memref<!tpu.dma_semaphore, #tpu.memory_space<semaphore_mem>>) src(%dma_wait3A_96 : memref<400x128xbf16, #tpu.memory_space<vmem_shared>>) dst(%dma_wait3A_94 : memref<400x128xbf16, #tpu.memory_space<hbm>>)
        tpu.yield
      }) : () -> ()
      "tpu.region"() ({
        %run_scoped3A = tpu.sem_alloc : memref<!tpu.dma_semaphore, #tpu.memory_space<semaphore_mem>>
        %dma_start3A_87 = arith.constant 0 : i32
        %dma_start3A_88 = tpu.memref_slice %arg9[%arg0, %mul3A_0, %dma_start3A_87] : memref<2x10000x16xf32, #tpu.memory_space<hbm>> -> memref<1x400x16xf32, #tpu.memory_space<hbm>>
        %dma_start3A_89 = tpu.memref_squeeze %dma_start3A_88 : memref<1x400x16xf32, #tpu.memory_space<hbm>> -> memref<400x16xf32, #tpu.memory_space<hbm>>
        %dma_start3A_90 = arith.constant 0 : i32
        %dma_start3A_91 = tpu.memref_slice %arg16[%mul3A_0, %dma_start3A_90] : memref<10000x16xf32, #tpu.memory_space<vmem_shared>> -> memref<400x16xf32, #tpu.memory_space<vmem_shared>>
        tpu.enqueue_dma source(%dma_start3A_91 : memref<400x16xf32, #tpu.memory_space<vmem_shared>>) target(%dma_start3A_89 : memref<400x16xf32, #tpu.memory_space<hbm>>) target_semaphore(%run_scoped3A : memref<!tpu.dma_semaphore, #tpu.memory_space<semaphore_mem>>)
        %dma_wait3A_92 = arith.constant 0 : i32
        %dma_wait3A_93 = tpu.memref_slice %arg9[%arg0, %mul3A_0, %dma_wait3A_92] : memref<2x10000x16xf32, #tpu.memory_space<hbm>> -> memref<1x400x16xf32, #tpu.memory_space<hbm>>
        %dma_wait3A_94 = tpu.memref_squeeze %dma_wait3A_93 : memref<1x400x16xf32, #tpu.memory_space<hbm>> -> memref<400x16xf32, #tpu.memory_space<hbm>>
        %dma_wait3A_95 = arith.constant 0 : i32
        %dma_wait3A_96 = tpu.memref_slice %arg16[%mul3A_0, %dma_wait3A_95] : memref<10000x16xf32, #tpu.memory_space<vmem_shared>> -> memref<400x16xf32, #tpu.memory_space<vmem_shared>>
        tpu.wait_dma2 semaphore(%run_scoped3A : memref<!tpu.dma_semaphore, #tpu.memory_space<semaphore_mem>>) src(%dma_wait3A_96 : memref<400x16xf32, #tpu.memory_space<vmem_shared>>) dst(%dma_wait3A_94 : memref<400x16xf32, #tpu.memory_space<hbm>>)
        tpu.yield
      }) : () -> ()
    } else {
    }
    return
  }
}

#map = affine_map<(d0, d1) -> (0, 0)>
#map1 = affine_map<(d0, d1) -> (0, 0, 0, 0)>
#map2 = affine_map<(d0, d1) -> (0, 0, 0)>
module attributes {stable_mosaic.version = 14 : i64} {
  func.func @_sc_agg_body(%arg0: i32, %arg1: i32, %arg2: memref<10000x128xbf16, #tpu.memory_space<hbm>>, %arg3: memref<2x16x125x80xi32, #tpu.memory_space<hbm>>, %arg4: memref<2x16x125x80xi32, #tpu.memory_space<hbm>>, %arg5: memref<80x128xbf16, #tpu.memory_space<hbm>>, %arg6: memref<2x10000x128xbf16, #tpu.memory_space<hbm>>, %arg7: memref<125x80xi32, #tpu.memory_space<vmem>>, %arg8: memref<125x80xi32, #tpu.memory_space<vmem>>, %arg9: memref<5x80x128xbf16, #tpu.memory_space<vmem>>, %arg10: memref<80x128xbf16, #tpu.memory_space<vmem>>, %arg11: memref<10000x128xbf16, #tpu.memory_space<vmem_shared>>, %arg12: memref<!tpu.dma_semaphore, #tpu.memory_space<semaphore_mem>>, %arg13: memref<!tpu.dma_semaphore, #tpu.memory_space<semaphore_mem>>, %arg14: memref<!tpu.dma_semaphore, #tpu.memory_space<semaphore_mem>>) attributes {dimension_semantics = [#tpu.dimension_semantics<core_parallel>, #tpu.dimension_semantics<subcore_parallel>], iteration_bounds = array<i64: 2, 16>, scalar_prefetch = 0 : i64, scratch_operands = 8 : i64, tpu.core_type = #tpu.core_type<sc_vector_subcore>, window_params = [{transform_indices = #map}, {transform_indices = #map1}, {transform_indices = #map1}, {transform_indices = #map}, {transform_indices = #map2}]} {
    "tpu.region"() ({
      %run_scoped3A = tpu.sem_alloc : memref<!tpu.dma_semaphore, #tpu.memory_space<semaphore_mem>>
      %dma_start3A_81 = arith.constant 0 : i32
      %dma_start3A_82 = arith.constant 0 : i32
      %dma_start3A_83 = tpu.memref_slice %arg3[%arg0, %arg1, %dma_start3A_81, %dma_start3A_82] : memref<2x16x125x80xi32, #tpu.memory_space<hbm>> -> memref<1x1x125x80xi32, #tpu.memory_space<hbm>>
      %dma_start3A_84 = tpu.memref_squeeze %dma_start3A_83 : memref<1x1x125x80xi32, #tpu.memory_space<hbm>> -> memref<125x80xi32, #tpu.memory_space<hbm>>
      %dma_start3A_85 = arith.constant 0 : i32
      %dma_start3A_86 = arith.constant 0 : i32
      %dma_start3A_87 = tpu.memref_slice %arg3[%arg0, %arg1, %dma_start3A_85, %dma_start3A_86] : memref<2x16x125x80xi32, #tpu.memory_space<hbm>> -> memref<1x1x125x80xi32, #tpu.memory_space<hbm>>
      %dma_start3A_88 = tpu.memref_squeeze %dma_start3A_87 : memref<1x1x125x80xi32, #tpu.memory_space<hbm>> -> memref<125x80xi32, #tpu.memory_space<hbm>>
      tpu.enqueue_dma source(%dma_start3A_88 : memref<125x80xi32, #tpu.memory_space<hbm>>) target(%arg7 : memref<125x80xi32, #tpu.memory_space<vmem>>) target_semaphore(%run_scoped3A : memref<!tpu.dma_semaphore, #tpu.memory_space<semaphore_mem>>)
      %dma_wait3A_89 = arith.constant 0 : i32
      %dma_wait3A_90 = arith.constant 0 : i32
      %dma_wait3A_91 = tpu.memref_slice %arg3[%arg0, %arg1, %dma_wait3A_89, %dma_wait3A_90] : memref<2x16x125x80xi32, #tpu.memory_space<hbm>> -> memref<1x1x125x80xi32, #tpu.memory_space<hbm>>
      %dma_wait3A_92 = tpu.memref_squeeze %dma_wait3A_91 : memref<1x1x125x80xi32, #tpu.memory_space<hbm>> -> memref<125x80xi32, #tpu.memory_space<hbm>>
      %dma_wait3A_93 = arith.constant 0 : i32
      %dma_wait3A_94 = arith.constant 0 : i32
      %dma_wait3A_95 = tpu.memref_slice %arg3[%arg0, %arg1, %dma_wait3A_93, %dma_wait3A_94] : memref<2x16x125x80xi32, #tpu.memory_space<hbm>> -> memref<1x1x125x80xi32, #tpu.memory_space<hbm>>
      %dma_wait3A_96 = tpu.memref_squeeze %dma_wait3A_95 : memref<1x1x125x80xi32, #tpu.memory_space<hbm>> -> memref<125x80xi32, #tpu.memory_space<hbm>>
      tpu.wait_dma2 semaphore(%run_scoped3A : memref<!tpu.dma_semaphore, #tpu.memory_space<semaphore_mem>>) src(%dma_wait3A_96 : memref<125x80xi32, #tpu.memory_space<hbm>>) dst(%arg7 : memref<125x80xi32, #tpu.memory_space<vmem>>)
      tpu.yield
    }) : () -> ()
    "tpu.region"() ({
      %run_scoped3A = tpu.sem_alloc : memref<!tpu.dma_semaphore, #tpu.memory_space<semaphore_mem>>
      %dma_start3A_81 = arith.constant 0 : i32
      %dma_start3A_82 = arith.constant 0 : i32
      %dma_start3A_83 = tpu.memref_slice %arg4[%arg0, %arg1, %dma_start3A_81, %dma_start3A_82] : memref<2x16x125x80xi32, #tpu.memory_space<hbm>> -> memref<1x1x125x80xi32, #tpu.memory_space<hbm>>
      %dma_start3A_84 = tpu.memref_squeeze %dma_start3A_83 : memref<1x1x125x80xi32, #tpu.memory_space<hbm>> -> memref<125x80xi32, #tpu.memory_space<hbm>>
      %dma_start3A_85 = arith.constant 0 : i32
      %dma_start3A_86 = arith.constant 0 : i32
      %dma_start3A_87 = tpu.memref_slice %arg4[%arg0, %arg1, %dma_start3A_85, %dma_start3A_86] : memref<2x16x125x80xi32, #tpu.memory_space<hbm>> -> memref<1x1x125x80xi32, #tpu.memory_space<hbm>>
      %dma_start3A_88 = tpu.memref_squeeze %dma_start3A_87 : memref<1x1x125x80xi32, #tpu.memory_space<hbm>> -> memref<125x80xi32, #tpu.memory_space<hbm>>
      tpu.enqueue_dma source(%dma_start3A_88 : memref<125x80xi32, #tpu.memory_space<hbm>>) target(%arg8 : memref<125x80xi32, #tpu.memory_space<vmem>>) target_semaphore(%run_scoped3A : memref<!tpu.dma_semaphore, #tpu.memory_space<semaphore_mem>>)
      %dma_wait3A_89 = arith.constant 0 : i32
      %dma_wait3A_90 = arith.constant 0 : i32
      %dma_wait3A_91 = tpu.memref_slice %arg4[%arg0, %arg1, %dma_wait3A_89, %dma_wait3A_90] : memref<2x16x125x80xi32, #tpu.memory_space<hbm>> -> memref<1x1x125x80xi32, #tpu.memory_space<hbm>>
      %dma_wait3A_92 = tpu.memref_squeeze %dma_wait3A_91 : memref<1x1x125x80xi32, #tpu.memory_space<hbm>> -> memref<125x80xi32, #tpu.memory_space<hbm>>
      %dma_wait3A_93 = arith.constant 0 : i32
      %dma_wait3A_94 = arith.constant 0 : i32
      %dma_wait3A_95 = tpu.memref_slice %arg4[%arg0, %arg1, %dma_wait3A_93, %dma_wait3A_94] : memref<2x16x125x80xi32, #tpu.memory_space<hbm>> -> memref<1x1x125x80xi32, #tpu.memory_space<hbm>>
      %dma_wait3A_96 = tpu.memref_squeeze %dma_wait3A_95 : memref<1x1x125x80xi32, #tpu.memory_space<hbm>> -> memref<125x80xi32, #tpu.memory_space<hbm>>
      tpu.wait_dma2 semaphore(%run_scoped3A : memref<!tpu.dma_semaphore, #tpu.memory_space<semaphore_mem>>) src(%dma_wait3A_96 : memref<125x80xi32, #tpu.memory_space<hbm>>) dst(%arg8 : memref<125x80xi32, #tpu.memory_space<vmem>>)
      tpu.yield
    }) : () -> ()
    "tpu.region"() ({
      %run_scoped3A = tpu.sem_alloc : memref<!tpu.dma_semaphore, #tpu.memory_space<semaphore_mem>>
      tpu.enqueue_dma source(%arg5 : memref<80x128xbf16, #tpu.memory_space<hbm>>) target(%arg10 : memref<80x128xbf16, #tpu.memory_space<vmem>>) target_semaphore(%run_scoped3A : memref<!tpu.dma_semaphore, #tpu.memory_space<semaphore_mem>>)
      tpu.wait_dma2 semaphore(%run_scoped3A : memref<!tpu.dma_semaphore, #tpu.memory_space<semaphore_mem>>) src(%arg5 : memref<80x128xbf16, #tpu.memory_space<hbm>>) dst(%arg10 : memref<80x128xbf16, #tpu.memory_space<vmem>>)
      tpu.yield
    }) : () -> ()
    %mul3A = arith.constant 640 : i32
    %mul3A_0 = arith.muli %arg1, %mul3A : i32
    %lt3A = arith.constant 15 : i32
    %lt3A_1 = arith.cmpi slt, %arg1, %lt3A : i32
    %convert_element_type3A = arith.extui %lt3A_1 : i1 to i32
    %cond3A = arith.constant 0 : i32
    %cond3A_2 = arith.cmpi ne, %convert_element_type3A, %cond3A : i32
    scf.if %cond3A_2 {
      %add3A = arith.constant 0 : i32
      %add3A_81 = arith.addi %mul3A_0, %add3A : i32
      "tpu.region"() ({
        %run_scoped3A = tpu.sem_alloc : memref<!tpu.dma_semaphore, #tpu.memory_space<semaphore_mem>>
        %dma_start3A_96 = arith.constant 0 : i32
        %dma_start3A_97 = tpu.memref_slice %arg11[%add3A_81, %dma_start3A_96] : memref<10000x128xbf16, #tpu.memory_space<vmem_shared>> -> memref<80x128xbf16, #tpu.memory_space<vmem_shared>>
        %dma_start3A_98 = arith.constant 0 : i32
        %dma_start3A_99 = tpu.memref_slice %arg11[%add3A_81, %dma_start3A_98] : memref<10000x128xbf16, #tpu.memory_space<vmem_shared>> -> memref<80x128xbf16, #tpu.memory_space<vmem_shared>>
        tpu.enqueue_dma source(%arg10 : memref<80x128xbf16, #tpu.memory_space<vmem>>) target(%dma_start3A_99 : memref<80x128xbf16, #tpu.memory_space<vmem_shared>>) target_semaphore(%run_scoped3A : memref<!tpu.dma_semaphore, #tpu.memory_space<semaphore_mem>>)
        %dma_wait3A_100 = arith.constant 0 : i32
        %dma_wait3A_101 = tpu.memref_slice %arg11[%add3A_81, %dma_wait3A_100] : memref<10000x128xbf16, #tpu.memory_space<vmem_shared>> -> memref<80x128xbf16, #tpu.memory_space<vmem_shared>>
        %dma_wait3A_102 = arith.constant 0 : i32
        %dma_wait3A_103 = tpu.memref_slice %arg11[%add3A_81, %dma_wait3A_102] : memref<10000x128xbf16, #tpu.memory_space<vmem_shared>> -> memref<80x128xbf16, #tpu.memory_space<vmem_shared>>
        tpu.wait_dma2 semaphore(%run_scoped3A : memref<!tpu.dma_semaphore, #tpu.memory_space<semaphore_mem>>) src(%arg10 : memref<80x128xbf16, #tpu.memory_space<vmem>>) dst(%dma_wait3A_103 : memref<80x128xbf16, #tpu.memory_space<vmem_shared>>)
        tpu.yield
      }) : () -> ()
      %add3A_82 = arith.constant 80 : i32
      %add3A_83 = arith.addi %mul3A_0, %add3A_82 : i32
      "tpu.region"() ({
        %run_scoped3A = tpu.sem_alloc : memref<!tpu.dma_semaphore, #tpu.memory_space<semaphore_mem>>
        %dma_start3A_96 = arith.constant 0 : i32
        %dma_start3A_97 = tpu.memref_slice %arg11[%add3A_83, %dma_start3A_96] : memref<10000x128xbf16, #tpu.memory_space<vmem_shared>> -> memref<80x128xbf16, #tpu.memory_space<vmem_shared>>
        %dma_start3A_98 = arith.constant 0 : i32
        %dma_start3A_99 = tpu.memref_slice %arg11[%add3A_83, %dma_start3A_98] : memref<10000x128xbf16, #tpu.memory_space<vmem_shared>> -> memref<80x128xbf16, #tpu.memory_space<vmem_shared>>
        tpu.enqueue_dma source(%arg10 : memref<80x128xbf16, #tpu.memory_space<vmem>>) target(%dma_start3A_99 : memref<80x128xbf16, #tpu.memory_space<vmem_shared>>) target_semaphore(%run_scoped3A : memref<!tpu.dma_semaphore, #tpu.memory_space<semaphore_mem>>)
        %dma_wait3A_100 = arith.constant 0 : i32
        %dma_wait3A_101 = tpu.memref_slice %arg11[%add3A_83, %dma_wait3A_100] : memref<10000x128xbf16, #tpu.memory_space<vmem_shared>> -> memref<80x128xbf16, #tpu.memory_space<vmem_shared>>
        %dma_wait3A_102 = arith.constant 0 : i32
        %dma_wait3A_103 = tpu.memref_slice %arg11[%add3A_83, %dma_wait3A_102] : memref<10000x128xbf16, #tpu.memory_space<vmem_shared>> -> memref<80x128xbf16, #tpu.memory_space<vmem_shared>>
        tpu.wait_dma2 semaphore(%run_scoped3A : memref<!tpu.dma_semaphore, #tpu.memory_space<semaphore_mem>>) src(%arg10 : memref<80x128xbf16, #tpu.memory_space<vmem>>) dst(%dma_wait3A_103 : memref<80x128xbf16, #tpu.memory_space<vmem_shared>>)
        tpu.yield
      }) : () -> ()
      %add3A_84 = arith.constant 160 : i32
      %add3A_85 = arith.addi %mul3A_0, %add3A_84 : i32
      "tpu.region"() ({
        %run_scoped3A = tpu.sem_alloc : memref<!tpu.dma_semaphore, #tpu.memory_space<semaphore_mem>>
        %dma_start3A_96 = arith.constant 0 : i32
        %dma_start3A_97 = tpu.memref_slice %arg11[%add3A_85, %dma_start3A_96] : memref<10000x128xbf16, #tpu.memory_space<vmem_shared>> -> memref<80x128xbf16, #tpu.memory_space<vmem_shared>>
        %dma_start3A_98 = arith.constant 0 : i32
        %dma_start3A_99 = tpu.memref_slice %arg11[%add3A_85, %dma_start3A_98] : memref<10000x128xbf16, #tpu.memory_space<vmem_shared>> -> memref<80x128xbf16, #tpu.memory_space<vmem_shared>>
        tpu.enqueue_dma source(%arg10 : memref<80x128xbf16, #tpu.memory_space<vmem>>) target(%dma_start3A_99 : memref<80x128xbf16, #tpu.memory_space<vmem_shared>>) target_semaphore(%run_scoped3A : memref<!tpu.dma_semaphore, #tpu.memory_space<semaphore_mem>>)
        %dma_wait3A_100 = arith.constant 0 : i32
        %dma_wait3A_101 = tpu.memref_slice %arg11[%add3A_85, %dma_wait3A_100] : memref<10000x128xbf16, #tpu.memory_space<vmem_shared>> -> memref<80x128xbf16, #tpu.memory_space<vmem_shared>>
        %dma_wait3A_102 = arith.constant 0 : i32
        %dma_wait3A_103 = tpu.memref_slice %arg11[%add3A_85, %dma_wait3A_102] : memref<10000x128xbf16, #tpu.memory_space<vmem_shared>> -> memref<80x128xbf16, #tpu.memory_space<vmem_shared>>
        tpu.wait_dma2 semaphore(%run_scoped3A : memref<!tpu.dma_semaphore, #tpu.memory_space<semaphore_mem>>) src(%arg10 : memref<80x128xbf16, #tpu.memory_space<vmem>>) dst(%dma_wait3A_103 : memref<80x128xbf16, #tpu.memory_space<vmem_shared>>)
        tpu.yield
      }) : () -> ()
      %add3A_86 = arith.constant 240 : i32
      %add3A_87 = arith.addi %mul3A_0, %add3A_86 : i32
      "tpu.region"() ({
        %run_scoped3A = tpu.sem_alloc : memref<!tpu.dma_semaphore, #tpu.memory_space<semaphore_mem>>
        %dma_start3A_96 = arith.constant 0 : i32
        %dma_start3A_97 = tpu.memref_slice %arg11[%add3A_87, %dma_start3A_96] : memref<10000x128xbf16, #tpu.memory_space<vmem_shared>> -> memref<80x128xbf16, #tpu.memory_space<vmem_shared>>
        %dma_start3A_98 = arith.constant 0 : i32
        %dma_start3A_99 = tpu.memref_slice %arg11[%add3A_87, %dma_start3A_98] : memref<10000x128xbf16, #tpu.memory_space<vmem_shared>> -> memref<80x128xbf16, #tpu.memory_space<vmem_shared>>
        tpu.enqueue_dma source(%arg10 : memref<80x128xbf16, #tpu.memory_space<vmem>>) target(%dma_start3A_99 : memref<80x128xbf16, #tpu.memory_space<vmem_shared>>) target_semaphore(%run_scoped3A : memref<!tpu.dma_semaphore, #tpu.memory_space<semaphore_mem>>)
        %dma_wait3A_100 = arith.constant 0 : i32
        %dma_wait3A_101 = tpu.memref_slice %arg11[%add3A_87, %dma_wait3A_100] : memref<10000x128xbf16, #tpu.memory_space<vmem_shared>> -> memref<80x128xbf16, #tpu.memory_space<vmem_shared>>
        %dma_wait3A_102 = arith.constant 0 : i32
        %dma_wait3A_103 = tpu.memref_slice %arg11[%add3A_87, %dma_wait3A_102] : memref<10000x128xbf16, #tpu.memory_space<vmem_shared>> -> memref<80x128xbf16, #tpu.memory_space<vmem_shared>>
        tpu.wait_dma2 semaphore(%run_scoped3A : memref<!tpu.dma_semaphore, #tpu.memory_space<semaphore_mem>>) src(%arg10 : memref<80x128xbf16, #tpu.memory_space<vmem>>) dst(%dma_wait3A_103 : memref<80x128xbf16, #tpu.memory_space<vmem_shared>>)
        tpu.yield
      }) : () -> ()
      %add3A_88 = arith.constant 320 : i32
      %add3A_89 = arith.addi %mul3A_0, %add3A_88 : i32
      "tpu.region"() ({
        %run_scoped3A = tpu.sem_alloc : memref<!tpu.dma_semaphore, #tpu.memory_space<semaphore_mem>>
        %dma_start3A_96 = arith.constant 0 : i32
        %dma_start3A_97 = tpu.memref_slice %arg11[%add3A_89, %dma_start3A_96] : memref<10000x128xbf16, #tpu.memory_space<vmem_shared>> -> memref<80x128xbf16, #tpu.memory_space<vmem_shared>>
        %dma_start3A_98 = arith.constant 0 : i32
        %dma_start3A_99 = tpu.memref_slice %arg11[%add3A_89, %dma_start3A_98] : memref<10000x128xbf16, #tpu.memory_space<vmem_shared>> -> memref<80x128xbf16, #tpu.memory_space<vmem_shared>>
        tpu.enqueue_dma source(%arg10 : memref<80x128xbf16, #tpu.memory_space<vmem>>) target(%dma_start3A_99 : memref<80x128xbf16, #tpu.memory_space<vmem_shared>>) target_semaphore(%run_scoped3A : memref<!tpu.dma_semaphore, #tpu.memory_space<semaphore_mem>>)
        %dma_wait3A_100 = arith.constant 0 : i32
        %dma_wait3A_101 = tpu.memref_slice %arg11[%add3A_89, %dma_wait3A_100] : memref<10000x128xbf16, #tpu.memory_space<vmem_shared>> -> memref<80x128xbf16, #tpu.memory_space<vmem_shared>>
        %dma_wait3A_102 = arith.constant 0 : i32
        %dma_wait3A_103 = tpu.memref_slice %arg11[%add3A_89, %dma_wait3A_102] : memref<10000x128xbf16, #tpu.memory_space<vmem_shared>> -> memref<80x128xbf16, #tpu.memory_space<vmem_shared>>
        tpu.wait_dma2 semaphore(%run_scoped3A : memref<!tpu.dma_semaphore, #tpu.memory_space<semaphore_mem>>) src(%arg10 : memref<80x128xbf16, #tpu.memory_space<vmem>>) dst(%dma_wait3A_103 : memref<80x128xbf16, #tpu.memory_space<vmem_shared>>)
        tpu.yield
      }) : () -> ()
      %add3A_90 = arith.constant 400 : i32
      %add3A_91 = arith.addi %mul3A_0, %add3A_90 : i32
      "tpu.region"() ({
        %run_scoped3A = tpu.sem_alloc : memref<!tpu.dma_semaphore, #tpu.memory_space<semaphore_mem>>
        %dma_start3A_96 = arith.constant 0 : i32
        %dma_start3A_97 = tpu.memref_slice %arg11[%add3A_91, %dma_start3A_96] : memref<10000x128xbf16, #tpu.memory_space<vmem_shared>> -> memref<80x128xbf16, #tpu.memory_space<vmem_shared>>
        %dma_start3A_98 = arith.constant 0 : i32
        %dma_start3A_99 = tpu.memref_slice %arg11[%add3A_91, %dma_start3A_98] : memref<10000x128xbf16, #tpu.memory_space<vmem_shared>> -> memref<80x128xbf16, #tpu.memory_space<vmem_shared>>
        tpu.enqueue_dma source(%arg10 : memref<80x128xbf16, #tpu.memory_space<vmem>>) target(%dma_start3A_99 : memref<80x128xbf16, #tpu.memory_space<vmem_shared>>) target_semaphore(%run_scoped3A : memref<!tpu.dma_semaphore, #tpu.memory_space<semaphore_mem>>)
        %dma_wait3A_100 = arith.constant 0 : i32
        %dma_wait3A_101 = tpu.memref_slice %arg11[%add3A_91, %dma_wait3A_100] : memref<10000x128xbf16, #tpu.memory_space<vmem_shared>> -> memref<80x128xbf16, #tpu.memory_space<vmem_shared>>
        %dma_wait3A_102 = arith.constant 0 : i32
        %dma_wait3A_103 = tpu.memref_slice %arg11[%add3A_91, %dma_wait3A_102] : memref<10000x128xbf16, #tpu.memory_space<vmem_shared>> -> memref<80x128xbf16, #tpu.memory_space<vmem_shared>>
        tpu.wait_dma2 semaphore(%run_scoped3A : memref<!tpu.dma_semaphore, #tpu.memory_space<semaphore_mem>>) src(%arg10 : memref<80x128xbf16, #tpu.memory_space<vmem>>) dst(%dma_wait3A_103 : memref<80x128xbf16, #tpu.memory_space<vmem_shared>>)
        tpu.yield
      }) : () -> ()
      %add3A_92 = arith.constant 480 : i32
      %add3A_93 = arith.addi %mul3A_0, %add3A_92 : i32
      "tpu.region"() ({
        %run_scoped3A = tpu.sem_alloc : memref<!tpu.dma_semaphore, #tpu.memory_space<semaphore_mem>>
        %dma_start3A_96 = arith.constant 0 : i32
        %dma_start3A_97 = tpu.memref_slice %arg11[%add3A_93, %dma_start3A_96] : memref<10000x128xbf16, #tpu.memory_space<vmem_shared>> -> memref<80x128xbf16, #tpu.memory_space<vmem_shared>>
        %dma_start3A_98 = arith.constant 0 : i32
        %dma_start3A_99 = tpu.memref_slice %arg11[%add3A_93, %dma_start3A_98] : memref<10000x128xbf16, #tpu.memory_space<vmem_shared>> -> memref<80x128xbf16, #tpu.memory_space<vmem_shared>>
        tpu.enqueue_dma source(%arg10 : memref<80x128xbf16, #tpu.memory_space<vmem>>) target(%dma_start3A_99 : memref<80x128xbf16, #tpu.memory_space<vmem_shared>>) target_semaphore(%run_scoped3A : memref<!tpu.dma_semaphore, #tpu.memory_space<semaphore_mem>>)
        %dma_wait3A_100 = arith.constant 0 : i32
        %dma_wait3A_101 = tpu.memref_slice %arg11[%add3A_93, %dma_wait3A_100] : memref<10000x128xbf16, #tpu.memory_space<vmem_shared>> -> memref<80x128xbf16, #tpu.memory_space<vmem_shared>>
        %dma_wait3A_102 = arith.constant 0 : i32
        %dma_wait3A_103 = tpu.memref_slice %arg11[%add3A_93, %dma_wait3A_102] : memref<10000x128xbf16, #tpu.memory_space<vmem_shared>> -> memref<80x128xbf16, #tpu.memory_space<vmem_shared>>
        tpu.wait_dma2 semaphore(%run_scoped3A : memref<!tpu.dma_semaphore, #tpu.memory_space<semaphore_mem>>) src(%arg10 : memref<80x128xbf16, #tpu.memory_space<vmem>>) dst(%dma_wait3A_103 : memref<80x128xbf16, #tpu.memory_space<vmem_shared>>)
        tpu.yield
      }) : () -> ()
      %add3A_94 = arith.constant 560 : i32
      %add3A_95 = arith.addi %mul3A_0, %add3A_94 : i32
      "tpu.region"() ({
        %run_scoped3A = tpu.sem_alloc : memref<!tpu.dma_semaphore, #tpu.memory_space<semaphore_mem>>
        %dma_start3A_96 = arith.constant 0 : i32
        %dma_start3A_97 = tpu.memref_slice %arg11[%add3A_95, %dma_start3A_96] : memref<10000x128xbf16, #tpu.memory_space<vmem_shared>> -> memref<80x128xbf16, #tpu.memory_space<vmem_shared>>
        %dma_start3A_98 = arith.constant 0 : i32
        %dma_start3A_99 = tpu.memref_slice %arg11[%add3A_95, %dma_start3A_98] : memref<10000x128xbf16, #tpu.memory_space<vmem_shared>> -> memref<80x128xbf16, #tpu.memory_space<vmem_shared>>
        tpu.enqueue_dma source(%arg10 : memref<80x128xbf16, #tpu.memory_space<vmem>>) target(%dma_start3A_99 : memref<80x128xbf16, #tpu.memory_space<vmem_shared>>) target_semaphore(%run_scoped3A : memref<!tpu.dma_semaphore, #tpu.memory_space<semaphore_mem>>)
        %dma_wait3A_100 = arith.constant 0 : i32
        %dma_wait3A_101 = tpu.memref_slice %arg11[%add3A_95, %dma_wait3A_100] : memref<10000x128xbf16, #tpu.memory_space<vmem_shared>> -> memref<80x128xbf16, #tpu.memory_space<vmem_shared>>
        %dma_wait3A_102 = arith.constant 0 : i32
        %dma_wait3A_103 = tpu.memref_slice %arg11[%add3A_95, %dma_wait3A_102] : memref<10000x128xbf16, #tpu.memory_space<vmem_shared>> -> memref<80x128xbf16, #tpu.memory_space<vmem_shared>>
        tpu.wait_dma2 semaphore(%run_scoped3A : memref<!tpu.dma_semaphore, #tpu.memory_space<semaphore_mem>>) src(%arg10 : memref<80x128xbf16, #tpu.memory_space<vmem>>) dst(%dma_wait3A_103 : memref<80x128xbf16, #tpu.memory_space<vmem_shared>>)
        tpu.yield
      }) : () -> ()
    } else {
    }
    %eq3A = arith.constant 15 : i32
    %eq3A_3 = arith.cmpi eq, %arg1, %eq3A : i32
    %convert_element_type3A_4 = arith.extui %eq3A_3 : i1 to i32
    %cond3A_5 = arith.constant 0 : i32
    %cond3A_6 = arith.cmpi ne, %convert_element_type3A_4, %cond3A_5 : i32
    scf.if %cond3A_6 {
      %add3A = arith.constant 0 : i32
      %add3A_81 = arith.addi %mul3A_0, %add3A : i32
      "tpu.region"() ({
        %run_scoped3A = tpu.sem_alloc : memref<!tpu.dma_semaphore, #tpu.memory_space<semaphore_mem>>
        %dma_start3A_90 = arith.constant 0 : i32
        %dma_start3A_91 = tpu.memref_slice %arg11[%add3A_81, %dma_start3A_90] : memref<10000x128xbf16, #tpu.memory_space<vmem_shared>> -> memref<80x128xbf16, #tpu.memory_space<vmem_shared>>
        %dma_start3A_92 = arith.constant 0 : i32
        %dma_start3A_93 = tpu.memref_slice %arg11[%add3A_81, %dma_start3A_92] : memref<10000x128xbf16, #tpu.memory_space<vmem_shared>> -> memref<80x128xbf16, #tpu.memory_space<vmem_shared>>
        tpu.enqueue_dma source(%arg10 : memref<80x128xbf16, #tpu.memory_space<vmem>>) target(%dma_start3A_93 : memref<80x128xbf16, #tpu.memory_space<vmem_shared>>) target_semaphore(%run_scoped3A : memref<!tpu.dma_semaphore, #tpu.memory_space<semaphore_mem>>)
        %dma_wait3A_94 = arith.constant 0 : i32
        %dma_wait3A_95 = tpu.memref_slice %arg11[%add3A_81, %dma_wait3A_94] : memref<10000x128xbf16, #tpu.memory_space<vmem_shared>> -> memref<80x128xbf16, #tpu.memory_space<vmem_shared>>
        %dma_wait3A_96 = arith.constant 0 : i32
        %dma_wait3A_97 = tpu.memref_slice %arg11[%add3A_81, %dma_wait3A_96] : memref<10000x128xbf16, #tpu.memory_space<vmem_shared>> -> memref<80x128xbf16, #tpu.memory_space<vmem_shared>>
        tpu.wait_dma2 semaphore(%run_scoped3A : memref<!tpu.dma_semaphore, #tpu.memory_space<semaphore_mem>>) src(%arg10 : memref<80x128xbf16, #tpu.memory_space<vmem>>) dst(%dma_wait3A_97 : memref<80x128xbf16, #tpu.memory_space<vmem_shared>>)
        tpu.yield
      }) : () -> ()
      %add3A_82 = arith.constant 80 : i32
      %add3A_83 = arith.addi %mul3A_0, %add3A_82 : i32
      "tpu.region"() ({
        %run_scoped3A = tpu.sem_alloc : memref<!tpu.dma_semaphore, #tpu.memory_space<semaphore_mem>>
        %dma_start3A_90 = arith.constant 0 : i32
        %dma_start3A_91 = tpu.memref_slice %arg11[%add3A_83, %dma_start3A_90] : memref<10000x128xbf16, #tpu.memory_space<vmem_shared>> -> memref<80x128xbf16, #tpu.memory_space<vmem_shared>>
        %dma_start3A_92 = arith.constant 0 : i32
        %dma_start3A_93 = tpu.memref_slice %arg11[%add3A_83, %dma_start3A_92] : memref<10000x128xbf16, #tpu.memory_space<vmem_shared>> -> memref<80x128xbf16, #tpu.memory_space<vmem_shared>>
        tpu.enqueue_dma source(%arg10 : memref<80x128xbf16, #tpu.memory_space<vmem>>) target(%dma_start3A_93 : memref<80x128xbf16, #tpu.memory_space<vmem_shared>>) target_semaphore(%run_scoped3A : memref<!tpu.dma_semaphore, #tpu.memory_space<semaphore_mem>>)
        %dma_wait3A_94 = arith.constant 0 : i32
        %dma_wait3A_95 = tpu.memref_slice %arg11[%add3A_83, %dma_wait3A_94] : memref<10000x128xbf16, #tpu.memory_space<vmem_shared>> -> memref<80x128xbf16, #tpu.memory_space<vmem_shared>>
        %dma_wait3A_96 = arith.constant 0 : i32
        %dma_wait3A_97 = tpu.memref_slice %arg11[%add3A_83, %dma_wait3A_96] : memref<10000x128xbf16, #tpu.memory_space<vmem_shared>> -> memref<80x128xbf16, #tpu.memory_space<vmem_shared>>
        tpu.wait_dma2 semaphore(%run_scoped3A : memref<!tpu.dma_semaphore, #tpu.memory_space<semaphore_mem>>) src(%arg10 : memref<80x128xbf16, #tpu.memory_space<vmem>>) dst(%dma_wait3A_97 : memref<80x128xbf16, #tpu.memory_space<vmem_shared>>)
        tpu.yield
      }) : () -> ()
      %add3A_84 = arith.constant 160 : i32
      %add3A_85 = arith.addi %mul3A_0, %add3A_84 : i32
      "tpu.region"() ({
        %run_scoped3A = tpu.sem_alloc : memref<!tpu.dma_semaphore, #tpu.memory_space<semaphore_mem>>
        %dma_start3A_90 = arith.constant 0 : i32
        %dma_start3A_91 = tpu.memref_slice %arg11[%add3A_85, %dma_start3A_90] : memref<10000x128xbf16, #tpu.memory_space<vmem_shared>> -> memref<80x128xbf16, #tpu.memory_space<vmem_shared>>
        %dma_start3A_92 = arith.constant 0 : i32
        %dma_start3A_93 = tpu.memref_slice %arg11[%add3A_85, %dma_start3A_92] : memref<10000x128xbf16, #tpu.memory_space<vmem_shared>> -> memref<80x128xbf16, #tpu.memory_space<vmem_shared>>
        tpu.enqueue_dma source(%arg10 : memref<80x128xbf16, #tpu.memory_space<vmem>>) target(%dma_start3A_93 : memref<80x128xbf16, #tpu.memory_space<vmem_shared>>) target_semaphore(%run_scoped3A : memref<!tpu.dma_semaphore, #tpu.memory_space<semaphore_mem>>)
        %dma_wait3A_94 = arith.constant 0 : i32
        %dma_wait3A_95 = tpu.memref_slice %arg11[%add3A_85, %dma_wait3A_94] : memref<10000x128xbf16, #tpu.memory_space<vmem_shared>> -> memref<80x128xbf16, #tpu.memory_space<vmem_shared>>
        %dma_wait3A_96 = arith.constant 0 : i32
        %dma_wait3A_97 = tpu.memref_slice %arg11[%add3A_85, %dma_wait3A_96] : memref<10000x128xbf16, #tpu.memory_space<vmem_shared>> -> memref<80x128xbf16, #tpu.memory_space<vmem_shared>>
        tpu.wait_dma2 semaphore(%run_scoped3A : memref<!tpu.dma_semaphore, #tpu.memory_space<semaphore_mem>>) src(%arg10 : memref<80x128xbf16, #tpu.memory_space<vmem>>) dst(%dma_wait3A_97 : memref<80x128xbf16, #tpu.memory_space<vmem_shared>>)
        tpu.yield
      }) : () -> ()
      %add3A_86 = arith.constant 240 : i32
      %add3A_87 = arith.addi %mul3A_0, %add3A_86 : i32
      "tpu.region"() ({
        %run_scoped3A = tpu.sem_alloc : memref<!tpu.dma_semaphore, #tpu.memory_space<semaphore_mem>>
        %dma_start3A_90 = arith.constant 0 : i32
        %dma_start3A_91 = tpu.memref_slice %arg11[%add3A_87, %dma_start3A_90] : memref<10000x128xbf16, #tpu.memory_space<vmem_shared>> -> memref<80x128xbf16, #tpu.memory_space<vmem_shared>>
        %dma_start3A_92 = arith.constant 0 : i32
        %dma_start3A_93 = tpu.memref_slice %arg11[%add3A_87, %dma_start3A_92] : memref<10000x128xbf16, #tpu.memory_space<vmem_shared>> -> memref<80x128xbf16, #tpu.memory_space<vmem_shared>>
        tpu.enqueue_dma source(%arg10 : memref<80x128xbf16, #tpu.memory_space<vmem>>) target(%dma_start3A_93 : memref<80x128xbf16, #tpu.memory_space<vmem_shared>>) target_semaphore(%run_scoped3A : memref<!tpu.dma_semaphore, #tpu.memory_space<semaphore_mem>>)
        %dma_wait3A_94 = arith.constant 0 : i32
        %dma_wait3A_95 = tpu.memref_slice %arg11[%add3A_87, %dma_wait3A_94] : memref<10000x128xbf16, #tpu.memory_space<vmem_shared>> -> memref<80x128xbf16, #tpu.memory_space<vmem_shared>>
        %dma_wait3A_96 = arith.constant 0 : i32
        %dma_wait3A_97 = tpu.memref_slice %arg11[%add3A_87, %dma_wait3A_96] : memref<10000x128xbf16, #tpu.memory_space<vmem_shared>> -> memref<80x128xbf16, #tpu.memory_space<vmem_shared>>
        tpu.wait_dma2 semaphore(%run_scoped3A : memref<!tpu.dma_semaphore, #tpu.memory_space<semaphore_mem>>) src(%arg10 : memref<80x128xbf16, #tpu.memory_space<vmem>>) dst(%dma_wait3A_97 : memref<80x128xbf16, #tpu.memory_space<vmem_shared>>)
        tpu.yield
      }) : () -> ()
      %add3A_88 = arith.constant 320 : i32
      %add3A_89 = arith.addi %mul3A_0, %add3A_88 : i32
      "tpu.region"() ({
        %run_scoped3A = tpu.sem_alloc : memref<!tpu.dma_semaphore, #tpu.memory_space<semaphore_mem>>
        %dma_start3A_90 = arith.constant 0 : i32
        %dma_start3A_91 = tpu.memref_slice %arg11[%add3A_89, %dma_start3A_90] : memref<10000x128xbf16, #tpu.memory_space<vmem_shared>> -> memref<80x128xbf16, #tpu.memory_space<vmem_shared>>
        %dma_start3A_92 = arith.constant 0 : i32
        %dma_start3A_93 = tpu.memref_slice %arg11[%add3A_89, %dma_start3A_92] : memref<10000x128xbf16, #tpu.memory_space<vmem_shared>> -> memref<80x128xbf16, #tpu.memory_space<vmem_shared>>
        tpu.enqueue_dma source(%arg10 : memref<80x128xbf16, #tpu.memory_space<vmem>>) target(%dma_start3A_93 : memref<80x128xbf16, #tpu.memory_space<vmem_shared>>) target_semaphore(%run_scoped3A : memref<!tpu.dma_semaphore, #tpu.memory_space<semaphore_mem>>)
        %dma_wait3A_94 = arith.constant 0 : i32
        %dma_wait3A_95 = tpu.memref_slice %arg11[%add3A_89, %dma_wait3A_94] : memref<10000x128xbf16, #tpu.memory_space<vmem_shared>> -> memref<80x128xbf16, #tpu.memory_space<vmem_shared>>
        %dma_wait3A_96 = arith.constant 0 : i32
        %dma_wait3A_97 = tpu.memref_slice %arg11[%add3A_89, %dma_wait3A_96] : memref<10000x128xbf16, #tpu.memory_space<vmem_shared>> -> memref<80x128xbf16, #tpu.memory_space<vmem_shared>>
        tpu.wait_dma2 semaphore(%run_scoped3A : memref<!tpu.dma_semaphore, #tpu.memory_space<semaphore_mem>>) src(%arg10 : memref<80x128xbf16, #tpu.memory_space<vmem>>) dst(%dma_wait3A_97 : memref<80x128xbf16, #tpu.memory_space<vmem_shared>>)
        tpu.yield
      }) : () -> ()
    } else {
    }
    %barrier3A = arith.constant 0 : index
    tpu.barrier barrier_id(%barrier3A)
    %dma_start3A = arith.constant 0 : i32
    %dma_start3A_7 = arith.constant 0 : i32
    %dma_start3A_8 = arith.constant 0 : i32
    %dma_start3A_9 = arith.constant 0 : i32
    %dma_start3A_10 = tpu.memref_slice %arg9[%dma_start3A_7, %dma_start3A_8, %dma_start3A_9] : memref<5x80x128xbf16, #tpu.memory_space<vmem>> -> memref<1x80x128xbf16, #tpu.memory_space<vmem>>
    %dma_start3A_11 = tpu.memref_squeeze %dma_start3A_10 : memref<1x80x128xbf16, #tpu.memory_space<vmem>> -> memref<80x128xbf16, #tpu.memory_space<vmem>>
    %dma_start3A_12 = arith.constant 0 : i32
    %dma_start3A_13 = tpu.memref_slice %arg7[%dma_start3A, %dma_start3A_12] : memref<125x80xi32, #tpu.memory_space<vmem>> -> memref<1x80xi32, #tpu.memory_space<vmem>>
    %dma_start3A_14 = tpu.memref_squeeze %dma_start3A_13 : memref<1x80xi32, #tpu.memory_space<vmem>> -> memref<80xi32, #tpu.memory_space<vmem>>
    %dma_start3A_15 = arith.constant 0 : i32
    %dma_start3A_16 = arith.constant 0 : i32
    %dma_start3A_17 = tpu.memref_slice %arg2[%dma_start3A_15, %dma_start3A_16] : memref<10000x128xbf16, #tpu.memory_space<hbm>> -> memref<10000x128xbf16, #tpu.memory_space<hbm>>
    tpu.enqueue_indirect_dma source(%dma_start3A_17 : memref<10000x128xbf16, #tpu.memory_space<hbm>>) target(%dma_start3A_11 : memref<80x128xbf16, #tpu.memory_space<vmem>>) offsets(%dma_start3A_14 : memref<80xi32, #tpu.memory_space<vmem>>) semaphore(%arg12 : memref<!tpu.dma_semaphore, #tpu.memory_space<semaphore_mem>>)
    %dma_start3A_18 = arith.constant 1 : i32
    %dma_start3A_19 = arith.constant 1 : i32
    %dma_start3A_20 = arith.constant 0 : i32
    %dma_start3A_21 = arith.constant 0 : i32
    %dma_start3A_22 = tpu.memref_slice %arg9[%dma_start3A_19, %dma_start3A_20, %dma_start3A_21] : memref<5x80x128xbf16, #tpu.memory_space<vmem>> -> memref<1x80x128xbf16, #tpu.memory_space<vmem>>
    %dma_start3A_23 = tpu.memref_squeeze %dma_start3A_22 : memref<1x80x128xbf16, #tpu.memory_space<vmem>> -> memref<80x128xbf16, #tpu.memory_space<vmem>>
    %dma_start3A_24 = arith.constant 0 : i32
    %dma_start3A_25 = tpu.memref_slice %arg7[%dma_start3A_18, %dma_start3A_24] : memref<125x80xi32, #tpu.memory_space<vmem>> -> memref<1x80xi32, #tpu.memory_space<vmem>>
    %dma_start3A_26 = tpu.memref_squeeze %dma_start3A_25 : memref<1x80xi32, #tpu.memory_space<vmem>> -> memref<80xi32, #tpu.memory_space<vmem>>
    %dma_start3A_27 = arith.constant 0 : i32
    %dma_start3A_28 = arith.constant 0 : i32
    %dma_start3A_29 = tpu.memref_slice %arg2[%dma_start3A_27, %dma_start3A_28] : memref<10000x128xbf16, #tpu.memory_space<hbm>> -> memref<10000x128xbf16, #tpu.memory_space<hbm>>
    tpu.enqueue_indirect_dma source(%dma_start3A_29 : memref<10000x128xbf16, #tpu.memory_space<hbm>>) target(%dma_start3A_23 : memref<80x128xbf16, #tpu.memory_space<vmem>>) offsets(%dma_start3A_26 : memref<80xi32, #tpu.memory_space<vmem>>) semaphore(%arg12 : memref<!tpu.dma_semaphore, #tpu.memory_space<semaphore_mem>>)
    %dma_start3A_30 = arith.constant 2 : i32
    %dma_start3A_31 = arith.constant 2 : i32
    %dma_start3A_32 = arith.constant 0 : i32
    %dma_start3A_33 = arith.constant 0 : i32
    %dma_start3A_34 = tpu.memref_slice %arg9[%dma_start3A_31, %dma_start3A_32, %dma_start3A_33] : memref<5x80x128xbf16, #tpu.memory_space<vmem>> -> memref<1x80x128xbf16, #tpu.memory_space<vmem>>
    %dma_start3A_35 = tpu.memref_squeeze %dma_start3A_34 : memref<1x80x128xbf16, #tpu.memory_space<vmem>> -> memref<80x128xbf16, #tpu.memory_space<vmem>>
    %dma_start3A_36 = arith.constant 0 : i32
    %dma_start3A_37 = tpu.memref_slice %arg7[%dma_start3A_30, %dma_start3A_36] : memref<125x80xi32, #tpu.memory_space<vmem>> -> memref<1x80xi32, #tpu.memory_space<vmem>>
    %dma_start3A_38 = tpu.memref_squeeze %dma_start3A_37 : memref<1x80xi32, #tpu.memory_space<vmem>> -> memref<80xi32, #tpu.memory_space<vmem>>
    %dma_start3A_39 = arith.constant 0 : i32
    %dma_start3A_40 = arith.constant 0 : i32
    %dma_start3A_41 = tpu.memref_slice %arg2[%dma_start3A_39, %dma_start3A_40] : memref<10000x128xbf16, #tpu.memory_space<hbm>> -> memref<10000x128xbf16, #tpu.memory_space<hbm>>
    tpu.enqueue_indirect_dma source(%dma_start3A_41 : memref<10000x128xbf16, #tpu.memory_space<hbm>>) target(%dma_start3A_35 : memref<80x128xbf16, #tpu.memory_space<vmem>>) offsets(%dma_start3A_38 : memref<80xi32, #tpu.memory_space<vmem>>) semaphore(%arg12 : memref<!tpu.dma_semaphore, #tpu.memory_space<semaphore_mem>>)
    %dma_start3A_42 = arith.constant 3 : i32
    %dma_start3A_43 = arith.constant 3 : i32
    %dma_start3A_44 = arith.constant 0 : i32
    %dma_start3A_45 = arith.constant 0 : i32
    %dma_start3A_46 = tpu.memref_slice %arg9[%dma_start3A_43, %dma_start3A_44, %dma_start3A_45] : memref<5x80x128xbf16, #tpu.memory_space<vmem>> -> memref<1x80x128xbf16, #tpu.memory_space<vmem>>
    %dma_start3A_47 = tpu.memref_squeeze %dma_start3A_46 : memref<1x80x128xbf16, #tpu.memory_space<vmem>> -> memref<80x128xbf16, #tpu.memory_space<vmem>>
    %dma_start3A_48 = arith.constant 0 : i32
    %dma_start3A_49 = tpu.memref_slice %arg7[%dma_start3A_42, %dma_start3A_48] : memref<125x80xi32, #tpu.memory_space<vmem>> -> memref<1x80xi32, #tpu.memory_space<vmem>>
    %dma_start3A_50 = tpu.memref_squeeze %dma_start3A_49 : memref<1x80xi32, #tpu.memory_space<vmem>> -> memref<80xi32, #tpu.memory_space<vmem>>
    %dma_start3A_51 = arith.constant 0 : i32
    %dma_start3A_52 = arith.constant 0 : i32
    %dma_start3A_53 = tpu.memref_slice %arg2[%dma_start3A_51, %dma_start3A_52] : memref<10000x128xbf16, #tpu.memory_space<hbm>> -> memref<10000x128xbf16, #tpu.memory_space<hbm>>
    tpu.enqueue_indirect_dma source(%dma_start3A_53 : memref<10000x128xbf16, #tpu.memory_space<hbm>>) target(%dma_start3A_47 : memref<80x128xbf16, #tpu.memory_space<vmem>>) offsets(%dma_start3A_50 : memref<80xi32, #tpu.memory_space<vmem>>) semaphore(%arg12 : memref<!tpu.dma_semaphore, #tpu.memory_space<semaphore_mem>>)
    %scan3A = arith.constant 0 : i32
    %scan3A_54 = arith.constant 0 : i32
    %scan3A_55 = arith.constant 25 : i32
    %scan3A_56 = arith.addi %scan3A_54, %scan3A_55 : i32
    %scan3A_57 = arith.constant 1 : i32
    scf.for %scan3A_81 = %scan3A_54 to %scan3A_56 step %scan3A_57  : i32 {
      %mul3A_82 = arith.constant 5 : i32
      %mul3A_83 = arith.muli %scan3A_81, %mul3A_82 : i32
      %add3A = arith.constant 0 : i32
      %add3A_84 = arith.addi %mul3A_83, %add3A : i32
      %dma_wait3A_85 = arith.constant 0 : i32
      %dma_wait3A_86 = arith.constant 0 : i32
      %dma_wait3A_87 = arith.constant 0 : i32
      %dma_wait3A_88 = tpu.memref_slice %arg9[%dma_wait3A_85, %dma_wait3A_86, %dma_wait3A_87] : memref<5x80x128xbf16, #tpu.memory_space<vmem>> -> memref<1x80x128xbf16, #tpu.memory_space<vmem>>
      %dma_wait3A_89 = tpu.memref_squeeze %dma_wait3A_88 : memref<1x80x128xbf16, #tpu.memory_space<vmem>> -> memref<80x128xbf16, #tpu.memory_space<vmem>>
      %dma_wait3A_90 = arith.constant 0 : i32
      %dma_wait3A_91 = tpu.memref_slice %arg7[%add3A_84, %dma_wait3A_90] : memref<125x80xi32, #tpu.memory_space<vmem>> -> memref<1x80xi32, #tpu.memory_space<vmem>>
      %dma_wait3A_92 = tpu.memref_squeeze %dma_wait3A_91 : memref<1x80xi32, #tpu.memory_space<vmem>> -> memref<80xi32, #tpu.memory_space<vmem>>
      %dma_wait3A_93 = arith.constant 0 : i32
      %dma_wait3A_94 = arith.constant 0 : i32
      %dma_wait3A_95 = tpu.memref_slice %arg2[%dma_wait3A_93, %dma_wait3A_94] : memref<10000x128xbf16, #tpu.memory_space<hbm>> -> memref<10000x128xbf16, #tpu.memory_space<hbm>>
      tpu.wait_indirect_dma semaphore(%arg12 : memref<!tpu.dma_semaphore, #tpu.memory_space<semaphore_mem>>) src(%dma_wait3A_95 : memref<10000x128xbf16, #tpu.memory_space<hbm>>) dst(%dma_wait3A_89 : memref<80x128xbf16, #tpu.memory_space<vmem>>)
      %dma_start3A_96 = arith.constant 0 : i32
      %dma_start3A_97 = arith.constant 0 : i32
      %dma_start3A_98 = arith.constant 0 : i32
      %dma_start3A_99 = tpu.memref_slice %arg9[%dma_start3A_96, %dma_start3A_97, %dma_start3A_98] : memref<5x80x128xbf16, #tpu.memory_space<vmem>> -> memref<1x80x128xbf16, #tpu.memory_space<vmem>>
      %dma_start3A_100 = tpu.memref_squeeze %dma_start3A_99 : memref<1x80x128xbf16, #tpu.memory_space<vmem>> -> memref<80x128xbf16, #tpu.memory_space<vmem>>
      %dma_start3A_101 = arith.constant 0 : i32
      %dma_start3A_102 = tpu.memref_slice %arg8[%add3A_84, %dma_start3A_101] : memref<125x80xi32, #tpu.memory_space<vmem>> -> memref<1x80xi32, #tpu.memory_space<vmem>>
      %dma_start3A_103 = tpu.memref_squeeze %dma_start3A_102 : memref<1x80xi32, #tpu.memory_space<vmem>> -> memref<80xi32, #tpu.memory_space<vmem>>
      %dma_start3A_104 = arith.constant 0 : i32
      %dma_start3A_105 = arith.constant 0 : i32
      %dma_start3A_106 = tpu.memref_slice %arg11[%dma_start3A_104, %dma_start3A_105] : memref<10000x128xbf16, #tpu.memory_space<vmem_shared>> -> memref<10000x128xbf16, #tpu.memory_space<vmem_shared>>
      tpu.enqueue_indirect_dma source(%dma_start3A_100 : memref<80x128xbf16, #tpu.memory_space<vmem>>) target(%dma_start3A_106 : memref<10000x128xbf16, #tpu.memory_space<vmem_shared>>) offsets(%dma_start3A_103 : memref<80xi32, #tpu.memory_space<vmem>>) semaphore(%arg13 : memref<!tpu.dma_semaphore, #tpu.memory_space<semaphore_mem>>) {add = true}
      %ge3A = arith.constant 1 : i32
      %ge3A_107 = arith.cmpi sge, %add3A_84, %ge3A : i32
      %convert_element_type3A_108 = arith.extui %ge3A_107 : i1 to i32
      %cond3A_109 = arith.constant 0 : i32
      %cond3A_110 = arith.cmpi ne, %convert_element_type3A_108, %cond3A_109 : i32
      scf.if %cond3A_110 {
        %sub3A = arith.constant 1 : i32
        %sub3A_270 = arith.subi %add3A_84, %sub3A : i32
        %dma_wait3A_271 = arith.constant 4 : i32
        %dma_wait3A_272 = arith.constant 0 : i32
        %dma_wait3A_273 = arith.constant 0 : i32
        %dma_wait3A_274 = tpu.memref_slice %arg9[%dma_wait3A_271, %dma_wait3A_272, %dma_wait3A_273] : memref<5x80x128xbf16, #tpu.memory_space<vmem>> -> memref<1x80x128xbf16, #tpu.memory_space<vmem>>
        %dma_wait3A_275 = tpu.memref_squeeze %dma_wait3A_274 : memref<1x80x128xbf16, #tpu.memory_space<vmem>> -> memref<80x128xbf16, #tpu.memory_space<vmem>>
        %dma_wait3A_276 = arith.constant 0 : i32
        %dma_wait3A_277 = tpu.memref_slice %arg8[%sub3A_270, %dma_wait3A_276] : memref<125x80xi32, #tpu.memory_space<vmem>> -> memref<1x80xi32, #tpu.memory_space<vmem>>
        %dma_wait3A_278 = tpu.memref_squeeze %dma_wait3A_277 : memref<1x80xi32, #tpu.memory_space<vmem>> -> memref<80xi32, #tpu.memory_space<vmem>>
        %dma_wait3A_279 = arith.constant 0 : i32
        %dma_wait3A_280 = arith.constant 0 : i32
        %dma_wait3A_281 = tpu.memref_slice %arg11[%dma_wait3A_279, %dma_wait3A_280] : memref<10000x128xbf16, #tpu.memory_space<vmem_shared>> -> memref<10000x128xbf16, #tpu.memory_space<vmem_shared>>
        tpu.wait_indirect_dma semaphore(%arg13 : memref<!tpu.dma_semaphore, #tpu.memory_space<semaphore_mem>>) src(%dma_wait3A_275 : memref<80x128xbf16, #tpu.memory_space<vmem>>) dst(%dma_wait3A_281 : memref<10000x128xbf16, #tpu.memory_space<vmem_shared>>)
      } else {
      }
      %add3A_111 = arith.constant 4 : i32
      %add3A_112 = arith.addi %add3A_84, %add3A_111 : i32
      %lt3A_113 = arith.constant 125 : i32
      %lt3A_114 = arith.cmpi slt, %add3A_112, %lt3A_113 : i32
      %convert_element_type3A_115 = arith.extui %lt3A_114 : i1 to i32
      %cond3A_116 = arith.constant 0 : i32
      %cond3A_117 = arith.cmpi ne, %convert_element_type3A_115, %cond3A_116 : i32
      scf.if %cond3A_117 {
        %add3A_270 = arith.constant 4 : i32
        %add3A_271 = arith.addi %add3A_84, %add3A_270 : i32
        %dma_start3A_272 = arith.constant 4 : i32
        %dma_start3A_273 = arith.constant 0 : i32
        %dma_start3A_274 = arith.constant 0 : i32
        %dma_start3A_275 = tpu.memref_slice %arg9[%dma_start3A_272, %dma_start3A_273, %dma_start3A_274] : memref<5x80x128xbf16, #tpu.memory_space<vmem>> -> memref<1x80x128xbf16, #tpu.memory_space<vmem>>
        %dma_start3A_276 = tpu.memref_squeeze %dma_start3A_275 : memref<1x80x128xbf16, #tpu.memory_space<vmem>> -> memref<80x128xbf16, #tpu.memory_space<vmem>>
        %dma_start3A_277 = arith.constant 0 : i32
        %dma_start3A_278 = tpu.memref_slice %arg7[%add3A_271, %dma_start3A_277] : memref<125x80xi32, #tpu.memory_space<vmem>> -> memref<1x80xi32, #tpu.memory_space<vmem>>
        %dma_start3A_279 = tpu.memref_squeeze %dma_start3A_278 : memref<1x80xi32, #tpu.memory_space<vmem>> -> memref<80xi32, #tpu.memory_space<vmem>>
        %dma_start3A_280 = arith.constant 0 : i32
        %dma_start3A_281 = arith.constant 0 : i32
        %dma_start3A_282 = tpu.memref_slice %arg2[%dma_start3A_280, %dma_start3A_281] : memref<10000x128xbf16, #tpu.memory_space<hbm>> -> memref<10000x128xbf16, #tpu.memory_space<hbm>>
        tpu.enqueue_indirect_dma source(%dma_start3A_282 : memref<10000x128xbf16, #tpu.memory_space<hbm>>) target(%dma_start3A_276 : memref<80x128xbf16, #tpu.memory_space<vmem>>) offsets(%dma_start3A_279 : memref<80xi32, #tpu.memory_space<vmem>>) semaphore(%arg12 : memref<!tpu.dma_semaphore, #tpu.memory_space<semaphore_mem>>)
      } else {
      }
      %mul3A_118 = arith.constant 5 : i32
      %mul3A_119 = arith.muli %scan3A_81, %mul3A_118 : i32
      %add3A_120 = arith.constant 1 : i32
      %add3A_121 = arith.addi %mul3A_119, %add3A_120 : i32
      %dma_wait3A_122 = arith.constant 1 : i32
      %dma_wait3A_123 = arith.constant 0 : i32
      %dma_wait3A_124 = arith.constant 0 : i32
      %dma_wait3A_125 = tpu.memref_slice %arg9[%dma_wait3A_122, %dma_wait3A_123, %dma_wait3A_124] : memref<5x80x128xbf16, #tpu.memory_space<vmem>> -> memref<1x80x128xbf16, #tpu.memory_space<vmem>>
      %dma_wait3A_126 = tpu.memref_squeeze %dma_wait3A_125 : memref<1x80x128xbf16, #tpu.memory_space<vmem>> -> memref<80x128xbf16, #tpu.memory_space<vmem>>
      %dma_wait3A_127 = arith.constant 0 : i32
      %dma_wait3A_128 = tpu.memref_slice %arg7[%add3A_121, %dma_wait3A_127] : memref<125x80xi32, #tpu.memory_space<vmem>> -> memref<1x80xi32, #tpu.memory_space<vmem>>
      %dma_wait3A_129 = tpu.memref_squeeze %dma_wait3A_128 : memref<1x80xi32, #tpu.memory_space<vmem>> -> memref<80xi32, #tpu.memory_space<vmem>>
      %dma_wait3A_130 = arith.constant 0 : i32
      %dma_wait3A_131 = arith.constant 0 : i32
      %dma_wait3A_132 = tpu.memref_slice %arg2[%dma_wait3A_130, %dma_wait3A_131] : memref<10000x128xbf16, #tpu.memory_space<hbm>> -> memref<10000x128xbf16, #tpu.memory_space<hbm>>
      tpu.wait_indirect_dma semaphore(%arg12 : memref<!tpu.dma_semaphore, #tpu.memory_space<semaphore_mem>>) src(%dma_wait3A_132 : memref<10000x128xbf16, #tpu.memory_space<hbm>>) dst(%dma_wait3A_126 : memref<80x128xbf16, #tpu.memory_space<vmem>>)
      %dma_start3A_133 = arith.constant 1 : i32
      %dma_start3A_134 = arith.constant 0 : i32
      %dma_start3A_135 = arith.constant 0 : i32
      %dma_start3A_136 = tpu.memref_slice %arg9[%dma_start3A_133, %dma_start3A_134, %dma_start3A_135] : memref<5x80x128xbf16, #tpu.memory_space<vmem>> -> memref<1x80x128xbf16, #tpu.memory_space<vmem>>
      %dma_start3A_137 = tpu.memref_squeeze %dma_start3A_136 : memref<1x80x128xbf16, #tpu.memory_space<vmem>> -> memref<80x128xbf16, #tpu.memory_space<vmem>>
      %dma_start3A_138 = arith.constant 0 : i32
      %dma_start3A_139 = tpu.memref_slice %arg8[%add3A_121, %dma_start3A_138] : memref<125x80xi32, #tpu.memory_space<vmem>> -> memref<1x80xi32, #tpu.memory_space<vmem>>
      %dma_start3A_140 = tpu.memref_squeeze %dma_start3A_139 : memref<1x80xi32, #tpu.memory_space<vmem>> -> memref<80xi32, #tpu.memory_space<vmem>>
      %dma_start3A_141 = arith.constant 0 : i32
      %dma_start3A_142 = arith.constant 0 : i32
      %dma_start3A_143 = tpu.memref_slice %arg11[%dma_start3A_141, %dma_start3A_142] : memref<10000x128xbf16, #tpu.memory_space<vmem_shared>> -> memref<10000x128xbf16, #tpu.memory_space<vmem_shared>>
      tpu.enqueue_indirect_dma source(%dma_start3A_137 : memref<80x128xbf16, #tpu.memory_space<vmem>>) target(%dma_start3A_143 : memref<10000x128xbf16, #tpu.memory_space<vmem_shared>>) offsets(%dma_start3A_140 : memref<80xi32, #tpu.memory_space<vmem>>) semaphore(%arg13 : memref<!tpu.dma_semaphore, #tpu.memory_space<semaphore_mem>>) {add = true}
      %ge3A_144 = arith.constant 1 : i32
      %ge3A_145 = arith.cmpi sge, %add3A_121, %ge3A_144 : i32
      %convert_element_type3A_146 = arith.extui %ge3A_145 : i1 to i32
      %cond3A_147 = arith.constant 0 : i32
      %cond3A_148 = arith.cmpi ne, %convert_element_type3A_146, %cond3A_147 : i32
      scf.if %cond3A_148 {
        %sub3A = arith.constant 1 : i32
        %sub3A_270 = arith.subi %add3A_121, %sub3A : i32
        %dma_wait3A_271 = arith.constant 0 : i32
        %dma_wait3A_272 = arith.constant 0 : i32
        %dma_wait3A_273 = arith.constant 0 : i32
        %dma_wait3A_274 = tpu.memref_slice %arg9[%dma_wait3A_271, %dma_wait3A_272, %dma_wait3A_273] : memref<5x80x128xbf16, #tpu.memory_space<vmem>> -> memref<1x80x128xbf16, #tpu.memory_space<vmem>>
        %dma_wait3A_275 = tpu.memref_squeeze %dma_wait3A_274 : memref<1x80x128xbf16, #tpu.memory_space<vmem>> -> memref<80x128xbf16, #tpu.memory_space<vmem>>
        %dma_wait3A_276 = arith.constant 0 : i32
        %dma_wait3A_277 = tpu.memref_slice %arg8[%sub3A_270, %dma_wait3A_276] : memref<125x80xi32, #tpu.memory_space<vmem>> -> memref<1x80xi32, #tpu.memory_space<vmem>>
        %dma_wait3A_278 = tpu.memref_squeeze %dma_wait3A_277 : memref<1x80xi32, #tpu.memory_space<vmem>> -> memref<80xi32, #tpu.memory_space<vmem>>
        %dma_wait3A_279 = arith.constant 0 : i32
        %dma_wait3A_280 = arith.constant 0 : i32
        %dma_wait3A_281 = tpu.memref_slice %arg11[%dma_wait3A_279, %dma_wait3A_280] : memref<10000x128xbf16, #tpu.memory_space<vmem_shared>> -> memref<10000x128xbf16, #tpu.memory_space<vmem_shared>>
        tpu.wait_indirect_dma semaphore(%arg13 : memref<!tpu.dma_semaphore, #tpu.memory_space<semaphore_mem>>) src(%dma_wait3A_275 : memref<80x128xbf16, #tpu.memory_space<vmem>>) dst(%dma_wait3A_281 : memref<10000x128xbf16, #tpu.memory_space<vmem_shared>>)
      } else {
      }
      %add3A_149 = arith.constant 4 : i32
      %add3A_150 = arith.addi %add3A_121, %add3A_149 : i32
      %lt3A_151 = arith.constant 125 : i32
      %lt3A_152 = arith.cmpi slt, %add3A_150, %lt3A_151 : i32
      %convert_element_type3A_153 = arith.extui %lt3A_152 : i1 to i32
      %cond3A_154 = arith.constant 0 : i32
      %cond3A_155 = arith.cmpi ne, %convert_element_type3A_153, %cond3A_154 : i32
      scf.if %cond3A_155 {
        %add3A_270 = arith.constant 4 : i32
        %add3A_271 = arith.addi %add3A_121, %add3A_270 : i32
        %dma_start3A_272 = arith.constant 0 : i32
        %dma_start3A_273 = arith.constant 0 : i32
        %dma_start3A_274 = arith.constant 0 : i32
        %dma_start3A_275 = tpu.memref_slice %arg9[%dma_start3A_272, %dma_start3A_273, %dma_start3A_274] : memref<5x80x128xbf16, #tpu.memory_space<vmem>> -> memref<1x80x128xbf16, #tpu.memory_space<vmem>>
        %dma_start3A_276 = tpu.memref_squeeze %dma_start3A_275 : memref<1x80x128xbf16, #tpu.memory_space<vmem>> -> memref<80x128xbf16, #tpu.memory_space<vmem>>
        %dma_start3A_277 = arith.constant 0 : i32
        %dma_start3A_278 = tpu.memref_slice %arg7[%add3A_271, %dma_start3A_277] : memref<125x80xi32, #tpu.memory_space<vmem>> -> memref<1x80xi32, #tpu.memory_space<vmem>>
        %dma_start3A_279 = tpu.memref_squeeze %dma_start3A_278 : memref<1x80xi32, #tpu.memory_space<vmem>> -> memref<80xi32, #tpu.memory_space<vmem>>
        %dma_start3A_280 = arith.constant 0 : i32
        %dma_start3A_281 = arith.constant 0 : i32
        %dma_start3A_282 = tpu.memref_slice %arg2[%dma_start3A_280, %dma_start3A_281] : memref<10000x128xbf16, #tpu.memory_space<hbm>> -> memref<10000x128xbf16, #tpu.memory_space<hbm>>
        tpu.enqueue_indirect_dma source(%dma_start3A_282 : memref<10000x128xbf16, #tpu.memory_space<hbm>>) target(%dma_start3A_276 : memref<80x128xbf16, #tpu.memory_space<vmem>>) offsets(%dma_start3A_279 : memref<80xi32, #tpu.memory_space<vmem>>) semaphore(%arg12 : memref<!tpu.dma_semaphore, #tpu.memory_space<semaphore_mem>>)
      } else {
      }
      %mul3A_156 = arith.constant 5 : i32
      %mul3A_157 = arith.muli %scan3A_81, %mul3A_156 : i32
      %add3A_158 = arith.constant 2 : i32
      %add3A_159 = arith.addi %mul3A_157, %add3A_158 : i32
      %dma_wait3A_160 = arith.constant 2 : i32
      %dma_wait3A_161 = arith.constant 0 : i32
      %dma_wait3A_162 = arith.constant 0 : i32
      %dma_wait3A_163 = tpu.memref_slice %arg9[%dma_wait3A_160, %dma_wait3A_161, %dma_wait3A_162] : memref<5x80x128xbf16, #tpu.memory_space<vmem>> -> memref<1x80x128xbf16, #tpu.memory_space<vmem>>
      %dma_wait3A_164 = tpu.memref_squeeze %dma_wait3A_163 : memref<1x80x128xbf16, #tpu.memory_space<vmem>> -> memref<80x128xbf16, #tpu.memory_space<vmem>>
      %dma_wait3A_165 = arith.constant 0 : i32
      %dma_wait3A_166 = tpu.memref_slice %arg7[%add3A_159, %dma_wait3A_165] : memref<125x80xi32, #tpu.memory_space<vmem>> -> memref<1x80xi32, #tpu.memory_space<vmem>>
      %dma_wait3A_167 = tpu.memref_squeeze %dma_wait3A_166 : memref<1x80xi32, #tpu.memory_space<vmem>> -> memref<80xi32, #tpu.memory_space<vmem>>
      %dma_wait3A_168 = arith.constant 0 : i32
      %dma_wait3A_169 = arith.constant 0 : i32
      %dma_wait3A_170 = tpu.memref_slice %arg2[%dma_wait3A_168, %dma_wait3A_169] : memref<10000x128xbf16, #tpu.memory_space<hbm>> -> memref<10000x128xbf16, #tpu.memory_space<hbm>>
      tpu.wait_indirect_dma semaphore(%arg12 : memref<!tpu.dma_semaphore, #tpu.memory_space<semaphore_mem>>) src(%dma_wait3A_170 : memref<10000x128xbf16, #tpu.memory_space<hbm>>) dst(%dma_wait3A_164 : memref<80x128xbf16, #tpu.memory_space<vmem>>)
      %dma_start3A_171 = arith.constant 2 : i32
      %dma_start3A_172 = arith.constant 0 : i32
      %dma_start3A_173 = arith.constant 0 : i32
      %dma_start3A_174 = tpu.memref_slice %arg9[%dma_start3A_171, %dma_start3A_172, %dma_start3A_173] : memref<5x80x128xbf16, #tpu.memory_space<vmem>> -> memref<1x80x128xbf16, #tpu.memory_space<vmem>>
      %dma_start3A_175 = tpu.memref_squeeze %dma_start3A_174 : memref<1x80x128xbf16, #tpu.memory_space<vmem>> -> memref<80x128xbf16, #tpu.memory_space<vmem>>
      %dma_start3A_176 = arith.constant 0 : i32
      %dma_start3A_177 = tpu.memref_slice %arg8[%add3A_159, %dma_start3A_176] : memref<125x80xi32, #tpu.memory_space<vmem>> -> memref<1x80xi32, #tpu.memory_space<vmem>>
      %dma_start3A_178 = tpu.memref_squeeze %dma_start3A_177 : memref<1x80xi32, #tpu.memory_space<vmem>> -> memref<80xi32, #tpu.memory_space<vmem>>
      %dma_start3A_179 = arith.constant 0 : i32
      %dma_start3A_180 = arith.constant 0 : i32
      %dma_start3A_181 = tpu.memref_slice %arg11[%dma_start3A_179, %dma_start3A_180] : memref<10000x128xbf16, #tpu.memory_space<vmem_shared>> -> memref<10000x128xbf16, #tpu.memory_space<vmem_shared>>
      tpu.enqueue_indirect_dma source(%dma_start3A_175 : memref<80x128xbf16, #tpu.memory_space<vmem>>) target(%dma_start3A_181 : memref<10000x128xbf16, #tpu.memory_space<vmem_shared>>) offsets(%dma_start3A_178 : memref<80xi32, #tpu.memory_space<vmem>>) semaphore(%arg13 : memref<!tpu.dma_semaphore, #tpu.memory_space<semaphore_mem>>) {add = true}
      %ge3A_182 = arith.constant 1 : i32
      %ge3A_183 = arith.cmpi sge, %add3A_159, %ge3A_182 : i32
      %convert_element_type3A_184 = arith.extui %ge3A_183 : i1 to i32
      %cond3A_185 = arith.constant 0 : i32
      %cond3A_186 = arith.cmpi ne, %convert_element_type3A_184, %cond3A_185 : i32
      scf.if %cond3A_186 {
        %sub3A = arith.constant 1 : i32
        %sub3A_270 = arith.subi %add3A_159, %sub3A : i32
        %dma_wait3A_271 = arith.constant 1 : i32
        %dma_wait3A_272 = arith.constant 0 : i32
        %dma_wait3A_273 = arith.constant 0 : i32
        %dma_wait3A_274 = tpu.memref_slice %arg9[%dma_wait3A_271, %dma_wait3A_272, %dma_wait3A_273] : memref<5x80x128xbf16, #tpu.memory_space<vmem>> -> memref<1x80x128xbf16, #tpu.memory_space<vmem>>
        %dma_wait3A_275 = tpu.memref_squeeze %dma_wait3A_274 : memref<1x80x128xbf16, #tpu.memory_space<vmem>> -> memref<80x128xbf16, #tpu.memory_space<vmem>>
        %dma_wait3A_276 = arith.constant 0 : i32
        %dma_wait3A_277 = tpu.memref_slice %arg8[%sub3A_270, %dma_wait3A_276] : memref<125x80xi32, #tpu.memory_space<vmem>> -> memref<1x80xi32, #tpu.memory_space<vmem>>
        %dma_wait3A_278 = tpu.memref_squeeze %dma_wait3A_277 : memref<1x80xi32, #tpu.memory_space<vmem>> -> memref<80xi32, #tpu.memory_space<vmem>>
        %dma_wait3A_279 = arith.constant 0 : i32
        %dma_wait3A_280 = arith.constant 0 : i32
        %dma_wait3A_281 = tpu.memref_slice %arg11[%dma_wait3A_279, %dma_wait3A_280] : memref<10000x128xbf16, #tpu.memory_space<vmem_shared>> -> memref<10000x128xbf16, #tpu.memory_space<vmem_shared>>
        tpu.wait_indirect_dma semaphore(%arg13 : memref<!tpu.dma_semaphore, #tpu.memory_space<semaphore_mem>>) src(%dma_wait3A_275 : memref<80x128xbf16, #tpu.memory_space<vmem>>) dst(%dma_wait3A_281 : memref<10000x128xbf16, #tpu.memory_space<vmem_shared>>)
      } else {
      }
      %add3A_187 = arith.constant 4 : i32
      %add3A_188 = arith.addi %add3A_159, %add3A_187 : i32
      %lt3A_189 = arith.constant 125 : i32
      %lt3A_190 = arith.cmpi slt, %add3A_188, %lt3A_189 : i32
      %convert_element_type3A_191 = arith.extui %lt3A_190 : i1 to i32
      %cond3A_192 = arith.constant 0 : i32
      %cond3A_193 = arith.cmpi ne, %convert_element_type3A_191, %cond3A_192 : i32
      scf.if %cond3A_193 {
        %add3A_270 = arith.constant 4 : i32
        %add3A_271 = arith.addi %add3A_159, %add3A_270 : i32
        %dma_start3A_272 = arith.constant 1 : i32
        %dma_start3A_273 = arith.constant 0 : i32
        %dma_start3A_274 = arith.constant 0 : i32
        %dma_start3A_275 = tpu.memref_slice %arg9[%dma_start3A_272, %dma_start3A_273, %dma_start3A_274] : memref<5x80x128xbf16, #tpu.memory_space<vmem>> -> memref<1x80x128xbf16, #tpu.memory_space<vmem>>
        %dma_start3A_276 = tpu.memref_squeeze %dma_start3A_275 : memref<1x80x128xbf16, #tpu.memory_space<vmem>> -> memref<80x128xbf16, #tpu.memory_space<vmem>>
        %dma_start3A_277 = arith.constant 0 : i32
        %dma_start3A_278 = tpu.memref_slice %arg7[%add3A_271, %dma_start3A_277] : memref<125x80xi32, #tpu.memory_space<vmem>> -> memref<1x80xi32, #tpu.memory_space<vmem>>
        %dma_start3A_279 = tpu.memref_squeeze %dma_start3A_278 : memref<1x80xi32, #tpu.memory_space<vmem>> -> memref<80xi32, #tpu.memory_space<vmem>>
        %dma_start3A_280 = arith.constant 0 : i32
        %dma_start3A_281 = arith.constant 0 : i32
        %dma_start3A_282 = tpu.memref_slice %arg2[%dma_start3A_280, %dma_start3A_281] : memref<10000x128xbf16, #tpu.memory_space<hbm>> -> memref<10000x128xbf16, #tpu.memory_space<hbm>>
        tpu.enqueue_indirect_dma source(%dma_start3A_282 : memref<10000x128xbf16, #tpu.memory_space<hbm>>) target(%dma_start3A_276 : memref<80x128xbf16, #tpu.memory_space<vmem>>) offsets(%dma_start3A_279 : memref<80xi32, #tpu.memory_space<vmem>>) semaphore(%arg12 : memref<!tpu.dma_semaphore, #tpu.memory_space<semaphore_mem>>)
      } else {
      }
      %mul3A_194 = arith.constant 5 : i32
      %mul3A_195 = arith.muli %scan3A_81, %mul3A_194 : i32
      %add3A_196 = arith.constant 3 : i32
      %add3A_197 = arith.addi %mul3A_195, %add3A_196 : i32
      %dma_wait3A_198 = arith.constant 3 : i32
      %dma_wait3A_199 = arith.constant 0 : i32
      %dma_wait3A_200 = arith.constant 0 : i32
      %dma_wait3A_201 = tpu.memref_slice %arg9[%dma_wait3A_198, %dma_wait3A_199, %dma_wait3A_200] : memref<5x80x128xbf16, #tpu.memory_space<vmem>> -> memref<1x80x128xbf16, #tpu.memory_space<vmem>>
      %dma_wait3A_202 = tpu.memref_squeeze %dma_wait3A_201 : memref<1x80x128xbf16, #tpu.memory_space<vmem>> -> memref<80x128xbf16, #tpu.memory_space<vmem>>
      %dma_wait3A_203 = arith.constant 0 : i32
      %dma_wait3A_204 = tpu.memref_slice %arg7[%add3A_197, %dma_wait3A_203] : memref<125x80xi32, #tpu.memory_space<vmem>> -> memref<1x80xi32, #tpu.memory_space<vmem>>
      %dma_wait3A_205 = tpu.memref_squeeze %dma_wait3A_204 : memref<1x80xi32, #tpu.memory_space<vmem>> -> memref<80xi32, #tpu.memory_space<vmem>>
      %dma_wait3A_206 = arith.constant 0 : i32
      %dma_wait3A_207 = arith.constant 0 : i32
      %dma_wait3A_208 = tpu.memref_slice %arg2[%dma_wait3A_206, %dma_wait3A_207] : memref<10000x128xbf16, #tpu.memory_space<hbm>> -> memref<10000x128xbf16, #tpu.memory_space<hbm>>
      tpu.wait_indirect_dma semaphore(%arg12 : memref<!tpu.dma_semaphore, #tpu.memory_space<semaphore_mem>>) src(%dma_wait3A_208 : memref<10000x128xbf16, #tpu.memory_space<hbm>>) dst(%dma_wait3A_202 : memref<80x128xbf16, #tpu.memory_space<vmem>>)
      %dma_start3A_209 = arith.constant 3 : i32
      %dma_start3A_210 = arith.constant 0 : i32
      %dma_start3A_211 = arith.constant 0 : i32
      %dma_start3A_212 = tpu.memref_slice %arg9[%dma_start3A_209, %dma_start3A_210, %dma_start3A_211] : memref<5x80x128xbf16, #tpu.memory_space<vmem>> -> memref<1x80x128xbf16, #tpu.memory_space<vmem>>
      %dma_start3A_213 = tpu.memref_squeeze %dma_start3A_212 : memref<1x80x128xbf16, #tpu.memory_space<vmem>> -> memref<80x128xbf16, #tpu.memory_space<vmem>>
      %dma_start3A_214 = arith.constant 0 : i32
      %dma_start3A_215 = tpu.memref_slice %arg8[%add3A_197, %dma_start3A_214] : memref<125x80xi32, #tpu.memory_space<vmem>> -> memref<1x80xi32, #tpu.memory_space<vmem>>
      %dma_start3A_216 = tpu.memref_squeeze %dma_start3A_215 : memref<1x80xi32, #tpu.memory_space<vmem>> -> memref<80xi32, #tpu.memory_space<vmem>>
      %dma_start3A_217 = arith.constant 0 : i32
      %dma_start3A_218 = arith.constant 0 : i32
      %dma_start3A_219 = tpu.memref_slice %arg11[%dma_start3A_217, %dma_start3A_218] : memref<10000x128xbf16, #tpu.memory_space<vmem_shared>> -> memref<10000x128xbf16, #tpu.memory_space<vmem_shared>>
      tpu.enqueue_indirect_dma source(%dma_start3A_213 : memref<80x128xbf16, #tpu.memory_space<vmem>>) target(%dma_start3A_219 : memref<10000x128xbf16, #tpu.memory_space<vmem_shared>>) offsets(%dma_start3A_216 : memref<80xi32, #tpu.memory_space<vmem>>) semaphore(%arg13 : memref<!tpu.dma_semaphore, #tpu.memory_space<semaphore_mem>>) {add = true}
      %ge3A_220 = arith.constant 1 : i32
      %ge3A_221 = arith.cmpi sge, %add3A_197, %ge3A_220 : i32
      %convert_element_type3A_222 = arith.extui %ge3A_221 : i1 to i32
      %cond3A_223 = arith.constant 0 : i32
      %cond3A_224 = arith.cmpi ne, %convert_element_type3A_222, %cond3A_223 : i32
      scf.if %cond3A_224 {
        %sub3A = arith.constant 1 : i32
        %sub3A_270 = arith.subi %add3A_197, %sub3A : i32
        %dma_wait3A_271 = arith.constant 2 : i32
        %dma_wait3A_272 = arith.constant 0 : i32
        %dma_wait3A_273 = arith.constant 0 : i32
        %dma_wait3A_274 = tpu.memref_slice %arg9[%dma_wait3A_271, %dma_wait3A_272, %dma_wait3A_273] : memref<5x80x128xbf16, #tpu.memory_space<vmem>> -> memref<1x80x128xbf16, #tpu.memory_space<vmem>>
        %dma_wait3A_275 = tpu.memref_squeeze %dma_wait3A_274 : memref<1x80x128xbf16, #tpu.memory_space<vmem>> -> memref<80x128xbf16, #tpu.memory_space<vmem>>
        %dma_wait3A_276 = arith.constant 0 : i32
        %dma_wait3A_277 = tpu.memref_slice %arg8[%sub3A_270, %dma_wait3A_276] : memref<125x80xi32, #tpu.memory_space<vmem>> -> memref<1x80xi32, #tpu.memory_space<vmem>>
        %dma_wait3A_278 = tpu.memref_squeeze %dma_wait3A_277 : memref<1x80xi32, #tpu.memory_space<vmem>> -> memref<80xi32, #tpu.memory_space<vmem>>
        %dma_wait3A_279 = arith.constant 0 : i32
        %dma_wait3A_280 = arith.constant 0 : i32
        %dma_wait3A_281 = tpu.memref_slice %arg11[%dma_wait3A_279, %dma_wait3A_280] : memref<10000x128xbf16, #tpu.memory_space<vmem_shared>> -> memref<10000x128xbf16, #tpu.memory_space<vmem_shared>>
        tpu.wait_indirect_dma semaphore(%arg13 : memref<!tpu.dma_semaphore, #tpu.memory_space<semaphore_mem>>) src(%dma_wait3A_275 : memref<80x128xbf16, #tpu.memory_space<vmem>>) dst(%dma_wait3A_281 : memref<10000x128xbf16, #tpu.memory_space<vmem_shared>>)
      } else {
      }
      %add3A_225 = arith.constant 4 : i32
      %add3A_226 = arith.addi %add3A_197, %add3A_225 : i32
      %lt3A_227 = arith.constant 125 : i32
      %lt3A_228 = arith.cmpi slt, %add3A_226, %lt3A_227 : i32
      %convert_element_type3A_229 = arith.extui %lt3A_228 : i1 to i32
      %cond3A_230 = arith.constant 0 : i32
      %cond3A_231 = arith.cmpi ne, %convert_element_type3A_229, %cond3A_230 : i32
      scf.if %cond3A_231 {
        %add3A_270 = arith.constant 4 : i32
        %add3A_271 = arith.addi %add3A_197, %add3A_270 : i32
        %dma_start3A_272 = arith.constant 2 : i32
        %dma_start3A_273 = arith.constant 0 : i32
        %dma_start3A_274 = arith.constant 0 : i32
        %dma_start3A_275 = tpu.memref_slice %arg9[%dma_start3A_272, %dma_start3A_273, %dma_start3A_274] : memref<5x80x128xbf16, #tpu.memory_space<vmem>> -> memref<1x80x128xbf16, #tpu.memory_space<vmem>>
        %dma_start3A_276 = tpu.memref_squeeze %dma_start3A_275 : memref<1x80x128xbf16, #tpu.memory_space<vmem>> -> memref<80x128xbf16, #tpu.memory_space<vmem>>
        %dma_start3A_277 = arith.constant 0 : i32
        %dma_start3A_278 = tpu.memref_slice %arg7[%add3A_271, %dma_start3A_277] : memref<125x80xi32, #tpu.memory_space<vmem>> -> memref<1x80xi32, #tpu.memory_space<vmem>>
        %dma_start3A_279 = tpu.memref_squeeze %dma_start3A_278 : memref<1x80xi32, #tpu.memory_space<vmem>> -> memref<80xi32, #tpu.memory_space<vmem>>
        %dma_start3A_280 = arith.constant 0 : i32
        %dma_start3A_281 = arith.constant 0 : i32
        %dma_start3A_282 = tpu.memref_slice %arg2[%dma_start3A_280, %dma_start3A_281] : memref<10000x128xbf16, #tpu.memory_space<hbm>> -> memref<10000x128xbf16, #tpu.memory_space<hbm>>
        tpu.enqueue_indirect_dma source(%dma_start3A_282 : memref<10000x128xbf16, #tpu.memory_space<hbm>>) target(%dma_start3A_276 : memref<80x128xbf16, #tpu.memory_space<vmem>>) offsets(%dma_start3A_279 : memref<80xi32, #tpu.memory_space<vmem>>) semaphore(%arg12 : memref<!tpu.dma_semaphore, #tpu.memory_space<semaphore_mem>>)
      } else {
      }
      %mul3A_232 = arith.constant 5 : i32
      %mul3A_233 = arith.muli %scan3A_81, %mul3A_232 : i32
      %add3A_234 = arith.constant 4 : i32
      %add3A_235 = arith.addi %mul3A_233, %add3A_234 : i32
      %dma_wait3A_236 = arith.constant 4 : i32
      %dma_wait3A_237 = arith.constant 0 : i32
      %dma_wait3A_238 = arith.constant 0 : i32
      %dma_wait3A_239 = tpu.memref_slice %arg9[%dma_wait3A_236, %dma_wait3A_237, %dma_wait3A_238] : memref<5x80x128xbf16, #tpu.memory_space<vmem>> -> memref<1x80x128xbf16, #tpu.memory_space<vmem>>
      %dma_wait3A_240 = tpu.memref_squeeze %dma_wait3A_239 : memref<1x80x128xbf16, #tpu.memory_space<vmem>> -> memref<80x128xbf16, #tpu.memory_space<vmem>>
      %dma_wait3A_241 = arith.constant 0 : i32
      %dma_wait3A_242 = tpu.memref_slice %arg7[%add3A_235, %dma_wait3A_241] : memref<125x80xi32, #tpu.memory_space<vmem>> -> memref<1x80xi32, #tpu.memory_space<vmem>>
      %dma_wait3A_243 = tpu.memref_squeeze %dma_wait3A_242 : memref<1x80xi32, #tpu.memory_space<vmem>> -> memref<80xi32, #tpu.memory_space<vmem>>
      %dma_wait3A_244 = arith.constant 0 : i32
      %dma_wait3A_245 = arith.constant 0 : i32
      %dma_wait3A_246 = tpu.memref_slice %arg2[%dma_wait3A_244, %dma_wait3A_245] : memref<10000x128xbf16, #tpu.memory_space<hbm>> -> memref<10000x128xbf16, #tpu.memory_space<hbm>>
      tpu.wait_indirect_dma semaphore(%arg12 : memref<!tpu.dma_semaphore, #tpu.memory_space<semaphore_mem>>) src(%dma_wait3A_246 : memref<10000x128xbf16, #tpu.memory_space<hbm>>) dst(%dma_wait3A_240 : memref<80x128xbf16, #tpu.memory_space<vmem>>)
      %dma_start3A_247 = arith.constant 4 : i32
      %dma_start3A_248 = arith.constant 0 : i32
      %dma_start3A_249 = arith.constant 0 : i32
      %dma_start3A_250 = tpu.memref_slice %arg9[%dma_start3A_247, %dma_start3A_248, %dma_start3A_249] : memref<5x80x128xbf16, #tpu.memory_space<vmem>> -> memref<1x80x128xbf16, #tpu.memory_space<vmem>>
      %dma_start3A_251 = tpu.memref_squeeze %dma_start3A_250 : memref<1x80x128xbf16, #tpu.memory_space<vmem>> -> memref<80x128xbf16, #tpu.memory_space<vmem>>
      %dma_start3A_252 = arith.constant 0 : i32
      %dma_start3A_253 = tpu.memref_slice %arg8[%add3A_235, %dma_start3A_252] : memref<125x80xi32, #tpu.memory_space<vmem>> -> memref<1x80xi32, #tpu.memory_space<vmem>>
      %dma_start3A_254 = tpu.memref_squeeze %dma_start3A_253 : memref<1x80xi32, #tpu.memory_space<vmem>> -> memref<80xi32, #tpu.memory_space<vmem>>
      %dma_start3A_255 = arith.constant 0 : i32
      %dma_start3A_256 = arith.constant 0 : i32
      %dma_start3A_257 = tpu.memref_slice %arg11[%dma_start3A_255, %dma_start3A_256] : memref<10000x128xbf16, #tpu.memory_space<vmem_shared>> -> memref<10000x128xbf16, #tpu.memory_space<vmem_shared>>
      tpu.enqueue_indirect_dma source(%dma_start3A_251 : memref<80x128xbf16, #tpu.memory_space<vmem>>) target(%dma_start3A_257 : memref<10000x128xbf16, #tpu.memory_space<vmem_shared>>) offsets(%dma_start3A_254 : memref<80xi32, #tpu.memory_space<vmem>>) semaphore(%arg13 : memref<!tpu.dma_semaphore, #tpu.memory_space<semaphore_mem>>) {add = true}
      %ge3A_258 = arith.constant 1 : i32
      %ge3A_259 = arith.cmpi sge, %add3A_235, %ge3A_258 : i32
      %convert_element_type3A_260 = arith.extui %ge3A_259 : i1 to i32
      %cond3A_261 = arith.constant 0 : i32
      %cond3A_262 = arith.cmpi ne, %convert_element_type3A_260, %cond3A_261 : i32
      scf.if %cond3A_262 {
        %sub3A = arith.constant 1 : i32
        %sub3A_270 = arith.subi %add3A_235, %sub3A : i32
        %dma_wait3A_271 = arith.constant 3 : i32
        %dma_wait3A_272 = arith.constant 0 : i32
        %dma_wait3A_273 = arith.constant 0 : i32
        %dma_wait3A_274 = tpu.memref_slice %arg9[%dma_wait3A_271, %dma_wait3A_272, %dma_wait3A_273] : memref<5x80x128xbf16, #tpu.memory_space<vmem>> -> memref<1x80x128xbf16, #tpu.memory_space<vmem>>
        %dma_wait3A_275 = tpu.memref_squeeze %dma_wait3A_274 : memref<1x80x128xbf16, #tpu.memory_space<vmem>> -> memref<80x128xbf16, #tpu.memory_space<vmem>>
        %dma_wait3A_276 = arith.constant 0 : i32
        %dma_wait3A_277 = tpu.memref_slice %arg8[%sub3A_270, %dma_wait3A_276] : memref<125x80xi32, #tpu.memory_space<vmem>> -> memref<1x80xi32, #tpu.memory_space<vmem>>
        %dma_wait3A_278 = tpu.memref_squeeze %dma_wait3A_277 : memref<1x80xi32, #tpu.memory_space<vmem>> -> memref<80xi32, #tpu.memory_space<vmem>>
        %dma_wait3A_279 = arith.constant 0 : i32
        %dma_wait3A_280 = arith.constant 0 : i32
        %dma_wait3A_281 = tpu.memref_slice %arg11[%dma_wait3A_279, %dma_wait3A_280] : memref<10000x128xbf16, #tpu.memory_space<vmem_shared>> -> memref<10000x128xbf16, #tpu.memory_space<vmem_shared>>
        tpu.wait_indirect_dma semaphore(%arg13 : memref<!tpu.dma_semaphore, #tpu.memory_space<semaphore_mem>>) src(%dma_wait3A_275 : memref<80x128xbf16, #tpu.memory_space<vmem>>) dst(%dma_wait3A_281 : memref<10000x128xbf16, #tpu.memory_space<vmem_shared>>)
      } else {
      }
      %add3A_263 = arith.constant 4 : i32
      %add3A_264 = arith.addi %add3A_235, %add3A_263 : i32
      %lt3A_265 = arith.constant 125 : i32
      %lt3A_266 = arith.cmpi slt, %add3A_264, %lt3A_265 : i32
      %convert_element_type3A_267 = arith.extui %lt3A_266 : i1 to i32
      %cond3A_268 = arith.constant 0 : i32
      %cond3A_269 = arith.cmpi ne, %convert_element_type3A_267, %cond3A_268 : i32
      scf.if %cond3A_269 {
        %add3A_270 = arith.constant 4 : i32
        %add3A_271 = arith.addi %add3A_235, %add3A_270 : i32
        %dma_start3A_272 = arith.constant 3 : i32
        %dma_start3A_273 = arith.constant 0 : i32
        %dma_start3A_274 = arith.constant 0 : i32
        %dma_start3A_275 = tpu.memref_slice %arg9[%dma_start3A_272, %dma_start3A_273, %dma_start3A_274] : memref<5x80x128xbf16, #tpu.memory_space<vmem>> -> memref<1x80x128xbf16, #tpu.memory_space<vmem>>
        %dma_start3A_276 = tpu.memref_squeeze %dma_start3A_275 : memref<1x80x128xbf16, #tpu.memory_space<vmem>> -> memref<80x128xbf16, #tpu.memory_space<vmem>>
        %dma_start3A_277 = arith.constant 0 : i32
        %dma_start3A_278 = tpu.memref_slice %arg7[%add3A_271, %dma_start3A_277] : memref<125x80xi32, #tpu.memory_space<vmem>> -> memref<1x80xi32, #tpu.memory_space<vmem>>
        %dma_start3A_279 = tpu.memref_squeeze %dma_start3A_278 : memref<1x80xi32, #tpu.memory_space<vmem>> -> memref<80xi32, #tpu.memory_space<vmem>>
        %dma_start3A_280 = arith.constant 0 : i32
        %dma_start3A_281 = arith.constant 0 : i32
        %dma_start3A_282 = tpu.memref_slice %arg2[%dma_start3A_280, %dma_start3A_281] : memref<10000x128xbf16, #tpu.memory_space<hbm>> -> memref<10000x128xbf16, #tpu.memory_space<hbm>>
        tpu.enqueue_indirect_dma source(%dma_start3A_282 : memref<10000x128xbf16, #tpu.memory_space<hbm>>) target(%dma_start3A_276 : memref<80x128xbf16, #tpu.memory_space<vmem>>) offsets(%dma_start3A_279 : memref<80xi32, #tpu.memory_space<vmem>>) semaphore(%arg12 : memref<!tpu.dma_semaphore, #tpu.memory_space<semaphore_mem>>)
      } else {
      }
    }
    %scan3A_58 = arith.constant 25 : i32
    %dma_wait3A = arith.constant 4 : i32
    %dma_wait3A_59 = arith.constant 124 : i32
    %dma_wait3A_60 = arith.constant 0 : i32
    %dma_wait3A_61 = arith.constant 0 : i32
    %dma_wait3A_62 = tpu.memref_slice %arg9[%dma_wait3A, %dma_wait3A_60, %dma_wait3A_61] : memref<5x80x128xbf16, #tpu.memory_space<vmem>> -> memref<1x80x128xbf16, #tpu.memory_space<vmem>>
    %dma_wait3A_63 = tpu.memref_squeeze %dma_wait3A_62 : memref<1x80x128xbf16, #tpu.memory_space<vmem>> -> memref<80x128xbf16, #tpu.memory_space<vmem>>
    %dma_wait3A_64 = arith.constant 0 : i32
    %dma_wait3A_65 = tpu.memref_slice %arg8[%dma_wait3A_59, %dma_wait3A_64] : memref<125x80xi32, #tpu.memory_space<vmem>> -> memref<1x80xi32, #tpu.memory_space<vmem>>
    %dma_wait3A_66 = tpu.memref_squeeze %dma_wait3A_65 : memref<1x80xi32, #tpu.memory_space<vmem>> -> memref<80xi32, #tpu.memory_space<vmem>>
    %dma_wait3A_67 = arith.constant 0 : i32
    %dma_wait3A_68 = arith.constant 0 : i32
    %dma_wait3A_69 = tpu.memref_slice %arg11[%dma_wait3A_67, %dma_wait3A_68] : memref<10000x128xbf16, #tpu.memory_space<vmem_shared>> -> memref<10000x128xbf16, #tpu.memory_space<vmem_shared>>
    tpu.wait_indirect_dma semaphore(%arg13 : memref<!tpu.dma_semaphore, #tpu.memory_space<semaphore_mem>>) src(%dma_wait3A_63 : memref<80x128xbf16, #tpu.memory_space<vmem>>) dst(%dma_wait3A_69 : memref<10000x128xbf16, #tpu.memory_space<vmem_shared>>)
    %barrier3A_70 = arith.constant 0 : index
    tpu.barrier barrier_id(%barrier3A_70)
    %lt3A_71 = arith.constant 15 : i32
    %lt3A_72 = arith.cmpi slt, %arg1, %lt3A_71 : i32
    %convert_element_type3A_73 = arith.extui %lt3A_72 : i1 to i32
    %cond3A_74 = arith.constant 0 : i32
    %cond3A_75 = arith.cmpi ne, %convert_element_type3A_73, %cond3A_74 : i32
    scf.if %cond3A_75 {
      "tpu.region"() ({
        %run_scoped3A = tpu.sem_alloc : memref<!tpu.dma_semaphore, #tpu.memory_space<semaphore_mem>>
        %dma_start3A_81 = arith.constant 0 : i32
        %dma_start3A_82 = tpu.memref_slice %arg6[%arg0, %mul3A_0, %dma_start3A_81] : memref<2x10000x128xbf16, #tpu.memory_space<hbm>> -> memref<1x640x128xbf16, #tpu.memory_space<hbm>>
        %dma_start3A_83 = tpu.memref_squeeze %dma_start3A_82 : memref<1x640x128xbf16, #tpu.memory_space<hbm>> -> memref<640x128xbf16, #tpu.memory_space<hbm>>
        %dma_start3A_84 = arith.constant 0 : i32
        %dma_start3A_85 = tpu.memref_slice %arg11[%mul3A_0, %dma_start3A_84] : memref<10000x128xbf16, #tpu.memory_space<vmem_shared>> -> memref<640x128xbf16, #tpu.memory_space<vmem_shared>>
        tpu.enqueue_dma source(%dma_start3A_85 : memref<640x128xbf16, #tpu.memory_space<vmem_shared>>) target(%dma_start3A_83 : memref<640x128xbf16, #tpu.memory_space<hbm>>) target_semaphore(%run_scoped3A : memref<!tpu.dma_semaphore, #tpu.memory_space<semaphore_mem>>)
        %dma_wait3A_86 = arith.constant 0 : i32
        %dma_wait3A_87 = tpu.memref_slice %arg6[%arg0, %mul3A_0, %dma_wait3A_86] : memref<2x10000x128xbf16, #tpu.memory_space<hbm>> -> memref<1x640x128xbf16, #tpu.memory_space<hbm>>
        %dma_wait3A_88 = tpu.memref_squeeze %dma_wait3A_87 : memref<1x640x128xbf16, #tpu.memory_space<hbm>> -> memref<640x128xbf16, #tpu.memory_space<hbm>>
        %dma_wait3A_89 = arith.constant 0 : i32
        %dma_wait3A_90 = tpu.memref_slice %arg11[%mul3A_0, %dma_wait3A_89] : memref<10000x128xbf16, #tpu.memory_space<vmem_shared>> -> memref<640x128xbf16, #tpu.memory_space<vmem_shared>>
        tpu.wait_dma2 semaphore(%run_scoped3A : memref<!tpu.dma_semaphore, #tpu.memory_space<semaphore_mem>>) src(%dma_wait3A_90 : memref<640x128xbf16, #tpu.memory_space<vmem_shared>>) dst(%dma_wait3A_88 : memref<640x128xbf16, #tpu.memory_space<hbm>>)
        tpu.yield
      }) : () -> ()
    } else {
    }
    %eq3A_76 = arith.constant 15 : i32
    %eq3A_77 = arith.cmpi eq, %arg1, %eq3A_76 : i32
    %convert_element_type3A_78 = arith.extui %eq3A_77 : i1 to i32
    %cond3A_79 = arith.constant 0 : i32
    %cond3A_80 = arith.cmpi ne, %convert_element_type3A_78, %cond3A_79 : i32
    scf.if %cond3A_80 {
      "tpu.region"() ({
        %run_scoped3A = tpu.sem_alloc : memref<!tpu.dma_semaphore, #tpu.memory_space<semaphore_mem>>
        %dma_start3A_81 = arith.constant 0 : i32
        %dma_start3A_82 = tpu.memref_slice %arg6[%arg0, %mul3A_0, %dma_start3A_81] : memref<2x10000x128xbf16, #tpu.memory_space<hbm>> -> memref<1x400x128xbf16, #tpu.memory_space<hbm>>
        %dma_start3A_83 = tpu.memref_squeeze %dma_start3A_82 : memref<1x400x128xbf16, #tpu.memory_space<hbm>> -> memref<400x128xbf16, #tpu.memory_space<hbm>>
        %dma_start3A_84 = arith.constant 0 : i32
        %dma_start3A_85 = tpu.memref_slice %arg11[%mul3A_0, %dma_start3A_84] : memref<10000x128xbf16, #tpu.memory_space<vmem_shared>> -> memref<400x128xbf16, #tpu.memory_space<vmem_shared>>
        tpu.enqueue_dma source(%dma_start3A_85 : memref<400x128xbf16, #tpu.memory_space<vmem_shared>>) target(%dma_start3A_83 : memref<400x128xbf16, #tpu.memory_space<hbm>>) target_semaphore(%run_scoped3A : memref<!tpu.dma_semaphore, #tpu.memory_space<semaphore_mem>>)
        %dma_wait3A_86 = arith.constant 0 : i32
        %dma_wait3A_87 = tpu.memref_slice %arg6[%arg0, %mul3A_0, %dma_wait3A_86] : memref<2x10000x128xbf16, #tpu.memory_space<hbm>> -> memref<1x400x128xbf16, #tpu.memory_space<hbm>>
        %dma_wait3A_88 = tpu.memref_squeeze %dma_wait3A_87 : memref<1x400x128xbf16, #tpu.memory_space<hbm>> -> memref<400x128xbf16, #tpu.memory_space<hbm>>
        %dma_wait3A_89 = arith.constant 0 : i32
        %dma_wait3A_90 = tpu.memref_slice %arg11[%mul3A_0, %dma_wait3A_89] : memref<10000x128xbf16, #tpu.memory_space<vmem_shared>> -> memref<400x128xbf16, #tpu.memory_space<vmem_shared>>
        tpu.wait_dma2 semaphore(%run_scoped3A : memref<!tpu.dma_semaphore, #tpu.memory_space<semaphore_mem>>) src(%dma_wait3A_90 : memref<400x128xbf16, #tpu.memory_space<vmem_shared>>) dst(%dma_wait3A_88 : memref<400x128xbf16, #tpu.memory_space<hbm>>)
        tpu.yield
      }) : () -> ()
    } else {
    }
    return
  }
}

module attributes {stable_mosaic.version = 14 : i64} {
  func.func @_dense_body(%arg0: i32, %arg1: memref<2x1000x128xbf16, #tpu.memory_space<vmem>>, %arg2: memref<2x1000x16xf32, #tpu.memory_space<vmem>>, %arg3: memref<1000x128xf32, #tpu.memory_space<vmem>>, %arg4: memref<128x128xf32, #tpu.memory_space<vmem>>, %arg5: memref<1x128xf32, #tpu.memory_space<vmem>>, %arg6: memref<128x128xf32, #tpu.memory_space<vmem>>, %arg7: memref<1000x128xf32, #tpu.memory_space<vmem>>, %arg8: memref<1000x128xbf16, #tpu.memory_space<vmem>>) attributes {dimension_semantics = [#tpu.dimension_semantics<arbitrary>], iteration_bounds = array<i64: 10>, scalar_prefetch = 0 : i64, scratch_operands = 0 : i64, tpu.core_type = #tpu.core_type<tc>, window_params = [{transform_indices = @transform_0, window_bounds = array<i64: 2, 1000, 128>}, {transform_indices = @transform_1, window_bounds = array<i64: 2, 1000, 16>}, {transform_indices = @transform_2, window_bounds = array<i64: 1000, 128>}, {pipeline_mode = #tpu.pipeline_mode<synchronous>, transform_indices = @transform_3, window_bounds = array<i64: 128, 128>}, {pipeline_mode = #tpu.pipeline_mode<synchronous>, transform_indices = @transform_4, window_bounds = array<i64: 1, 128>}, {pipeline_mode = #tpu.pipeline_mode<synchronous>, transform_indices = @transform_5, window_bounds = array<i64: 128, 128>}, {transform_indices = @transform_6, window_bounds = array<i64: 1000, 128>}, {transform_indices = @transform_7, window_bounds = array<i64: 1000, 128>}]} {
    %get3A = arith.constant 0 : index
    %get3A_0 = arith.constant 0 : index
    %get3A_1 = arith.constant 0 : index
    %get3A_2 = vector.load %arg2[%get3A, %get3A_0, %get3A_1] : memref<2x1000x16xf32, #tpu.memory_space<vmem>>, vector<1x1000x1xf32>
    %get3A_3 = vector.shape_cast %get3A_2 : vector<1x1000x1xf32> to vector<1000xf32>
    %get3A_4 = arith.constant 1 : index
    %get3A_5 = arith.constant 0 : index
    %get3A_6 = arith.constant 0 : index
    %get3A_7 = vector.load %arg2[%get3A_4, %get3A_5, %get3A_6] : memref<2x1000x16xf32, #tpu.memory_space<vmem>>, vector<1x1000x1xf32>
    %get3A_8 = vector.shape_cast %get3A_7 : vector<1x1000x1xf32> to vector<1000xf32>
    %add3A = arith.addf %get3A_3, %get3A_8 : vector<1000xf32>
    %get3A_9 = arith.constant 0 : index
    %get3A_10 = arith.constant 0 : index
    %get3A_11 = arith.constant 0 : index
    %get3A_12 = vector.load %arg1[%get3A_9, %get3A_10, %get3A_11] : memref<2x1000x128xbf16, #tpu.memory_space<vmem>>, vector<1x1000x128xbf16>
    %get3A_13 = vector.shape_cast %get3A_12 : vector<1x1000x128xbf16> to vector<1000x128xbf16>
    %convert_element_type3A = arith.extf %get3A_13 : vector<1000x128xbf16> to vector<1000x128xf32>
    %get3A_14 = arith.constant 1 : index
    %get3A_15 = arith.constant 0 : index
    %get3A_16 = arith.constant 0 : index
    %get3A_17 = vector.load %arg1[%get3A_14, %get3A_15, %get3A_16] : memref<2x1000x128xbf16, #tpu.memory_space<vmem>>, vector<1x1000x128xbf16>
    %get3A_18 = vector.shape_cast %get3A_17 : vector<1x1000x128xbf16> to vector<1000x128xbf16>
    %convert_element_type3A_19 = arith.extf %get3A_18 : vector<1000x128xbf16> to vector<1000x128xf32>
    %add3A_20 = arith.addf %convert_element_type3A, %convert_element_type3A_19 : vector<1000x128xf32>
    %max3A = arith.constant 1.000000e+00 : f32
    %max3A_21 = vector.broadcast %max3A : f32 to vector<1000xf32>
    %max3A_22 = arith.maximumf %add3A, %max3A_21 : vector<1000xf32>
    %broadcast_in_dim3A = vector.shape_cast %max3A_22 : vector<1000xf32> to vector<1000x1xf32>
    %div3A = vector.broadcast %broadcast_in_dim3A : vector<1000x1xf32> to vector<1000x128xf32>
    %div3A_23 = arith.divf %add3A_20, %div3A : vector<1000x128xf32>
    %get3A_24 = arith.constant 0 : index
    %get3A_25 = arith.constant 0 : index
    %get3A_26 = vector.load %arg4[%get3A_24, %get3A_25] : memref<128x128xf32, #tpu.memory_space<vmem>>, vector<128x128xf32>
    %dot_general3A = arith.constant dense<0.000000e+00> : vector<1000x128xf32>
    %dot_general3A_27 = tpu.matmul %div3A_23, %get3A_26, %dot_general3A {dimension_numbers = #tpu.dot_dimension_numbers<[1], [0], [0], [1], [0, 0, 1, 1], [], []>, transpose_lhs_hint = false} : vector<1000x128xf32>, vector<128x128xf32>, vector<1000x128xf32> -> vector<1000x128xf32>
    %get3A_28 = arith.constant 0 : index
    %get3A_29 = arith.constant 0 : index
    %get3A_30 = vector.load %arg3[%get3A_28, %get3A_29] : memref<1000x128xf32, #tpu.memory_space<vmem>>, vector<1000x128xf32>
    %get3A_31 = arith.constant 0 : index
    %get3A_32 = arith.constant 0 : index
    %get3A_33 = vector.load %arg6[%get3A_31, %get3A_32] : memref<128x128xf32, #tpu.memory_space<vmem>>, vector<128x128xf32>
    %dot_general3A_34 = arith.constant dense<0.000000e+00> : vector<1000x128xf32>
    %dot_general3A_35 = tpu.matmul %get3A_30, %get3A_33, %dot_general3A_34 {dimension_numbers = #tpu.dot_dimension_numbers<[1], [0], [0], [1], [0, 0, 1, 1], [], []>, transpose_lhs_hint = false} : vector<1000x128xf32>, vector<128x128xf32>, vector<1000x128xf32> -> vector<1000x128xf32>
    %add3A_36 = arith.addf %dot_general3A_27, %dot_general3A_35 : vector<1000x128xf32>
    %get3A_37 = arith.constant 0 : index
    %get3A_38 = arith.constant 0 : index
    %get3A_39 = vector.load %arg3[%get3A_37, %get3A_38] : memref<1000x128xf32, #tpu.memory_space<vmem>>, vector<1000x128xf32>
    %add3A_40 = arith.addf %add3A_36, %get3A_39 : vector<1000x128xf32>
    %get3A_41 = arith.constant 0 : index
    %get3A_42 = arith.constant 0 : index
    %get3A_43 = vector.load %arg5[%get3A_41, %get3A_42] : memref<1x128xf32, #tpu.memory_space<vmem>>, vector<1x128xf32>
    %add3A_44 = vector.broadcast %get3A_43 : vector<1x128xf32> to vector<1000x128xf32>
    %add3A_45 = arith.addf %add3A_40, %add3A_44 : vector<1000x128xf32>
    %max3A_46 = arith.constant 0.000000e+00 : f32
    %max3A_47 = vector.broadcast %max3A_46 : f32 to vector<1000x128xf32>
    %max3A_48 = arith.maximumf %add3A_45, %max3A_47 : vector<1000x128xf32>
    %swap3A = arith.constant 0 : index
    %swap3A_49 = arith.constant 0 : index
    %swap3A_50 = vector.load %arg7[%swap3A, %swap3A_49] : memref<1000x128xf32, #tpu.memory_space<vmem>>, vector<1000x128xf32>
    tpu.vector_store %arg7[%swap3A, %swap3A_49], %max3A_48 {strides = array<i32>} : memref<1000x128xf32, #tpu.memory_space<vmem>>, vector<1000x128xf32>,
    %convert_element_type3A_51 = arith.truncf %max3A_48 : vector<1000x128xf32> to vector<1000x128xbf16>
    %swap3A_52 = arith.constant 0 : index
    %swap3A_53 = arith.constant 0 : index
    %swap3A_54 = vector.load %arg8[%swap3A_52, %swap3A_53] : memref<1000x128xbf16, #tpu.memory_space<vmem>>, vector<1000x128xbf16>
    tpu.vector_store %arg8[%swap3A_52, %swap3A_53], %convert_element_type3A_51 {strides = array<i32>} : memref<1000x128xbf16, #tpu.memory_space<vmem>>, vector<1000x128xbf16>,
    return
  }
  func.func @transform_0(%arg0: i32) -> (i32, i32, i32) {
    %c0_i32 = arith.constant 0 : i32
    %c0_i32_0 = arith.constant 0 : i32
    %c0_i32_1 = arith.constant 0 : i32
    return %c0_i32, %arg0, %c0_i32_0 : i32, i32, i32
  }
  func.func @transform_1(%arg0: i32) -> (i32, i32, i32) {
    %c0_i32 = arith.constant 0 : i32
    %c0_i32_0 = arith.constant 0 : i32
    %c0_i32_1 = arith.constant 0 : i32
    return %c0_i32, %arg0, %c0_i32_0 : i32, i32, i32
  }
  func.func @transform_2(%arg0: i32) -> (i32, i32) {
    %c0_i32 = arith.constant 0 : i32
    %c0_i32_0 = arith.constant 0 : i32
    return %arg0, %c0_i32 : i32, i32
  }
  func.func @transform_3(%arg0: i32) -> (i32, i32) {
    %c0_i32 = arith.constant 0 : i32
    %c0_i32_0 = arith.constant 0 : i32
    %c0_i32_1 = arith.constant 0 : i32
    return %c0_i32, %c0_i32_0 : i32, i32
  }
  func.func @transform_4(%arg0: i32) -> (i32, i32) {
    %c0_i32 = arith.constant 0 : i32
    %c0_i32_0 = arith.constant 0 : i32
    %c0_i32_1 = arith.constant 0 : i32
    return %c0_i32, %c0_i32_0 : i32, i32
  }
  func.func @transform_5(%arg0: i32) -> (i32, i32) {
    %c0_i32 = arith.constant 0 : i32
    %c0_i32_0 = arith.constant 0 : i32
    %c0_i32_1 = arith.constant 0 : i32
    return %c0_i32, %c0_i32_0 : i32, i32
  }
  func.func @transform_6(%arg0: i32) -> (i32, i32) {
    %c0_i32 = arith.constant 0 : i32
    %c0_i32_0 = arith.constant 0 : i32
    return %arg0, %c0_i32 : i32, i32
  }
  func.func @transform_7(%arg0: i32) -> (i32, i32) {
    %c0_i32 = arith.constant 0 : i32
    %c0_i32_0 = arith.constant 0 : i32
    return %arg0, %c0_i32 : i32, i32
  }
}

module attributes {stable_mosaic.version = 14 : i64} {
  func.func @_dense_body(%arg0: i32, %arg1: memref<2x1000x128xbf16, #tpu.memory_space<vmem>>, %arg2: memref<2x1000x16xf32, #tpu.memory_space<vmem>>, %arg3: memref<1000x128xf32, #tpu.memory_space<vmem>>, %arg4: memref<128x128xf32, #tpu.memory_space<vmem>>, %arg5: memref<1x128xf32, #tpu.memory_space<vmem>>, %arg6: memref<128x128xf32, #tpu.memory_space<vmem>>, %arg7: memref<1000x128xf32, #tpu.memory_space<vmem>>) attributes {dimension_semantics = [#tpu.dimension_semantics<arbitrary>], iteration_bounds = array<i64: 10>, scalar_prefetch = 0 : i64, scratch_operands = 0 : i64, tpu.core_type = #tpu.core_type<tc>, window_params = [{transform_indices = @transform_0, window_bounds = array<i64: 2, 1000, 128>}, {transform_indices = @transform_1, window_bounds = array<i64: 2, 1000, 16>}, {transform_indices = @transform_2, window_bounds = array<i64: 1000, 128>}, {pipeline_mode = #tpu.pipeline_mode<synchronous>, transform_indices = @transform_3, window_bounds = array<i64: 128, 128>}, {pipeline_mode = #tpu.pipeline_mode<synchronous>, transform_indices = @transform_4, window_bounds = array<i64: 1, 128>}, {pipeline_mode = #tpu.pipeline_mode<synchronous>, transform_indices = @transform_5, window_bounds = array<i64: 128, 128>}, {transform_indices = @transform_6, window_bounds = array<i64: 1000, 128>}]} {
    %get3A = arith.constant 0 : index
    %get3A_0 = arith.constant 0 : index
    %get3A_1 = arith.constant 0 : index
    %get3A_2 = vector.load %arg2[%get3A, %get3A_0, %get3A_1] : memref<2x1000x16xf32, #tpu.memory_space<vmem>>, vector<1x1000x1xf32>
    %get3A_3 = vector.shape_cast %get3A_2 : vector<1x1000x1xf32> to vector<1000xf32>
    %get3A_4 = arith.constant 1 : index
    %get3A_5 = arith.constant 0 : index
    %get3A_6 = arith.constant 0 : index
    %get3A_7 = vector.load %arg2[%get3A_4, %get3A_5, %get3A_6] : memref<2x1000x16xf32, #tpu.memory_space<vmem>>, vector<1x1000x1xf32>
    %get3A_8 = vector.shape_cast %get3A_7 : vector<1x1000x1xf32> to vector<1000xf32>
    %add3A = arith.addf %get3A_3, %get3A_8 : vector<1000xf32>
    %get3A_9 = arith.constant 0 : index
    %get3A_10 = arith.constant 0 : index
    %get3A_11 = arith.constant 0 : index
    %get3A_12 = vector.load %arg1[%get3A_9, %get3A_10, %get3A_11] : memref<2x1000x128xbf16, #tpu.memory_space<vmem>>, vector<1x1000x128xbf16>
    %get3A_13 = vector.shape_cast %get3A_12 : vector<1x1000x128xbf16> to vector<1000x128xbf16>
    %convert_element_type3A = arith.extf %get3A_13 : vector<1000x128xbf16> to vector<1000x128xf32>
    %get3A_14 = arith.constant 1 : index
    %get3A_15 = arith.constant 0 : index
    %get3A_16 = arith.constant 0 : index
    %get3A_17 = vector.load %arg1[%get3A_14, %get3A_15, %get3A_16] : memref<2x1000x128xbf16, #tpu.memory_space<vmem>>, vector<1x1000x128xbf16>
    %get3A_18 = vector.shape_cast %get3A_17 : vector<1x1000x128xbf16> to vector<1000x128xbf16>
    %convert_element_type3A_19 = arith.extf %get3A_18 : vector<1000x128xbf16> to vector<1000x128xf32>
    %add3A_20 = arith.addf %convert_element_type3A, %convert_element_type3A_19 : vector<1000x128xf32>
    %max3A = arith.constant 1.000000e+00 : f32
    %max3A_21 = vector.broadcast %max3A : f32 to vector<1000xf32>
    %max3A_22 = arith.maximumf %add3A, %max3A_21 : vector<1000xf32>
    %broadcast_in_dim3A = vector.shape_cast %max3A_22 : vector<1000xf32> to vector<1000x1xf32>
    %div3A = vector.broadcast %broadcast_in_dim3A : vector<1000x1xf32> to vector<1000x128xf32>
    %div3A_23 = arith.divf %add3A_20, %div3A : vector<1000x128xf32>
    %get3A_24 = arith.constant 0 : index
    %get3A_25 = arith.constant 0 : index
    %get3A_26 = vector.load %arg4[%get3A_24, %get3A_25] : memref<128x128xf32, #tpu.memory_space<vmem>>, vector<128x128xf32>
    %dot_general3A = arith.constant dense<0.000000e+00> : vector<1000x128xf32>
    %dot_general3A_27 = tpu.matmul %div3A_23, %get3A_26, %dot_general3A {dimension_numbers = #tpu.dot_dimension_numbers<[1], [0], [0], [1], [0, 0, 1, 1], [], []>, transpose_lhs_hint = false} : vector<1000x128xf32>, vector<128x128xf32>, vector<1000x128xf32> -> vector<1000x128xf32>
    %get3A_28 = arith.constant 0 : index
    %get3A_29 = arith.constant 0 : index
    %get3A_30 = vector.load %arg3[%get3A_28, %get3A_29] : memref<1000x128xf32, #tpu.memory_space<vmem>>, vector<1000x128xf32>
    %get3A_31 = arith.constant 0 : index
    %get3A_32 = arith.constant 0 : index
    %get3A_33 = vector.load %arg6[%get3A_31, %get3A_32] : memref<128x128xf32, #tpu.memory_space<vmem>>, vector<128x128xf32>
    %dot_general3A_34 = arith.constant dense<0.000000e+00> : vector<1000x128xf32>
    %dot_general3A_35 = tpu.matmul %get3A_30, %get3A_33, %dot_general3A_34 {dimension_numbers = #tpu.dot_dimension_numbers<[1], [0], [0], [1], [0, 0, 1, 1], [], []>, transpose_lhs_hint = false} : vector<1000x128xf32>, vector<128x128xf32>, vector<1000x128xf32> -> vector<1000x128xf32>
    %add3A_36 = arith.addf %dot_general3A_27, %dot_general3A_35 : vector<1000x128xf32>
    %get3A_37 = arith.constant 0 : index
    %get3A_38 = arith.constant 0 : index
    %get3A_39 = vector.load %arg3[%get3A_37, %get3A_38] : memref<1000x128xf32, #tpu.memory_space<vmem>>, vector<1000x128xf32>
    %add3A_40 = arith.addf %add3A_36, %get3A_39 : vector<1000x128xf32>
    %get3A_41 = arith.constant 0 : index
    %get3A_42 = arith.constant 0 : index
    %get3A_43 = vector.load %arg5[%get3A_41, %get3A_42] : memref<1x128xf32, #tpu.memory_space<vmem>>, vector<1x128xf32>
    %add3A_44 = vector.broadcast %get3A_43 : vector<1x128xf32> to vector<1000x128xf32>
    %add3A_45 = arith.addf %add3A_40, %add3A_44 : vector<1000x128xf32>
    %swap3A = arith.constant 0 : index
    %swap3A_46 = arith.constant 0 : index
    %swap3A_47 = vector.load %arg7[%swap3A, %swap3A_46] : memref<1000x128xf32, #tpu.memory_space<vmem>>, vector<1000x128xf32>
    tpu.vector_store %arg7[%swap3A, %swap3A_46], %add3A_45 {strides = array<i32>} : memref<1000x128xf32, #tpu.memory_space<vmem>>, vector<1000x128xf32>,
    return
  }
  func.func @transform_0(%arg0: i32) -> (i32, i32, i32) {
    %c0_i32 = arith.constant 0 : i32
    %c0_i32_0 = arith.constant 0 : i32
    %c0_i32_1 = arith.constant 0 : i32
    return %c0_i32, %arg0, %c0_i32_0 : i32, i32, i32
  }
  func.func @transform_1(%arg0: i32) -> (i32, i32, i32) {
    %c0_i32 = arith.constant 0 : i32
    %c0_i32_0 = arith.constant 0 : i32
    %c0_i32_1 = arith.constant 0 : i32
    return %c0_i32, %arg0, %c0_i32_0 : i32, i32, i32
  }
  func.func @transform_2(%arg0: i32) -> (i32, i32) {
    %c0_i32 = arith.constant 0 : i32
    %c0_i32_0 = arith.constant 0 : i32
    return %arg0, %c0_i32 : i32, i32
  }
  func.func @transform_3(%arg0: i32) -> (i32, i32) {
    %c0_i32 = arith.constant 0 : i32
    %c0_i32_0 = arith.constant 0 : i32
    %c0_i32_1 = arith.constant 0 : i32
    return %c0_i32, %c0_i32_0 : i32, i32
  }
  func.func @transform_4(%arg0: i32) -> (i32, i32) {
    %c0_i32 = arith.constant 0 : i32
    %c0_i32_0 = arith.constant 0 : i32
    %c0_i32_1 = arith.constant 0 : i32
    return %c0_i32, %c0_i32_0 : i32, i32
  }
  func.func @transform_5(%arg0: i32) -> (i32, i32) {
    %c0_i32 = arith.constant 0 : i32
    %c0_i32_0 = arith.constant 0 : i32
    %c0_i32_1 = arith.constant 0 : i32
    return %c0_i32, %c0_i32_0 : i32, i32
  }
  func.func @transform_6(%arg0: i32) -> (i32, i32) {
    %c0_i32 = arith.constant 0 : i32
    %c0_i32_0 = arith.constant 0 : i32
    return %arg0, %c0_i32 : i32, i32
  }
}

</mosaic_0001>

<sc_bundles>
// kernel: kernel.6.cloned.1.call-start
scs
__scs_entry_jumppad:
0x0: {  	(pc) =	sbr.rel $0x88, $3  }
0x1: {  	(tag) =	ssettag $0x0;
	lr =	simm.s32 $0x1  }
0x2: {  	[smem:$0x3F99] =	sst lr;
	_ =	strace $0xD0000000  }
0x3: {  	_ = 	snop  }
0x4: {  	_ = 	snop  }
0x5: {  	_ = 	snop  }
0x6: {  	_ = 	snop  }
0x7: {  	_ = 	snop  }
__scs_overlays_trampoline_lowered:
0x8: {  	[smem:$0x3FA8] =	sst s0  }
0x9: {  	[smem:$0x3FA9] =	sst s1  }
0xa: {  	[smem:$0x3FAA] =	sst s2  }
0xb: {  	[smem:$0x3FAB] =	sst s3  }
0xc: {  	[smem:$0x3FAC] =	sst s4  }
0xd: {  	[smem:$0x3FAD] =	sst s5  }
0xe: {  	[smem:$0x3FAE] =	sst s6  }
0xf: {  	[smem:$0x3FAF] =	sst s7  }
0x10: {  	[smem:$0x3FB0] =	sst s8  }
0x11: {  	[smem:$0x3FB1] =	sst s9;
	s0 =	simm.s32 @!p0 $0x0  }
0x12: {  	s1 =	sld [smem:$0x3F97];
	s0 =	simm.s32 @p0 $0x1  }
0x13: {  	[smem:$0x3FB2] =	sst s0;
	s0 =	simm.s32 @!p1 $0x0  }
0x14: {  	s2 =	sld [smem:$0x3F96];
	s0 =	simm.s32 @p1 $0x1  }
0x15: {  	[smem:$0x3FB3] =	sst s0;
	s0 =	simm.s32 @!p2 $0x0  }
0x16: {  	s3 =	sld [smem:$0x3FDB];
	s0 =	simm.s32 @p2 $0x1  }
0x17: {  	s4 =	simm.s32 $0x1BF5;
	[smem:$0x3FB5] =	sst s0  }
0x18: {  	s0 =	sld [smem:$0x3F98];
	_ =	swait.ge [sflag:s4], $0x0  }
0x19: {  	s7 =	sld [smem:$0x3F99]  }
0x1a: {  	s8 =	sadd.s32 $0xFFFFE003, lr  }
0x1b: {  	s9 =	sadd.s32 $0xFFFFFEF7, lr;
	s5 =	simm.s32 $0xFFFFFFFF;
	p2 =	slt.u32 s8, $0xFFFFF086  }
0x1c: {  	p1 =	slt.u32 s9, $0xF7A;
	s5 =	simm.s32 @!p2 $0x0  }
0x1d: {  	s5 =	simm.s32 @p1 $0x1;
	p0 =	seq.s32 s7, s2  }
0x1e: {  	s7 =	smul.u32 @!p0 $0xF7A, s2;
	p2 =	seq.s32 @!p0 s5, $0x0  }
0x1f: {  	s9 =	smul.u32 $0xF7A, s1;
	s8 =	simm.s32 @!p0 $0x1BF5;
	p2 =	por !p2, p0  }
0x20: {  	[sflag:s8] =	ssyncset.s32 @!p0 $0xFFFFF086;
	s6 =	sadd.s32 @!p0 s3, s7;
	s7 =	simm.s32 @!p0 $0x108  }
0x21: {  	s3 =	sadd.s32 s3, s9;
	s6 =	sadd.s32 @!p0 $0x88, s6;
	s7 =	simm.s32 @p2 $0x1082  }
0x22: {  	[simem:s7], [sflag:s8] =	dma.local @!p0 [hbm:s6], $0xF7A  }
0x23: {  	s9 =	sor.u32 $0xD0000000, s2;
	s6 =	simm.s32 $0x108;
	_ =	swait.ge @!p0 [sflag:s8], $0x0  }
0x24: {  	s3 =	sadd.s32 $0x88, s3;
	s6 =	simm.s32 @!p1 $0x1082;
	[sflag:s4] =	ssyncset.s32 $0xFFFFF086  }
0x25: {  	[simem:s6], [sflag:s4] =	dma.local [hbm:s3], $0xF7A  }
0x26: {  	[smem:$0x3F99] =	sst s1;
	(tag) =	ssettag s2;
	_ =	strace s9  }
0x27: {  	s1 =	sld [smem:$0x3FA9]  }
0x28: {  	s2 =	sld [smem:$0x3FAA]  }
0x29: {  	s4 =	sld [smem:$0x3FAC]  }
0x2a: {  	p0 =	seq.s32 s5, $0x0;
	s5 =	sld [smem:$0x3FAD]  }
0x2b: {  	s6 =	sld [smem:$0x3FAE]  }
0x2c: {  	s7 =	sld [smem:$0x3FAF]  }
0x2d: {  	s3 =	simm.s32 $0x108;
	s8 =	sld [smem:$0x3FB0]  }
0x2e: {  	s3 =	simm.s32 @!p0 $0x1082;
	s9 =	sld [smem:$0x3FB1]  }
0x2f: {  	lr =	sadd.s32 s0, s3;
	s0 =	sld [smem:$0x3FA8]  }
0x30: {  	s3 =	sld [smem:$0x3FAB]  }
0x31: {  	[smem:$0x3FB4] =	sst s10  }
0x32: {  	s10 =	sld [smem:$0x3FB2];
	_ =	sdelay $0x3  }
0x33: {  	p0 =	seq.s32 s10, $0x1;
	s10 =	sld [smem:$0x3FB4];
	_ =	sdelay $0x3  }
0x34: {  	[smem:$0x3FB4] =	sst s10  }
0x35: {  	s10 =	sld [smem:$0x3FB3];
	_ =	sdelay $0x3  }
0x36: {  	p1 =	seq.s32 s10, $0x1;
	s10 =	sld [smem:$0x3FB4];
	_ =	sdelay $0x3  }
0x37: {  	[smem:$0x3FB4] =	sst s10  }
0x38: {  	s10 =	sld [smem:$0x3FB5]  }
0x39: {  	_ = 	snop;
	(pc) =	sbr.ind lr, $3  }
0x3a: {  	_ = 	snop  }
0x3b: {  	_ = 	snop  }
0x3c: {  	p2 =	seq.s32 s10, $0x1;
	s10 =	sld [smem:$0x3FB4]  }
0x3d: {  	_ =	shalt  }
0x3e: {  	_ =	shalt  }
0x3f: {  	_ =	shalt  }
0x40: {  	_ =	shalt  }
0x41: {  	_ =	shalt  }
0x42: {  	_ =	shalt  }
0x43: {  	_ =	shalt  }
0x44: {  	_ =	shalt  }
0x45: {  	_ =	shalt  }
0x46: {  	_ =	shalt  }
0x47: {  	_ =	shalt  }
0x48: {  	_ =	shalt  }
0x49: {  	_ =	shalt  }
0x4a: {  	_ =	shalt  }
0x4b: {  	_ =	shalt  }
0x4c: {  	_ =	shalt  }
0x4d: {  	_ =	shalt  }
0x4e: {  	_ =	shalt  }
0x4f: {  	_ =	shalt  }
0x50: {  	_ =	shalt  }
0x51: {  	_ =	shalt  }
0x52: {  	_ =	shalt  }
0x53: {  	_ =	shalt  }
0x54: {  	_ =	shalt  }
0x55: {  	_ =	shalt  }
0x56: {  	_ =	shalt  }
0x57: {  	_ =	shalt  }
0x58: {  	_ =	shalt  }
0x59: {  	_ =	shalt  }
0x5a: {  	_ =	shalt  }
0x5b: {  	_ =	shalt  }
0x5c: {  	_ =	shalt  }
0x5d: {  	_ =	shalt  }
0x5e: {  	_ =	shalt  }
0x5f: {  	_ =	shalt  }
0x60: {  	_ =	shalt  }
0x61: {  	_ =	shalt  }
0x62: {  	_ =	shalt  }
0x63: {  	_ =	shalt  }
0x64: {  	_ =	shalt  }
0x65: {  	_ =	shalt  }
0x66: {  	_ =	shalt  }
0x67: {  	_ =	shalt  }
0x68: {  	_ =	shalt  }
0x69: {  	_ =	shalt  }
0x6a: {  	_ =	shalt  }
0x6b: {  	_ =	shalt  }
0x6c: {  	_ =	shalt  }
0x6d: {  	_ =	shalt  }
0x6e: {  	_ =	shalt  }
0x6f: {  	_ =	shalt  }
0x70: {  	_ =	shalt  }
0x71: {  	_ =	shalt  }
0x72: {  	_ =	shalt  }
0x73: {  	_ =	shalt  }
0x74: {  	_ =	shalt  }
0x75: {  	_ =	shalt  }
0x76: {  	_ =	shalt  }
0x77: {  	_ =	shalt  }
0x78: {  	_ =	shalt  }
0x79: {  	_ =	shalt  }
0x7a: {  	_ =	shalt  }
0x7b: {  	_ =	shalt  }
0x7c: {  	_ =	shalt  }
0x7d: {  	_ =	shalt  }
0x7e: {  	_ =	shalt  }
0x7f: {  	_ =	shalt  }
0x80: {  	_ =	shalt  }
0x81: {  	_ =	shalt  }
0x82: {  	_ =	shalt  }
0x83: {  	_ =	shalt  }
0x84: {  	_ =	shalt  }
0x85: {  	_ =	shalt  }
0x86: {  	_ =	shalt  }
0x87: {  	_ =	shalt  }
.Lfunc_end0:
.L_simem_size_0:
called_computation_lowered:
.L_overlay_start_0:
0x88: {  	s2 =	sld [smem:$0x3FD9]  }
0x89: {  	s3 =	sld [smem:$0x3FFE];
	_ =	sdelay $0x1  }
0x8a: {  	s1 =	srdreg.scid  }
0x8b: {  	s0 =	sand.u32 $0x1, s1  }
0x8c: {  	s17 =	sshll.u32 s0, $0xA;
	s2 =	sadd.s32 s3, s2  }
0x8d: {  	s2 =	sadd.s32 s2, s17  }
0x8e: {  	[smem:$0x3FC0] =	sst s2  }
0x8f: {  	_ = 	snop  }
0x90: {  	s2 =	sld [smem:$0x3FD0];
	(tm) =	ssettm $0x1  }
0x91: {  	s18 =	sld [smem:$0x3FFB];
	_ =	sdelay $0x3  }
0x92: {  	_ =	strace s18  }
0x93: {  	s3 =	sld [smem:$0x3FFC];
	_ =	sdelay $0x3  }
0x94: {  	_ =	strace s3  }
0x95: {  	s3 =	sld [smem:$0x3FFD];
	_ =	sdelay $0x3  }
0x96: {  	_ =	strace s3  }
0x97: {  	_ =	strace $0x8FFFFFFF  }
0x98: {  	s19 =	sld [smem:$0x3FDB];
	_ =	sdelay $0x1  }
0x99: {  	s4 =	simm.s32 $_scs_section_size  }
0x9a: {  	s5 =	simm.s32 $_size__tile_overlayer_lowered;
	s6 =	simm.s32 $_tile_overlayer_lowered  }
0x9b: {  	s22 =	simm.s32 $0x1BFF;
	s21 =	sshll.u32 s6, $0x1;
	s3 =	sadd.s32 s4, s19  }
0x9c: {  	s7 =	simm.s32 $0x0;
	s20 =	sshll.u32 s5, $0x1;
	s5 =	sadd.s32 s21, s3  }
0x9d: {  	[timem:s7], [sflag:s22] =	dma.local [hbm:s5], s20  }
0x9e: {  	_ =	swait.ge [sflag:s22], s20  }
0x9f: {  	s4 =	ssub.s32 $0x0, s20;
	[sflag:s22] =	ssyncset.done $0x0  }
0xa0: {  	[sflag:s22] =	ssyncadd.s32 s4;
	_ =	sdelay $0x1  }
0xa1: {  	s23 =	simm.s32 $0x1B8B  }
0xa2: {  	_ =	swait.ge [sflag:s23], $0x1  }
0xa3: {  	[sflag:s23] =	ssyncset.done $0x0  }
0xa4: {  	s25 =	simm.s32 $0x1B8E;
	s24 =	sld [smem:$0x3FFE];
	[sflag:s23] =	ssyncadd.s32 $0xFFFFFFFF  }
0xa5: {  	s26 =	simm.s32 $execute0_lowered;
	[smem:$0x3FD2] =	sst s25  }
0xa6: {  	s5 =	sshll.u32 s26, $0x1;
	_ =	strace $0x80000046;
	[dreg:$0x1] =	wrdreg $0xFFFFFFFF  }
0xa7: {  	s28 =	simm.s32 $_size_execute0_lowered;
	s3 =	sadd.s32 s3, s5;
	[dreg:$0x0] =	wrdreg $0x0  }
0xa8: {  	s5 =	sshll.u32 s28, $0x1;
	[dreg:$0x2] =	wrdreg s3  }
0xa9: {  	[dreg:$0x3] =	wrdreg s5  }
0xaa: {  	[dreg:$0x4] =	wrdreg $0xC0  }
0xab: {  	_ =	task [dreg:s7], $0x5FFFF  }
0xac: {  	[dreg:$0x1] =	wrdreg $0xFFFFFFFF  }
0xad: {  	[dreg:$0x0] =	wrdreg $0x60  }
0xae: {  	[dreg:$0x2] =	wrdreg s24  }
0xaf: {  	[dreg:$0x3] =	wrdreg s2  }
0xb0: {  	[dreg:$0x4] =	wrdreg $0xCB200  }
0xb1: {  	[dreg:$0x5] =	wrdreg $0x167600  }
0xb2: {  	[dreg:$0x6] =	wrdreg $0x9  }
0xb3: {  	_ =	task.clear_ibuf [dreg:s7], $0x7FFFF;
	_ =	strace $0x90000046  }
0xb4: {  	s29 =	simm.s32 $0x9;
	_ =	strace $0x80000048  }
0xb5: {  	_ =	swait.ge [sflag:s29], $0x1  }
0xb6: {  	[sflag:s29] =	ssyncadd.s32 $0xFFFFFFFF  }
0xb7: {  	_ =	strace $0x90000048  }
0xb8: {  	_ =	sfence  }
0xb9: {  	s30 =	sld [smem:$0x0];
	_ =	sdelay $0x2  }
0xba: {  	s31 =	sshll.u32 s1, $0xD;
	s1 =	sshrl.u32 s1, $0x2  }
0xbb: {  	s3 =	sand.u32 $0x4000, s31;
	s1 =	sadd.s32 s1, s30  }
0xbc: {  	s0 =	sor.u32 s3, s0;
	s1 =	sshll.u32 s1, $0x11  }
0xbd: {  	s0 =	sor.u32 s1, s0  }
0xbe: {  	s0 =	sadd.s32 $0x8F2B, s0  }
0xbf: {  	[sflag:s0] =	ssyncadd.remote.s32 $0x1  }
0xc0: {  	_ =	sfence.sel $0xFFFF  }
0xc1: {  	[dreg:$0x0] =	wrdreg $0xFFFFFFFF;
	(pc) =	sbr.abs _section_cstart, $3  }
0xc2: {  	[dreg:$0x1] =	wrdreg $0xFFFFFFFF  }
0xc3: {  	_ =	task.clear_ibuf [dreg:s7], $0x2FFFF;
	_ =	strace $0x9FFFFFFF  }
0xc4: {  	(tm) =	ssettm $0x7FFFFFFF  }
0xc5: {  	_ =	shalt  }
tec
execute0_lowered:
.L_overlay_start_1:
0x0: {  	(tag) =	ssettag $0x1  }
0x1: {  	s0 =	rddreg [dreg:$0x0]  }
0x2: {  	s1 =	rddreg [dreg:$0x1];
	s15 =	stileid.u32  }
0x3: {  	s3 =	srdreg.scid;
	s5 =	smul.u32 $0x2710, s15  }
0x4: {  	s2 =	rddreg [dreg:$0x2];
	s4 =	simm.s32 $0x0;
	s11 =	smul.u32 $0x28000, s15  }
0x5: {  	s6 =	sand.u32 $0x1, s3;
	s3 =	rddreg [dreg:$0x3];
	s24 =	smul.u32 $0x14000, s15  }
0x6: {  	[smem:$0x7FF] =	sst s4;
	s20 =	sadd.s32 $0x2A00, s0;
	s13 =	smul.u32 $0x2800, s15  }
0x7: {  	s12 =	sadd.s32 $0x2A400, s0;
	s31 =	smul.u32 $0xA000, s15;
	p0 =	seq.s32 s15, $0xF  }
0x8: {  	s28 =	sadd.s32 $0x96000, s2;
	s15 =	simm.s32 $0x8A20;
	s8 =	smul.u32 $0x27100, s6  }
0x9: {  	_ =	strace $0x80000047;
	[dreg:$0x5] =	wrdreg s20;
	s10 =	ssub.s32 $0x2, s6  }
0xa: {  	[dreg:$0x6] =	wrdreg s12;
	s6 =	smul.u32 $0x138800, s6;
	s21 =	sshrl.u32 s10, $0x1  }
0xb: {  	s22 =	sshrl.u32 s11, $0x2;
	s11 =	simm.s32 $0x50;
	s5 =	sadd.s32 s5, s8  }
0xc: {  	s12 =	ssub.s32 s10, s21;
	s10 =	sadd.s32 s22, s2;
	s30 =	sadd.s32 s24, s6  }
0xd: {  	s16 =	sadd.s32 s13, s8;
	s21 =	sshrl.u32 s31, $0x2;
	s31 =	sadd.s32 $0x25800, s3  }
0xe: {  	s6 =	sshrl.u32 s6, $0x4;
	s25 =	sadd.s32 $0x1400, s10;
	[dreg:$0x1c] =	wrdreg s31  }
0xf: {  	s17 =	sshrl.u32 s8, $0x3;
	s26 =	sadd.s32 $0x2800, s10;
	[dreg:$0x9] =	wrdreg s25  }
0x10: {  	s22 =	sshrl.u32 s24, $0x1;
	s29 =	sadd.s32 $0x3C00, s10;
	[dreg:$0xa] =	wrdreg s26  }
0x11: {  	s7 =	sshrl.u32 s5, $0x3;
	s14 =	sadd.s32 $0x5000, s10;
	[dreg:$0xb] =	wrdreg s29  }
0x12: {  	s5 =	sadd.s32 $0x2E00, s0;
	s18 =	sadd.s32 $0x6400, s10;
	[dreg:$0xc] =	wrdreg s14  }
0x13: {  	s20 =	sadd.s32 $0x7800, s10;
	s8 =	sadd.s32 s22, s2;
	[dreg:$0xe] =	wrdreg s18  }
0x14: {  	s24 =	sadd.s32 $0x8C00, s10;
	s22 =	simm.s32 $0x2850;
	[dreg:$0x10] =	wrdreg s20  }
0x15: {  	s9 =	sadd.s32 s7, s0;
	[dreg:$0x17] =	wrdreg s24;
	s25 =	sadd.s32 $0x97400, s2  }
0x16: {  	s7 =	sadd.s32 $0x2A600, s0;
	s26 =	sadd.s32 $0x98800, s2;
	[dreg:$0x18] =	wrdreg s25  }
0x17: {  	s0 =	sadd.s32 $0x2AC00, s0;
	s29 =	sadd.s32 $0x99C00, s2;
	[dreg:$0x19] =	wrdreg s26  }
0x18: {  	s14 =	simm.s32 $0x7620;
	s23 =	sadd.s32 $0x20600, s9;
	[dreg:$0x1a] =	wrdreg s29  }
0x19: {  	s20 =	simm.s32 $0x27B0;
	s9 =	sadd.s32 $0x16800, s9;
	[dreg:$0x7] =	wrdreg s23  }
0x1a: {  	s24 =	simm.s32 $0x0;
	[dreg:$0x8] =	wrdreg s9;
	s9 =	sshrl.u32 s30, $0x4  }
0x1b: {  	s23 =	smax.u32 s12, $0x1;
	s30 =	sadd.s32 $0x9B000, s2;
	s12 =	simm.s32 $0x4E20  }
0x1c: {  	s9 =	sadd.s32 s1, s9;
	s1 =	sadd.s32 s1, s6;
	[dreg:$0x13] =	wrdreg s23  }
0x1d: {  	s6 =	sadd.s32 s21, s3;
	[dreg:$0x1b] =	wrdreg s30;
	s21 =	simm.s32 $0x2800  }
0x1e: {  	s23 =	simm.s32 $0x3;
	[dreg:$0xd] =	wrdreg s9;
	s9 =	sshrl.u32 s16, $0x3  }
0x1f: {  	s1 =	sadd.s32 $0x12C00, s1;
	s16 =	simm.s32 $0x1;
	s19 =	sadd.s32 s0, s9  }
0x20: {  	s0 =	sadd.s32 s0, s17;
	s9 =	sadd.s32 s13, s3;
	[dreg:$0x11] =	wrdreg s1  }
0x21: {  	s13 =	simm.s32 $0x6220;
	[dreg:$0xf] =	wrdreg s19;
	s0 =	sadd.s32 $0x4B00, s0  }
0x22: {  	s17 =	simm.s32 $0x9E20;
	[dreg:$0x12] =	wrdreg s0;
	s0 =	sshrl.u32 @!p0 s6, $0x3  }
0x23: {  	s19 =	simm.s32 $0x2;
	[dreg:$0x14] =	wrdreg s0;
	s0 =	sshrl.u32 @!p0 s8, $0x3  }
0x24: {  	s6 =	simm.s32 $0x4;
	[dreg:$0x15] =	wrdreg s0;
	s0 =	sshrl.u32 @!p0 s9, $0x3  }
0x25: {  	s8 =	simm.s32 $0x2710;
	s9 =	simm.s32 $0xC620;
	[dreg:$0x16] =	wrdreg s0  }
.LBB2_1:
0x26: {  	s0 =	rddreg [dreg:$0x7]  }
0x27: {  	[tilespmem:s4], [sflag:$0x4] =	stream.linear.gather [hbm4b:s0+s4], $0x2710, $0x38;
	[tilespmem:$0x18E70] =	vst v63  }
0x28: {  	_ =	swait.ge [sflag:s6], $0x2710  }
0x29: {  	[sflag:s6] =	ssyncset.done $0x0  }
0x2a: {  	s26 =	rddreg [dreg:$0x8];
	[sflag:s6] =	ssyncadd.s32 $0xFFFFD8F0  }
0x2b: {  	[tilespmem:s8], [sflag:$0x4] =	stream.linear.gather [hbm4b:s26+s4], $0x2710, $0x38;
	[tilespmem:$0x18E70] =	vst v63  }
0x2c: {  	_ =	swait.ge [sflag:s6], $0x2710  }
0x2d: {  	[sflag:s6] =	ssyncset.done $0x0  }
0x2e: {  	s1 =	simm.s32 $0xB220;
	s30 =	rddreg [dreg:$0x5];
	[sflag:s6] =	ssyncadd.s32 $0xFFFFD8F0  }
0x2f: {  	[tilespmem:s1], [sflag:$0x4] =	stream.linear.gather [hbm4b:s30+s4], $0x1400, $0x38;
	[tilespmem:$0x18E70] =	vst v63  }
0x30: {  	_ =	swait.ge [sflag:s6], $0x1400  }
0x31: {  	[sflag:s6] =	ssyncset.done $0x0  }
0x32: {  	s31 =	rddreg [dreg:$0x6];
	[sflag:s6] =	ssyncadd.s32 $0xFFFFEC00  }
0x33: {  	[tilespmem:s9], [sflag:$0x4] =	stream.linear.gather [hbm4b:s31+s4], $0x500, $0x38;
	[tilespmem:$0x18E70] =	vst v63  }
0x34: {  	_ =	swait.ge [sflag:s6], $0x500  }
0x35: {  	[sflag:s6] =	ssyncset.done $0x0  }
0x36: {  	s25 =	simm.s32 @p0 $0xB220;
	s26 =	simm.s32 @p0 $0x4;
	[sflag:s6] =	ssyncadd.s32 $0xFFFFFB00  }
0x37: {  	[spmem:s28] =	stream.linear.scatter @p0 [tilespmem:s25], [sflag:$0x4], $0x1400, $0x38;
	[tilespmem:$0x18E70] =	vst v63  }
0x38: {  	_ =	swait.ge @p0 [sflag:s26], $0x1400  }
0x39: {  	[sflag:s26] =	ssyncset.done @p0 $0x0  }
0x3a: {  	s0 =	rddreg [dreg:$0x18];
	[sflag:s26] =	ssyncadd.s32 @p0 $0xFFFFEC00  }
0x3b: {  	[spmem:s0] =	stream.linear.scatter @p0 [tilespmem:s25], [sflag:$0x4], $0x1400, $0x38;
	[tilespmem:$0x18E70] =	vst v63  }
0x3c: {  	_ =	swait.ge @p0 [sflag:s26], $0x1400  }
0x3d: {  	[sflag:s26] =	ssyncset.done @p0 $0x0  }
0x3e: {  	s0 =	rddreg [dreg:$0x19];
	[sflag:s26] =	ssyncadd.s32 @p0 $0xFFFFEC00  }
0x3f: {  	[spmem:s0] =	stream.linear.scatter @p0 [tilespmem:s25], [sflag:$0x4], $0x1400, $0x38;
	[tilespmem:$0x18E70] =	vst v63  }
0x40: {  	_ =	swait.ge @p0 [sflag:s26], $0x1400  }
0x41: {  	[sflag:s26] =	ssyncset.done @p0 $0x0  }
0x42: {  	s0 =	rddreg [dreg:$0x1a];
	[sflag:s26] =	ssyncadd.s32 @p0 $0xFFFFEC00  }
0x43: {  	[spmem:s0] =	stream.linear.scatter @p0 [tilespmem:s25], [sflag:$0x4], $0x1400, $0x38;
	[tilespmem:$0x18E70] =	vst v63  }
0x44: {  	_ =	swait.ge @p0 [sflag:s26], $0x1400  }
0x45: {  	[sflag:s26] =	ssyncset.done @p0 $0x0  }
0x46: {  	s0 =	rddreg [dreg:$0x1b];
	[sflag:s26] =	ssyncadd.s32 @p0 $0xFFFFEC00  }
0x47: {  	[spmem:s0] =	stream.linear.scatter @p0 [tilespmem:s25], [sflag:$0x4], $0x1400, $0x38;
	[tilespmem:$0x18E70] =	vst v63  }
0x48: {  	_ =	swait.ge @p0 [sflag:s26], $0x1400  }
0x49: {  	[sflag:s26] =	ssyncset.done @p0 $0x0;
	s0 =	rddreg [dreg:$0x1c]  }
0x4a: {  	s29 =	simm.s32 @p0 $0x1FC4;
	[sflag:s26] =	ssyncadd.s32 @p0 $0xFFFFEC00;
	s25 =	sshrl.u32 @p0 s0, $0x3  }
0x4b: {  	[spmem:s25], [sflag:s29] =	dma.local @p0 [hbm:s7], $0x320  }
0x4c: {  	_ =	swait.ge @p0 [sflag:s26], $0x320  }
0x4d: {  	[sflag:s26] =	ssyncset.done @p0 $0x0  }
0x4e: {  	s29 =	simm.s32 @!p0 $0x4;
	[sflag:s26] =	ssyncadd.s32 @p0 $0xFFFFFCE0;
	s26 =	simm.s32 @!p0 $0xB220  }
0x4f: {  	[spmem:s10] =	stream.linear.scatter @!p0 [tilespmem:s26], [sflag:$0x4], $0x1400, $0x38;
	[tilespmem:$0x18E70] =	vst v63  }
0x50: {  	_ =	swait.ge @!p0 [sflag:s29], $0x1400  }
0x51: {  	[sflag:s29] =	ssyncset.done @!p0 $0x0  }
0x52: {  	s0 =	rddreg [dreg:$0x9];
	[sflag:s29] =	ssyncadd.s32 @!p0 $0xFFFFEC00  }
0x53: {  	[spmem:s0] =	stream.linear.scatter @!p0 [tilespmem:s26], [sflag:$0x4], $0x1400, $0x38;
	[tilespmem:$0x18E70] =	vst v63  }
0x54: {  	_ =	swait.ge @!p0 [sflag:s29], $0x1400  }
0x55: {  	[sflag:s29] =	ssyncset.done @!p0 $0x0  }
0x56: {  	s0 =	rddreg [dreg:$0xa];
	[sflag:s29] =	ssyncadd.s32 @!p0 $0xFFFFEC00  }
0x57: {  	[spmem:s0] =	stream.linear.scatter @!p0 [tilespmem:s26], [sflag:$0x4], $0x1400, $0x38;
	[tilespmem:$0x18E70] =	vst v63  }
0x58: {  	_ =	swait.ge @!p0 [sflag:s29], $0x1400  }
0x59: {  	[sflag:s29] =	ssyncset.done @!p0 $0x0  }
0x5a: {  	s0 =	rddreg [dreg:$0xb];
	[sflag:s29] =	ssyncadd.s32 @!p0 $0xFFFFEC00  }
0x5b: {  	[spmem:s0] =	stream.linear.scatter @!p0 [tilespmem:s26], [sflag:$0x4], $0x1400, $0x38;
	[tilespmem:$0x18E70] =	vst v63  }
0x5c: {  	_ =	swait.ge @!p0 [sflag:s29], $0x1400  }
0x5d: {  	[sflag:s29] =	ssyncset.done @!p0 $0x0  }
0x5e: {  	s0 =	rddreg [dreg:$0xc];
	[sflag:s29] =	ssyncadd.s32 @!p0 $0xFFFFEC00  }
0x5f: {  	[spmem:s0] =	stream.linear.scatter @!p0 [tilespmem:s26], [sflag:$0x4], $0x1400, $0x38;
	[tilespmem:$0x18E70] =	vst v63  }
0x60: {  	_ =	swait.ge @!p0 [sflag:s29], $0x1400  }
0x61: {  	[sflag:s29] =	ssyncset.done @!p0 $0x0  }
0x62: {  	s0 =	rddreg [dreg:$0xe];
	[sflag:s29] =	ssyncadd.s32 @!p0 $0xFFFFEC00  }
0x63: {  	[spmem:s0] =	stream.linear.scatter @!p0 [tilespmem:s26], [sflag:$0x4], $0x1400, $0x38;
	[tilespmem:$0x18E70] =	vst v63  }
0x64: {  	_ =	swait.ge @!p0 [sflag:s29], $0x1400  }
0x65: {  	[sflag:s29] =	ssyncset.done @!p0 $0x0  }
0x66: {  	s0 =	rddreg [dreg:$0x10];
	[sflag:s29] =	ssyncadd.s32 @!p0 $0xFFFFEC00  }
0x67: {  	[spmem:s0] =	stream.linear.scatter @!p0 [tilespmem:s26], [sflag:$0x4], $0x1400, $0x38;
	[tilespmem:$0x18E70] =	vst v63  }
0x68: {  	_ =	swait.ge @!p0 [sflag:s29], $0x1400  }
0x69: {  	[sflag:s29] =	ssyncset.done @!p0 $0x0  }
0x6a: {  	s0 =	rddreg [dreg:$0x17];
	[sflag:s29] =	ssyncadd.s32 @!p0 $0xFFFFEC00  }
0x6b: {  	[spmem:s0] =	stream.linear.scatter @!p0 [tilespmem:s26], [sflag:$0x4], $0x1400, $0x38;
	[tilespmem:$0x18E70] =	vst v63  }
0x6c: {  	s0 =	stileid.u32;
	_ =	swait.ge @!p0 [sflag:s29], $0x1400  }
0x6d: {  	s26 =	sshll.u32 @!p0 s0, $0x6;
	[sflag:s29] =	ssyncset.done @!p0 $0x0  }
0x6e: {  	s26 =	sor.u32 @!p0 $0x1C04, s26;
	s0 =	rddreg [dreg:$0x14];
	[sflag:s29] =	ssyncadd.s32 @!p0 $0xFFFFEC00  }
0x6f: {  	[spmem:s0], [sflag:s26] =	dma.local @!p0 [hbm:s7], $0x500  }
0x70: {  	_ =	swait.ge @!p0 [sflag:s29], $0x500  }
0x71: {  	[sflag:s29] =	ssyncset.done @!p0 $0x0  }
0x72: {  	[sflag:s29] =	ssyncadd.s32 @!p0 $0xFFFFFB00  }
0x73: {  	[bflag:$0x0] =	sbarrier.arrive $0xFFFF  }
0x74: {  	[tilespmem:s12], [sflag:$0x1] =	stream.indirect.gather [hbm4b:s5+s11], $0x40, s4, s11, $0xb8;
	[tilespmem:$0x18E70] =	vst v63  }
0x75: {  	_ = 	snop  }
0x76: {  	[tilespmem:s13], [sflag:$0x1] =	stream.indirect.gather [hbm4b:s5+s11], $0x40, s11, s11, $0xb8;
	[tilespmem:$0x18E70] =	vst v63  }
0x77: {  	s1 =	simm.s32 $0xA0  }
0x78: {  	[tilespmem:s14], [sflag:$0x1] =	stream.indirect.gather [hbm4b:s5+s11], $0x40, s1, s11, $0xb8;
	[tilespmem:$0x18E70] =	vst v63  }
0x79: {  	s18 =	simm.s32 $0xF0  }
0x7a: {  	[tilespmem:s15], [sflag:$0x1] =	stream.indirect.gather [hbm4b:s5+s11], $0x40, s18, s11, $0xb8;
	[tilespmem:$0x18E70] =	vst v63  }
0x7b: {  	_ =	swait.ge [sflag:s16], $0x1400  }
0x7c: {  	[sflag:s16] =	ssyncset.done $0x0  }
0x7d: {  	[sflag:s16] =	ssyncadd.s32 $0xFFFFEC00  }
0x7e: {  	[spmem:s2] =	stream.indirect.scatter.add.bf16 [tilespmem:s12], [sflag:$0x2], $0x40, s8, s11, $0xb8;
	[tilespmem:$0x18E70] =	vst v63  }
0x7f: {  	_ = 	snop  }
0x80: {  	[spmem:s3] =	stream.indirect.scatter.add.f32 [tilespmem:s9], [sflag:$0x3], $0x10, s8, s11, $0xb8;
	[tilespmem:$0x18E70] =	vst v63  }
0x81: {  	s30 =	simm.s32 $0x140  }
0x82: {  	[tilespmem:s17], [sflag:$0x1] =	stream.indirect.gather [hbm4b:s5+s11], $0x40, s30, s11, $0xb8;
	[tilespmem:$0x18E70] =	vst v63  }
0x83: {  	_ =	swait.ge [sflag:s16], $0x1400  }
0x84: {  	[sflag:s16] =	ssyncset.done $0x0  }
0x85: {  	s31 =	simm.s32 $0x2760;
	[sflag:s16] =	ssyncadd.s32 $0xFFFFEC00  }
0x86: {  	[spmem:s2] =	stream.indirect.scatter.add.bf16 [tilespmem:s13], [sflag:$0x2], $0x40, s31, s11, $0xb8;
	[tilespmem:$0x18E70] =	vst v63  }
0x87: {  	_ = 	snop  }
0x88: {  	[spmem:s3] =	stream.indirect.scatter.add.f32 [tilespmem:s9], [sflag:$0x3], $0x10, s31, s11, $0xb8;
	[tilespmem:$0x18E70] =	vst v63  }
0x89: {  	_ =	swait.ge [sflag:s19], $0x1400  }
0x8a: {  	[sflag:s19] =	ssyncset.done $0x0  }
0x8b: {  	s1 =	simm.s32 $0x190;
	[sflag:s19] =	ssyncadd.s32 $0xFFFFEC00  }
0x8c: {  	[tilespmem:s12], [sflag:$0x1] =	stream.indirect.gather [hbm4b:s5+s11], $0x40, s1, s11, $0xb8;
	[tilespmem:$0x18E70] =	vst v63  }
0x8d: {  	_ =	swait.ge [sflag:s16], $0x1400  }
0x8e: {  	[sflag:s16] =	ssyncset.done $0x0  }
0x8f: {  	[sflag:s16] =	ssyncadd.s32 $0xFFFFEC00  }
0x90: {  	[spmem:s2] =	stream.indirect.scatter.add.bf16 [tilespmem:s14], [sflag:$0x2], $0x40, s20, s11, $0xb8;
	[tilespmem:$0x18E70] =	vst v63  }
0x91: {  	_ = 	snop  }
0x92: {  	[spmem:s3] =	stream.indirect.scatter.add.f32 [tilespmem:s9], [sflag:$0x3], $0x10, s20, s11, $0xb8;
	[tilespmem:$0x18E70] =	vst v63  }
0x93: {  	_ =	swait.ge [sflag:s19], $0x1400  }
0x94: {  	[sflag:s19] =	ssyncset.done $0x0  }
0x95: {  	s18 =	simm.s32 $0x1E0;
	[sflag:s19] =	ssyncadd.s32 $0xFFFFEC00  }
0x96: {  	[tilespmem:s13], [sflag:$0x1] =	stream.indirect.gather [hbm4b:s5+s11], $0x40, s18, s11, $0xb8;
	[tilespmem:$0x18E70] =	vst v63  }
0x97: {  	_ =	swait.ge [sflag:s16], $0x1400  }
0x98: {  	[sflag:s16] =	ssyncset.done $0x0  }
0x99: {  	[sflag:s16] =	ssyncadd.s32 $0xFFFFEC00  }
0x9a: {  	[spmem:s2] =	stream.indirect.scatter.add.bf16 [tilespmem:s15], [sflag:$0x2], $0x40, s21, s11, $0xb8;
	[tilespmem:$0x18E70] =	vst v63  }
0x9b: {  	_ = 	snop  }
0x9c: {  	[spmem:s3] =	stream.indirect.scatter.add.f32 [tilespmem:s9], [sflag:$0x3], $0x10, s21, s11, $0xb8;
	[tilespmem:$0x18E70] =	vst v63  }
0x9d: {  	_ =	swait.ge [sflag:s19], $0x1400  }
0x9e: {  	[sflag:s19] =	ssyncset.done $0x0  }
0x9f: {  	s30 =	simm.s32 $0x230;
	[sflag:s19] =	ssyncadd.s32 $0xFFFFEC00  }
0xa0: {  	[tilespmem:s14], [sflag:$0x1] =	stream.indirect.gather [hbm4b:s5+s11], $0x40, s30, s11, $0xb8;
	[tilespmem:$0x18E70] =	vst v63  }
0xa1: {  	_ =	swait.ge [sflag:s16], $0x1400  }
0xa2: {  	[sflag:s16] =	ssyncset.done $0x0  }
0xa3: {  	[sflag:s16] =	ssyncadd.s32 $0xFFFFEC00  }
0xa4: {  	[spmem:s2] =	stream.indirect.scatter.add.bf16 [tilespmem:s17], [sflag:$0x2], $0x40, s22, s11, $0xb8;
	[tilespmem:$0x18E70] =	vst v63  }
0xa5: {  	_ = 	snop  }
0xa6: {  	[spmem:s3] =	stream.indirect.scatter.add.f32 [tilespmem:s9], [sflag:$0x3], $0x10, s22, s11, $0xb8;
	[tilespmem:$0x18E70] =	vst v63  }
0xa7: {  	_ =	swait.ge [sflag:s19], $0x1400  }
0xa8: {  	[sflag:s19] =	ssyncset.done $0x0  }
0xa9: {  	s29 =	simm.s32 $0x0;
	s31 =	simm.s32 $0x280;
	[sflag:s19] =	ssyncadd.s32 $0xFFFFEC00  }
0xaa: {  	[tilespmem:s15], [sflag:$0x1] =	stream.indirect.gather [hbm4b:s5+s11], $0x40, s31, s11, $0xb8;
	[tilespmem:$0x18E70] =	vst v63  }
.LBB2_2:
0xab: {  	_ =	swait.ge [sflag:s16], $0x1400  }
0xac: {  	s30 =	sshra.s32 s29, $0x2;
	[sflag:s16] =	ssyncset.done $0x0  }
0xad: {  	s31 =	sadd.s32 $0x28A0, s30;
	[sflag:s16] =	ssyncadd.s32 $0xFFFFEC00  }
0xae: {  	[spmem:s2] =	stream.indirect.scatter.add.bf16 [tilespmem:s12], [sflag:$0x2], $0x40, s31, s11, $0xb8;
	[tilespmem:$0x18E70] =	vst v63  }
0xaf: {  	_ = 	snop  }
0xb0: {  	[spmem:s3] =	stream.indirect.scatter.add.f32 [tilespmem:s9], [sflag:$0x3], $0x10, s31, s11, $0xb8;
	[tilespmem:$0x18E70] =	vst v63  }
0xb1: {  	_ =	swait.ge [sflag:s19], $0x1400  }
0xb2: {  	[sflag:s19] =	ssyncset.done $0x0  }
0xb3: {  	s31 =	sadd.s32 $0x2D0, s30;
	[sflag:s19] =	ssyncadd.s32 $0xFFFFEC00  }
0xb4: {  	[tilespmem:s17], [sflag:$0x1] =	stream.indirect.gather [hbm4b:s5+s11], $0x40, s31, s11, $0xb8;
	[tilespmem:$0x18E70] =	vst v63  }
0xb5: {  	_ =	swait.ge [sflag:s16], $0x1400  }
0xb6: {  	[sflag:s16] =	ssyncset.done $0x0  }
0xb7: {  	s31 =	sadd.s32 $0x28F0, s30;
	[sflag:s16] =	ssyncadd.s32 $0xFFFFEC00  }
0xb8: {  	[spmem:s2] =	stream.indirect.scatter.add.bf16 [tilespmem:s13], [sflag:$0x2], $0x40, s31, s11, $0xb8;
	[tilespmem:$0x18E70] =	vst v63  }
0xb9: {  	_ = 	snop  }
0xba: {  	[spmem:s3] =	stream.indirect.scatter.add.f32 [tilespmem:s9], [sflag:$0x3], $0x10, s31, s11, $0xb8;
	[tilespmem:$0x18E70] =	vst v63  }
0xbb: {  	_ =	swait.ge [sflag:s19], $0x1400  }
0xbc: {  	p1 =	seq.s32 s29, $0x8FC0;
	[sflag:s19] =	ssyncset.done $0x0  }
0xbd: {  	s31 =	simm.s32 @p1 $0x1;
	[sflag:s19] =	ssyncadd.s32 $0xFFFFEC00  }
0xbe: {  	_ =	swait.ge @p1 [sflag:s31], $0x1400  }
0xbf: {  	[sflag:s31] =	ssyncset.done @p1 $0x0  }
0xc0: {  	[sflag:s31] =	ssyncadd.s32 @p1 $0xFFFFEC00;
	s31 =	sshra.s32 @p1 s29, $0x2  }
0xc1: {  	s1 =	simm.s32 @p1 $0x50;
	s0 =	simm.s32 @p1 $0x7620;
	s31 =	sadd.s32 @p1 $0x2940, s31  }
0xc2: {  	[spmem:s2] =	stream.indirect.scatter.add.bf16 @p1 [tilespmem:s0], [sflag:$0x2], $0x40, s31, s1, $0xb8;
	[tilespmem:$0x18E70] =	vst v63  }
0xc3: {  	s0 =	simm.s32 @p1 $0xC620  }
0xc4: {  	[spmem:s3] =	stream.indirect.scatter.add.f32 @p1 [tilespmem:s0], [sflag:$0x3], $0x10, s31, s1, $0xb8;
	[tilespmem:$0x18E70] =	vst v63  }
0xc5: {  	s0 =	simm.s32 @p1 $0x2  }
0xc6: {  	_ =	swait.ge @p1 [sflag:s0], $0x1400  }
0xc7: {  	[sflag:s0] =	ssyncset.done @p1 $0x0  }
0xc8: {  	[sflag:s0] =	ssyncadd.s32 @p1 $0xFFFFEC00;
	s0 =	sshra.s32 @!p1 s29, $0x2  }
0xc9: {  	s18 =	simm.s32 @!p1 $0x4E20;
	s31 =	simm.s32 @!p1 $0x50;
	s1 =	sadd.s32 @!p1 $0x320, s0  }
0xca: {  	[tilespmem:s18], [sflag:$0x1] =	stream.indirect.gather @!p1 [hbm4b:s5+s31], $0x40, s1, s31, $0xb8;
	[tilespmem:$0x18E70] =	vst v63  }
0xcb: {  	s1 =	simm.s32 @!p1 $0x1  }
0xcc: {  	_ =	swait.ge @!p1 [sflag:s1], $0x1400  }
0xcd: {  	[sflag:s1] =	ssyncset.done @!p1 $0x0  }
0xce: {  	s18 =	simm.s32 @!p1 $0x7620;
	[sflag:s1] =	ssyncadd.s32 @!p1 $0xFFFFEC00;
	s1 =	sadd.s32 @!p1 $0x2940, s0  }
0xcf: {  	[spmem:s2] =	stream.indirect.scatter.add.bf16 @!p1 [tilespmem:s18], [sflag:$0x2], $0x40, s1, s31, $0xb8;
	[tilespmem:$0x18E70] =	vst v63  }
0xd0: {  	s18 =	simm.s32 @!p1 $0xC620  }
0xd1: {  	[spmem:s3] =	stream.indirect.scatter.add.f32 @!p1 [tilespmem:s18], [sflag:$0x3], $0x10, s1, s31, $0xb8;
	[tilespmem:$0x18E70] =	vst v63  }
0xd2: {  	s1 =	simm.s32 @!p1 $0x2  }
0xd3: {  	_ =	swait.ge @!p1 [sflag:s1], $0x1400  }
0xd4: {  	[sflag:s1] =	ssyncset.done @!p1 $0x0  }
0xd5: {  	s0 =	sadd.s32 @!p1 $0x370, s0;
	[sflag:s1] =	ssyncadd.s32 @!p1 $0xFFFFEC00;
	s1 =	simm.s32 @!p1 $0x6220  }
0xd6: {  	[tilespmem:s1], [sflag:$0x1] =	stream.indirect.gather @!p1 [hbm4b:s5+s31], $0x40, s0, s31, $0xb8;
	[tilespmem:$0x18E70] =	vst v63  }
0xd7: {  	_ =	swait.ge [sflag:s16], $0x1400  }
0xd8: {  	[sflag:s16] =	ssyncset.done $0x0  }
0xd9: {  	s18 =	sadd.s32 $0x2990, s30;
	[sflag:s16] =	ssyncadd.s32 $0xFFFFEC00  }
0xda: {  	[spmem:s2] =	stream.indirect.scatter.add.bf16 [tilespmem:s15], [sflag:$0x2], $0x40, s18, s11, $0xb8;
	[tilespmem:$0x18E70] =	vst v63  }
.Ltmp0:
0xdb: {  	_ = 	snop;
	(pc) =	sbr.rel @p1 .LBB2_4-.Ltmp0, $4  }
0xdc: {  	[spmem:s3] =	stream.indirect.scatter.add.f32 [tilespmem:s9], [sflag:$0x3], $0x10, s18, s11, $0xb8;
	[tilespmem:$0x18E70] =	vst v63  }
0xdd: {  	_ =	swait.ge [sflag:s19], $0x1400  }
0xde: {  	[sflag:s19] =	ssyncset.done $0x0  }
0xdf: {  	s31 =	sadd.s32 $0x29E0, s30;
	[sflag:s19] =	ssyncadd.s32 $0xFFFFEC00  }
0xe0: {  	s0 =	sadd.s32 $0x3C0, s30  }
0xe1: {  	[tilespmem:s14], [sflag:$0x1] =	stream.indirect.gather [hbm4b:s5+s11], $0x40, s0, s11, $0xb8;
	[tilespmem:$0x18E70] =	vst v63  }
0xe2: {  	_ =	swait.ge [sflag:s16], $0x1400  }
0xe3: {  	[sflag:s16] =	ssyncset.done $0x0  }
0xe4: {  	[sflag:s16] =	ssyncadd.s32 $0xFFFFEC00  }
0xe5: {  	[spmem:s2] =	stream.indirect.scatter.add.bf16 [tilespmem:s17], [sflag:$0x2], $0x40, s31, s11, $0xb8;
	[tilespmem:$0x18E70] =	vst v63  }
0xe6: {  	_ = 	snop  }
0xe7: {  	[spmem:s3] =	stream.indirect.scatter.add.f32 [tilespmem:s9], [sflag:$0x3], $0x10, s31, s11, $0xb8;
	[tilespmem:$0x18E70] =	vst v63  }
.Ltmp1:
0xe8: {  	_ = 	snop;
	(pc) =	sbr.rel .LBB2_2-.Ltmp1, $4  }
0xe9: {  	_ =	swait.ge [sflag:s19], $0x1400  }
0xea: {  	[sflag:s19] =	ssyncset.done $0x0  }
0xeb: {  	s29 =	sadd.s32 $0x640, s29;
	s31 =	sadd.s32 $0x410, s30;
	[sflag:s19] =	ssyncadd.s32 $0xFFFFEC00  }
0xec: {  	[tilespmem:s15], [sflag:$0x1] =	stream.indirect.gather [hbm4b:s5+s11], $0x40, s31, s11, $0xb8;
	[tilespmem:$0x18E70] =	vst v63  }
.LBB2_4:
0xed: {  	_ =	swait.ge [sflag:s16], $0x1400  }
0xee: {  	[sflag:s16] =	ssyncset.done $0x0  }
0xef: {  	[sflag:s16] =	ssyncadd.s32 $0xFFFFEC00  }
0xf0: {  	[spmem:s2] =	stream.indirect.scatter.add.bf16 [tilespmem:s17], [sflag:$0x2], $0x40, s31, s11, $0xb8;
	[tilespmem:$0x18E70] =	vst v63  }
0xf1: {  	_ = 	snop  }
0xf2: {  	[spmem:s3] =	stream.indirect.scatter.add.f32 [tilespmem:s9], [sflag:$0x3], $0x10, s31, s11, $0xb8;
	[tilespmem:$0x18E70] =	vst v63  }
0xf3: {  	_ =	swait.ge [sflag:s19], $0x1400  }
0xf4: {  	[sflag:s19] =	ssyncset.done $0x0  }
0xf5: {  	[sflag:s19] =	ssyncadd.s32 $0xFFFFEC00  }
0xf6: {  	_ =	swait.ge [sflag:s19], $0x1400  }
0xf7: {  	[sflag:s19] =	ssyncset.done $0x0  }
0xf8: {  	[sflag:s19] =	ssyncadd.s32 $0xFFFFEC00  }
0xf9: {  	_ =	swait.ge [sflag:s23], $0x500  }
0xfa: {  	s29 =	simm.s32 $0x7C;
	[sflag:s23] =	ssyncset.done $0x0  }
.LBB2_5:
0xfb: {  	p1 =	sne.s32 s29, $0x1;
	s29 =	sadd.s32 $0xFFFFFFFF, s29;
	[sflag:s23] =	ssyncadd.s32 $0xFFFFFB00  }
.Ltmp2:
0xfc: {  	(pc) =	sbr.rel @p1 .LBB2_5-.Ltmp2, $3  }
0xfd: {  	_ =	sdelay $0x1  }
0xfe: {  	_ =	swait.ge [sflag:s23], $0x500  }
0xff: {  	[sflag:s23] =	ssyncset.done $0x0  }
0x100: {  	[sflag:s23] =	ssyncadd.s32 $0xFFFFFB00  }
0x101: {  	[bflag:$0x0] =	sbarrier.arrive $0xFFFF  }
0x102: {  	s0 =	sshrl.u32 @p0 s28, $0x3;
	s1 =	simm.s32 @p0 $0x1FC4;
	s18 =	rddreg [dreg:$0x11]  }
0x103: {  	[hbm:s18], [sflag:s1] =	dma.local @p0 [spmem:s0], $0xC80  }
0x104: {  	s0 =	simm.s32 @p0 $0x4  }
0x105: {  	_ =	swait.ge @p0 [sflag:s0], $0xC80  }
0x106: {  	[sflag:s0] =	ssyncset.done @p0 $0x0  }
0x107: {  	s18 =	rddreg [dreg:$0x12];
	[sflag:s0] =	ssyncadd.s32 @p0 $0xFFFFF380  }
0x108: {  	[hbm:s18], [sflag:s1] =	dma.local @p0 [spmem:s25], $0x320  }
0x109: {  	_ =	swait.ge @p0 [sflag:s0], $0x320  }
0x10a: {  	[sflag:s0] =	ssyncset.done @p0 $0x0;
	s1 =	rddreg [dreg:$0x15]  }
0x10b: {  	[sflag:s0] =	ssyncadd.s32 @p0 $0xFFFFFCE0;
	s0 =	rddreg [dreg:$0xd]  }
0x10c: {  	[hbm:s0], [sflag:s26] =	dma.local @!p0 [spmem:s1], $0x1400  }
0x10d: {  	s0 =	simm.s32 @!p0 $0x4  }
0x10e: {  	_ =	swait.ge @!p0 [sflag:s0], $0x1400  }
0x10f: {  	[sflag:s0] =	ssyncset.done @!p0 $0x0;
	s1 =	rddreg [dreg:$0xf]  }
0x110: {  	s18 =	rddreg [dreg:$0x16];
	[sflag:s0] =	ssyncadd.s32 @!p0 $0xFFFFEC00  }
0x111: {  	[hbm:s1], [sflag:s26] =	dma.local @!p0 [spmem:s18], $0x500  }
0x112: {  	_ =	swait.ge @!p0 [sflag:s0], $0x500  }
0x113: {  	s24 =	sadd.s32 $0x1, s24;
	s31 =	rddreg [dreg:$0x13]  }
0x114: {  	p1 =	sne.s32 s24, s31  }
.Ltmp3:
0x115: {  	_ = 	snop;
	(pc) =	sbr.rel @p1 .LBB2_1-.Ltmp3, $3  }
0x116: {  	_ =	sdelay $0x1  }
0x117: {  	[sflag:s0] =	ssyncset.done @!p0 $0x0  }
0x118: {  	[sflag:s0] =	ssyncadd.s32 @!p0 $0xFFFFFB00  }
0x119: {  	_ =	sfence.sel $0x180000  }
0x11a: {  	[bflag:$0x0] =	sbarrier.arrive $0xFFFF  }
0x11b: {  	_ =	strace $0x90000047  }
0x11c: {  	s0 =	stileid.u32;
	[bflag:$0x2] =	sbarrier.arrive $0xFFFF  }
0x11d: {  	p0 =	sne.s32 s0, $0x0;
	s0 =	rddreg [dreg:$0x4]  }
0x11e: {  	s0 =	sadd.s32 @!p0 $0x100000, s0  }
0x11f: {  	[sflag:s0] =	ssyncadd.tile.s32 @!p0 $0x1;
	_ =	shalt  }
.Lfunc_end2:
_tile_overlayer_lowered:
.L_overlay_start_2:
0x120: {  	(tag) =	ssettag $0x2  }
0x121: {  	s0 =	rddreg [dreg:$0x0];
	s2 =	stileid.u32  }
0x122: {  	s1 =	rddreg [dreg:$0x1];
	p0 =	sne.s32 s2, $0x0  }
0x123: {  	s3 =	rddreg [dreg:$0x2];
	[bflag:$0x3] =	sbarrier.arrive $0xFFFF;
	s2 =	simm.s32 @!p0 $0x1C04  }
0x124: {  	[timem:s3], [sflag:s2] =	dma.local @!p0 [hbm:s0], s1  }
0x125: {  	s0 =	simm.s32 @!p0 $0x4  }
0x126: {  	_ =	swait.ge @!p0 [sflag:s0], s1  }
0x127: {  	s1 =	ssub.s32 @!p0 $0x0, s1;
	[sflag:s0] =	ssyncset.done @!p0 $0x0  }
0x128: {  	[sflag:s0] =	ssyncadd.s32 @!p0 s1  }
0x129: {  	[bflag:$0x3] =	sbarrier.arrive $0xFFFF  }
0x12a: {  	_ =	shalt  }

// kernel: kernel.9.cloned.1.call-start
scs
__scs_entry_jumppad:
0x0: {  	(pc) =	sbr.rel $0x88, $3  }
0x1: {  	(tag) =	ssettag $0x0;
	lr =	simm.s32 $0x1  }
0x2: {  	[smem:$0x3F99] =	sst lr;
	_ =	strace $0xD0000000  }
0x3: {  	_ = 	snop  }
0x4: {  	_ = 	snop  }
0x5: {  	_ = 	snop  }
0x6: {  	_ = 	snop  }
0x7: {  	_ = 	snop  }
__scs_overlays_trampoline_lowered:
0x8: {  	[smem:$0x3FA8] =	sst s0  }
0x9: {  	[smem:$0x3FA9] =	sst s1  }
0xa: {  	[smem:$0x3FAA] =	sst s2  }
0xb: {  	[smem:$0x3FAB] =	sst s3  }
0xc: {  	[smem:$0x3FAC] =	sst s4  }
0xd: {  	[smem:$0x3FAD] =	sst s5  }
0xe: {  	[smem:$0x3FAE] =	sst s6  }
0xf: {  	[smem:$0x3FAF] =	sst s7  }
0x10: {  	[smem:$0x3FB0] =	sst s8  }
0x11: {  	[smem:$0x3FB1] =	sst s9;
	s0 =	simm.s32 @!p0 $0x0  }
0x12: {  	s1 =	sld [smem:$0x3F97];
	s0 =	simm.s32 @p0 $0x1  }
0x13: {  	[smem:$0x3FB2] =	sst s0;
	s0 =	simm.s32 @!p1 $0x0  }
0x14: {  	s2 =	sld [smem:$0x3F96];
	s0 =	simm.s32 @p1 $0x1  }
0x15: {  	[smem:$0x3FB3] =	sst s0;
	s0 =	simm.s32 @!p2 $0x0  }
0x16: {  	s3 =	sld [smem:$0x3FDB];
	s0 =	simm.s32 @p2 $0x1  }
0x17: {  	s4 =	simm.s32 $0x1BF5;
	[smem:$0x3FB5] =	sst s0  }
0x18: {  	s0 =	sld [smem:$0x3F98];
	_ =	swait.ge [sflag:s4], $0x0  }
0x19: {  	s7 =	sld [smem:$0x3F99]  }
0x1a: {  	s8 =	sadd.s32 $0xFFFFE003, lr  }
0x1b: {  	s9 =	sadd.s32 $0xFFFFFEF7, lr;
	s5 =	simm.s32 $0xFFFFFFFF;
	p2 =	slt.u32 s8, $0xFFFFF086  }
0x1c: {  	p1 =	slt.u32 s9, $0xF7A;
	s5 =	simm.s32 @!p2 $0x0  }
0x1d: {  	s5 =	simm.s32 @p1 $0x1;
	p0 =	seq.s32 s7, s2  }
0x1e: {  	s7 =	smul.u32 @!p0 $0xF7A, s2;
	p2 =	seq.s32 @!p0 s5, $0x0  }
0x1f: {  	s9 =	smul.u32 $0xF7A, s1;
	s8 =	simm.s32 @!p0 $0x1BF5;
	p2 =	por !p2, p0  }
0x20: {  	[sflag:s8] =	ssyncset.s32 @!p0 $0xFFFFF086;
	s6 =	sadd.s32 @!p0 s3, s7;
	s7 =	simm.s32 @!p0 $0x108  }
0x21: {  	s3 =	sadd.s32 s3, s9;
	s6 =	sadd.s32 @!p0 $0x88, s6;
	s7 =	simm.s32 @p2 $0x1082  }
0x22: {  	[simem:s7], [sflag:s8] =	dma.local @!p0 [hbm:s6], $0xF7A  }
0x23: {  	s9 =	sor.u32 $0xD0000000, s2;
	s6 =	simm.s32 $0x108;
	_ =	swait.ge @!p0 [sflag:s8], $0x0  }
0x24: {  	s3 =	sadd.s32 $0x88, s3;
	s6 =	simm.s32 @!p1 $0x1082;
	[sflag:s4] =	ssyncset.s32 $0xFFFFF086  }
0x25: {  	[simem:s6], [sflag:s4] =	dma.local [hbm:s3], $0xF7A  }
0x26: {  	[smem:$0x3F99] =	sst s1;
	(tag) =	ssettag s2;
	_ =	strace s9  }
0x27: {  	s1 =	sld [smem:$0x3FA9]  }
0x28: {  	s2 =	sld [smem:$0x3FAA]  }
0x29: {  	s4 =	sld [smem:$0x3FAC]  }
0x2a: {  	p0 =	seq.s32 s5, $0x0;
	s5 =	sld [smem:$0x3FAD]  }
0x2b: {  	s6 =	sld [smem:$0x3FAE]  }
0x2c: {  	s7 =	sld [smem:$0x3FAF]  }
0x2d: {  	s3 =	simm.s32 $0x108;
	s8 =	sld [smem:$0x3FB0]  }
0x2e: {  	s3 =	simm.s32 @!p0 $0x1082;
	s9 =	sld [smem:$0x3FB1]  }
0x2f: {  	lr =	sadd.s32 s0, s3;
	s0 =	sld [smem:$0x3FA8]  }
0x30: {  	s3 =	sld [smem:$0x3FAB]  }
0x31: {  	[smem:$0x3FB4] =	sst s10  }
0x32: {  	s10 =	sld [smem:$0x3FB2];
	_ =	sdelay $0x3  }
0x33: {  	p0 =	seq.s32 s10, $0x1;
	s10 =	sld [smem:$0x3FB4];
	_ =	sdelay $0x3  }
0x34: {  	[smem:$0x3FB4] =	sst s10  }
0x35: {  	s10 =	sld [smem:$0x3FB3];
	_ =	sdelay $0x3  }
0x36: {  	p1 =	seq.s32 s10, $0x1;
	s10 =	sld [smem:$0x3FB4];
	_ =	sdelay $0x3  }
0x37: {  	[smem:$0x3FB4] =	sst s10  }
0x38: {  	s10 =	sld [smem:$0x3FB5]  }
0x39: {  	_ = 	snop;
	(pc) =	sbr.ind lr, $3  }
0x3a: {  	_ = 	snop  }
0x3b: {  	_ = 	snop  }
0x3c: {  	p2 =	seq.s32 s10, $0x1;
	s10 =	sld [smem:$0x3FB4]  }
0x3d: {  	_ =	shalt  }
0x3e: {  	_ =	shalt  }
0x3f: {  	_ =	shalt  }
0x40: {  	_ =	shalt  }
0x41: {  	_ =	shalt  }
0x42: {  	_ =	shalt  }
0x43: {  	_ =	shalt  }
0x44: {  	_ =	shalt  }
0x45: {  	_ =	shalt  }
0x46: {  	_ =	shalt  }
0x47: {  	_ =	shalt  }
0x48: {  	_ =	shalt  }
0x49: {  	_ =	shalt  }
0x4a: {  	_ =	shalt  }
0x4b: {  	_ =	shalt  }
0x4c: {  	_ =	shalt  }
0x4d: {  	_ =	shalt  }
0x4e: {  	_ =	shalt  }
0x4f: {  	_ =	shalt  }
0x50: {  	_ =	shalt  }
0x51: {  	_ =	shalt  }
0x52: {  	_ =	shalt  }
0x53: {  	_ =	shalt  }
0x54: {  	_ =	shalt  }
0x55: {  	_ =	shalt  }
0x56: {  	_ =	shalt  }
0x57: {  	_ =	shalt  }
0x58: {  	_ =	shalt  }
0x59: {  	_ =	shalt  }
0x5a: {  	_ =	shalt  }
0x5b: {  	_ =	shalt  }
0x5c: {  	_ =	shalt  }
0x5d: {  	_ =	shalt  }
0x5e: {  	_ =	shalt  }
0x5f: {  	_ =	shalt  }
0x60: {  	_ =	shalt  }
0x61: {  	_ =	shalt  }
0x62: {  	_ =	shalt  }
0x63: {  	_ =	shalt  }
0x64: {  	_ =	shalt  }
0x65: {  	_ =	shalt  }
0x66: {  	_ =	shalt  }
0x67: {  	_ =	shalt  }
0x68: {  	_ =	shalt  }
0x69: {  	_ =	shalt  }
0x6a: {  	_ =	shalt  }
0x6b: {  	_ =	shalt  }
0x6c: {  	_ =	shalt  }
0x6d: {  	_ =	shalt  }
0x6e: {  	_ =	shalt  }
0x6f: {  	_ =	shalt  }
0x70: {  	_ =	shalt  }
0x71: {  	_ =	shalt  }
0x72: {  	_ =	shalt  }
0x73: {  	_ =	shalt  }
0x74: {  	_ =	shalt  }
0x75: {  	_ =	shalt  }
0x76: {  	_ =	shalt  }
0x77: {  	_ =	shalt  }
0x78: {  	_ =	shalt  }
0x79: {  	_ =	shalt  }
0x7a: {  	_ =	shalt  }
0x7b: {  	_ =	shalt  }
0x7c: {  	_ =	shalt  }
0x7d: {  	_ =	shalt  }
0x7e: {  	_ =	shalt  }
0x7f: {  	_ =	shalt  }
0x80: {  	_ =	shalt  }
0x81: {  	_ =	shalt  }
0x82: {  	_ =	shalt  }
0x83: {  	_ =	shalt  }
0x84: {  	_ =	shalt  }
0x85: {  	_ =	shalt  }
0x86: {  	_ =	shalt  }
0x87: {  	_ =	shalt  }
.Lfunc_end0:
.L_simem_size_0:
called_computation.1_lowered:
.L_overlay_start_0:
0x88: {  	s2 =	sld [smem:$0x3FD9]  }
0x89: {  	s3 =	sld [smem:$0x3FFE];
	_ =	sdelay $0x1  }
0x8a: {  	s1 =	srdreg.scid  }
0x8b: {  	s0 =	sand.u32 $0x1, s1  }
0x8c: {  	s17 =	sshll.u32 s0, $0xA;
	s2 =	sadd.s32 s3, s2  }
0x8d: {  	s2 =	sadd.s32 s2, s17  }
0x8e: {  	[smem:$0x3FC0] =	sst s2  }
0x8f: {  	_ = 	snop  }
0x90: {  	s2 =	sld [smem:$0x3FD0];
	(tm) =	ssettm $0x1  }
0x91: {  	s18 =	sld [smem:$0x3FFB];
	_ =	sdelay $0x3  }
0x92: {  	_ =	strace s18  }
0x93: {  	s3 =	sld [smem:$0x3FFC];
	_ =	sdelay $0x3  }
0x94: {  	_ =	strace s3  }
0x95: {  	s3 =	sld [smem:$0x3FFD];
	_ =	sdelay $0x3  }
0x96: {  	_ =	strace s3  }
0x97: {  	_ =	strace $0x8FFFFFFF  }
0x98: {  	s19 =	sld [smem:$0x3FDB];
	_ =	sdelay $0x1  }
0x99: {  	s4 =	simm.s32 $_scs_section_size  }
0x9a: {  	s5 =	simm.s32 $_size__tile_overlayer_lowered;
	s6 =	simm.s32 $_tile_overlayer_lowered  }
0x9b: {  	s22 =	simm.s32 $0x1BFF;
	s21 =	sshll.u32 s6, $0x1;
	s3 =	sadd.s32 s4, s19  }
0x9c: {  	s7 =	simm.s32 $0x0;
	s20 =	sshll.u32 s5, $0x1;
	s5 =	sadd.s32 s21, s3  }
0x9d: {  	[timem:s7], [sflag:s22] =	dma.local [hbm:s5], s20  }
0x9e: {  	_ =	swait.ge [sflag:s22], s20  }
0x9f: {  	s4 =	ssub.s32 $0x0, s20;
	[sflag:s22] =	ssyncset.done $0x0  }
0xa0: {  	[sflag:s22] =	ssyncadd.s32 s4;
	_ =	sdelay $0x1  }
0xa1: {  	s23 =	simm.s32 $0x1B8B  }
0xa2: {  	_ =	swait.ge [sflag:s23], $0x1  }
0xa3: {  	[sflag:s23] =	ssyncset.done $0x0  }
0xa4: {  	s25 =	simm.s32 $0x1B8E;
	s24 =	sld [smem:$0x3FFE];
	[sflag:s23] =	ssyncadd.s32 $0xFFFFFFFF  }
0xa5: {  	s26 =	simm.s32 $execute0_lowered;
	[smem:$0x3FD2] =	sst s25  }
0xa6: {  	s5 =	sshll.u32 s26, $0x1;
	_ =	strace $0x80000049;
	[dreg:$0x1] =	wrdreg $0xFFFFFFFF  }
0xa7: {  	s28 =	simm.s32 $_size_execute0_lowered;
	s3 =	sadd.s32 s3, s5;
	[dreg:$0x0] =	wrdreg $0x0  }
0xa8: {  	s5 =	sshll.u32 s28, $0x1;
	[dreg:$0x2] =	wrdreg s3  }
0xa9: {  	[dreg:$0x3] =	wrdreg s5  }
0xaa: {  	[dreg:$0x4] =	wrdreg $0xC0  }
0xab: {  	_ =	task [dreg:s7], $0x5FFFF  }
0xac: {  	[dreg:$0x1] =	wrdreg $0xFFFFFFFF  }
0xad: {  	[dreg:$0x0] =	wrdreg $0x60  }
0xae: {  	[dreg:$0x2] =	wrdreg s24  }
0xaf: {  	[dreg:$0x3] =	wrdreg s2  }
0xb0: {  	[dreg:$0x4] =	wrdreg $0xC6200  }
0xb1: {  	[dreg:$0x5] =	wrdreg $0x9  }
0xb2: {  	_ =	task.clear_ibuf [dreg:s7], $0x6FFFF;
	_ =	strace $0x90000049  }
0xb3: {  	s29 =	simm.s32 $0x9;
	_ =	strace $0x8000004B  }
0xb4: {  	_ =	swait.ge [sflag:s29], $0x1  }
0xb5: {  	[sflag:s29] =	ssyncadd.s32 $0xFFFFFFFF  }
0xb6: {  	_ =	strace $0x9000004B  }
0xb7: {  	_ =	sfence  }
0xb8: {  	s30 =	sld [smem:$0x0];
	_ =	sdelay $0x2  }
0xb9: {  	s31 =	sshll.u32 s1, $0xD;
	s1 =	sshrl.u32 s1, $0x2  }
0xba: {  	s3 =	sand.u32 $0x4000, s31;
	s1 =	sadd.s32 s1, s30  }
0xbb: {  	s0 =	sor.u32 s3, s0;
	s1 =	sshll.u32 s1, $0x11  }
0xbc: {  	s0 =	sor.u32 s1, s0  }
0xbd: {  	s0 =	sadd.s32 $0x8F2B, s0  }
0xbe: {  	[sflag:s0] =	ssyncadd.remote.s32 $0x1  }
0xbf: {  	_ =	sfence.sel $0xFFFF  }
0xc0: {  	[dreg:$0x0] =	wrdreg $0xFFFFFFFF;
	(pc) =	sbr.abs _section_cstart, $3  }
0xc1: {  	[dreg:$0x1] =	wrdreg $0xFFFFFFFF  }
0xc2: {  	_ =	task.clear_ibuf [dreg:s7], $0x2FFFF;
	_ =	strace $0x9FFFFFFF  }
0xc3: {  	(tm) =	ssettm $0x7FFFFFFF  }
tec
execute0_lowered:
.L_overlay_start_1:
0x0: {  	(tag) =	ssettag $0x1  }
0x1: {  	s0 =	rddreg [dreg:$0x0]  }
0x2: {  	s1 =	srdreg.scid;
	s5 =	rddreg [dreg:$0x1]  }
0x3: {  	s9 =	stileid.u32;
	s2 =	rddreg [dreg:$0x2]  }
0x4: {  	s3 =	simm.s32 $0x0;
	s20 =	simm.s32 $0x3;
	s21 =	simm.s32 $0x2710  }
0x5: {  	s29 =	simm.s32 $0x7620;
	s31 =	simm.s32 $0x8A20;
	s6 =	smul.u32 $0x2710, s9  }
0x6: {  	s28 =	simm.s32 $0x9E20;
	s30 =	simm.s32 $0x0;
	s7 =	smul.u32 $0x28000, s9  }
0x7: {  	s1 =	sand.u32 $0x1, s1;
	[smem:$0x7FF] =	sst s3;
	s26 =	smul.u32 $0x14000, s9  }
0x8: {  	s10 =	sadd.s32 $0x96000, s2;
	p0 =	seq.s32 s9, $0xF;
	s4 =	smul.u32 $0x27100, s1  }
0x9: {  	_ =	strace $0x8000004A;
	s8 =	ssub.s32 $0x2, s1;
	s1 =	smul.u32 $0x138800, s1  }
0xa: {  	s22 =	sshrl.u32 s8, $0x1;
	s7 =	sshrl.u32 s7, $0x2;
	s4 =	sadd.s32 s6, s4  }
0xb: {  	s7 =	sadd.s32 s7, s2;
	s17 =	sadd.s32 s26, s1;
	s1 =	sshrl.u32 s1, $0x4  }
0xc: {  	s6 =	sshrl.u32 s4, $0x3;
	s4 =	sadd.s32 $0x2E00, s0;
	s24 =	sadd.s32 $0x1400, s7  }
0xd: {  	s25 =	sadd.s32 $0x2800, s7;
	s11 =	sadd.s32 $0x3C00, s7;
	s12 =	sadd.s32 $0x5000, s7  }
0xe: {  	s13 =	sadd.s32 $0x6400, s7;
	s14 =	sadd.s32 $0x7800, s7;
	s15 =	sadd.s32 $0x8C00, s7  }
0xf: {  	s17 =	sshrl.u32 s17, $0x4;
	s1 =	sadd.s32 s5, s1;
	[dreg:$0x7] =	wrdreg s24  }
0x10: {  	s6 =	sadd.s32 s6, s0;
	s0 =	sadd.s32 $0x2A00, s0;
	[dreg:$0x8] =	wrdreg s25  }
0x11: {  	s24 =	sadd.s32 $0x9B000, s2;
	s16 =	sadd.s32 s5, s17;
	s18 =	sadd.s32 $0x12C00, s1  }
0x12: {  	s17 =	smov.u32 s10;
	s11 =	smov.u32 @p0 s10;
	s1 =	simm.s32 $0x1  }
0x13: {  	[dreg:$0x4] =	wrdreg s0;
	s0 =	ssub.s32 s8, s22;
	s23 =	sadd.s32 $0x20600, s6  }
0x14: {  	s6 =	sadd.s32 $0x16800, s6;
	s8 =	sadd.s32 $0x97400, s2;
	[dreg:$0x9] =	wrdreg s16  }
0x15: {  	s22 =	sadd.s32 $0x98800, s2;
	s15 =	smov.u32 @p0 s24;
	[dreg:$0x5] =	wrdreg s23  }
.Ltmp0:
0x16: {  	s24 =	simm.s32 $0x4E20;
	[dreg:$0x6] =	wrdreg s6;
	(pc) =	sbr.rel .LBB2_1-.Ltmp0, $4  }
0x17: {  	s23 =	sadd.s32 $0x99C00, s2;
	s6 =	sshrl.u32 s26, $0x1;
	s19 =	smax.u32 s0, $0x1  }
0x18: {  	s12 =	smov.u32 @p0 s8;
	s13 =	smov.u32 @p0 s22;
	s22 =	simm.s32 $0xB220  }
0x19: {  	s26 =	simm.s32 $0x6220;
	s0 =	simm.s32 $0x2;
	s5 =	sadd.s32 s6, s2  }
0x1a: {  	s14 =	smov.u32 @p0 s23;
	s23 =	simm.s32 $0x50;
	s25 =	sshrl.u32 @!p0 s5, $0x3  }
.LBB2_4:
0x1b: {  	_ =	swait.ge [sflag:s1], $0x1400  }
0x1c: {  	[sflag:s1] =	ssyncset.done $0x0  }
0x1d: {  	[sflag:s1] =	ssyncadd.s32 $0xFFFFEC00  }
0x1e: {  	[spmem:s2] =	stream.indirect.scatter.add.bf16 [tilespmem:s28], [sflag:$0x2], $0x40, s8, s23, $0xb8;
	[tilespmem:$0x16260] =	vst v63  }
0x1f: {  	_ =	swait.ge [sflag:s0], $0x1400  }
0x20: {  	[sflag:s0] =	ssyncset.done $0x0  }
0x21: {  	[sflag:s0] =	ssyncadd.s32 $0xFFFFEC00  }
0x22: {  	_ =	swait.ge [sflag:s0], $0x1400  }
0x23: {  	[sflag:s0] =	ssyncset.done $0x0  }
0x24: {  	[sflag:s0] =	ssyncadd.s32 $0xFFFFEC00  }
0x25: {  	s5 =	sshrl.u32 @p0 s17, $0x3;
	s6 =	simm.s32 @p0 $0x1FC3;
	[bflag:$0x0] =	sbarrier.arrive $0xFFFF  }
0x26: {  	[hbm:s18], [sflag:s6] =	dma.local @p0 [spmem:s5], $0xC80  }
0x27: {  	s5 =	simm.s32 @p0 $0x3  }
0x28: {  	s30 =	sadd.s32 $0x1, s30;
	s6 =	stileid.u32;
	_ =	swait.ge @p0 [sflag:s5], $0xC80  }
0x29: {  	p1 =	sne.s32 s30, s19;
	s6 =	sshll.u32 @!p0 s6, $0x6;
	[sflag:s5] =	ssyncset.done @p0 $0x0  }
0x2a: {  	[sflag:s5] =	ssyncadd.s32 @p0 $0xFFFFF380;
	s5 =	sor.u32 @!p0 $0x1C03, s6;
	s6 =	rddreg [dreg:$0x9]  }
0x2b: {  	[hbm:s6], [sflag:s5] =	dma.local @!p0 [spmem:s25], $0x1400  }
.Ltmp1:
0x2c: {  	_ = 	snop;
	(pc) =	sbr.rel @!p1 .LBB2_5-.Ltmp1, $4  }
0x2d: {  	s5 =	simm.s32 @!p0 $0x3  }
0x2e: {  	_ =	swait.ge @!p0 [sflag:s5], $0x1400  }
0x2f: {  	[sflag:s5] =	ssyncset.done @!p0 $0x0  }
0x30: {  	[sflag:s5] =	ssyncadd.s32 @!p0 $0xFFFFEC00  }
.LBB2_1:
0x31: {  	s5 =	rddreg [dreg:$0x5]  }
0x32: {  	[tilespmem:s3], [sflag:$0x3] =	stream.linear.gather [hbm4b:s5+s3], $0x2710, $0x38;
	[tilespmem:$0x16260] =	vst v63  }
0x33: {  	_ =	swait.ge [sflag:s20], $0x2710  }
0x34: {  	[sflag:s20] =	ssyncset.done $0x0  }
0x35: {  	s9 =	rddreg [dreg:$0x6];
	[sflag:s20] =	ssyncadd.s32 $0xFFFFD8F0  }
0x36: {  	[tilespmem:s21], [sflag:$0x3] =	stream.linear.gather [hbm4b:s9+s3], $0x2710, $0x38;
	[tilespmem:$0x16260] =	vst v63  }
0x37: {  	_ =	swait.ge [sflag:s20], $0x2710  }
0x38: {  	[sflag:s20] =	ssyncset.done $0x0  }
0x39: {  	s10 =	rddreg [dreg:$0x4];
	[sflag:s20] =	ssyncadd.s32 $0xFFFFD8F0  }
0x3a: {  	[tilespmem:s22], [sflag:$0x3] =	stream.linear.gather [hbm4b:s10+s3], $0x1400, $0x38;
	[tilespmem:$0x16260] =	vst v63  }
0x3b: {  	_ =	swait.ge [sflag:s20], $0x1400  }
0x3c: {  	[sflag:s20] =	ssyncset.done $0x0  }
0x3d: {  	s6 =	simm.s32 @!p0 $0x3;
	s5 =	simm.s32 @!p0 $0xB220;
	[sflag:s20] =	ssyncadd.s32 $0xFFFFEC00  }
0x3e: {  	[spmem:s7] =	stream.linear.scatter @!p0 [tilespmem:s5], [sflag:$0x3], $0x1400, $0x38;
	[tilespmem:$0x16260] =	vst v63  }
0x3f: {  	_ =	swait.ge @!p0 [sflag:s6], $0x1400  }
0x40: {  	[sflag:s6] =	ssyncset.done @!p0 $0x0  }
0x41: {  	s8 =	rddreg [dreg:$0x7];
	[sflag:s6] =	ssyncadd.s32 @!p0 $0xFFFFEC00  }
0x42: {  	[spmem:s8] =	stream.linear.scatter @!p0 [tilespmem:s5], [sflag:$0x3], $0x1400, $0x38;
	[tilespmem:$0x16260] =	vst v63  }
0x43: {  	_ =	swait.ge @!p0 [sflag:s6], $0x1400  }
0x44: {  	[sflag:s6] =	ssyncset.done @!p0 $0x0  }
0x45: {  	s8 =	rddreg [dreg:$0x8];
	[sflag:s6] =	ssyncadd.s32 @!p0 $0xFFFFEC00  }
0x46: {  	[spmem:s8] =	stream.linear.scatter @!p0 [tilespmem:s5], [sflag:$0x3], $0x1400, $0x38;
	[tilespmem:$0x16260] =	vst v63  }
0x47: {  	_ =	swait.ge @!p0 [sflag:s6], $0x1400  }
0x48: {  	[sflag:s6] =	ssyncset.done @!p0 $0x0  }
0x49: {  	[sflag:s6] =	ssyncadd.s32 @!p0 $0xFFFFEC00  }
0x4a: {  	[spmem:s11] =	stream.linear.scatter [tilespmem:s22], [sflag:$0x3], $0x1400, $0x38;
	[tilespmem:$0x16260] =	vst v63  }
0x4b: {  	_ =	swait.ge [sflag:s20], $0x1400  }
0x4c: {  	[sflag:s20] =	ssyncset.done $0x0  }
0x4d: {  	[sflag:s20] =	ssyncadd.s32 $0xFFFFEC00  }
0x4e: {  	[spmem:s12] =	stream.linear.scatter [tilespmem:s22], [sflag:$0x3], $0x1400, $0x38;
	[tilespmem:$0x16260] =	vst v63  }
0x4f: {  	_ =	swait.ge [sflag:s20], $0x1400  }
0x50: {  	[sflag:s20] =	ssyncset.done $0x0  }
0x51: {  	[sflag:s20] =	ssyncadd.s32 $0xFFFFEC00  }
0x52: {  	[spmem:s13] =	stream.linear.scatter [tilespmem:s22], [sflag:$0x3], $0x1400, $0x38;
	[tilespmem:$0x16260] =	vst v63  }
0x53: {  	_ =	swait.ge [sflag:s20], $0x1400  }
0x54: {  	[sflag:s20] =	ssyncset.done $0x0  }
0x55: {  	[sflag:s20] =	ssyncadd.s32 $0xFFFFEC00  }
0x56: {  	[spmem:s14] =	stream.linear.scatter [tilespmem:s22], [sflag:$0x3], $0x1400, $0x38;
	[tilespmem:$0x16260] =	vst v63  }
0x57: {  	_ =	swait.ge [sflag:s20], $0x1400  }
0x58: {  	[sflag:s20] =	ssyncset.done $0x0  }
0x59: {  	[sflag:s20] =	ssyncadd.s32 $0xFFFFEC00  }
0x5a: {  	[spmem:s15] =	stream.linear.scatter [tilespmem:s22], [sflag:$0x3], $0x1400, $0x38;
	[tilespmem:$0x16260] =	vst v63  }
0x5b: {  	_ =	swait.ge [sflag:s20], $0x1400  }
0x5c: {  	[sflag:s20] =	ssyncset.done $0x0  }
0x5d: {  	[sflag:s20] =	ssyncadd.s32 $0xFFFFEC00  }
0x5e: {  	[bflag:$0x0] =	sbarrier.arrive $0xFFFF  }
0x5f: {  	[tilespmem:s24], [sflag:$0x1] =	stream.indirect.gather [hbm4b:s4+s23], $0x40, s3, s23, $0xb8;
	[tilespmem:$0x16260] =	vst v63  }
0x60: {  	_ = 	snop  }
0x61: {  	[tilespmem:s26], [sflag:$0x1] =	stream.indirect.gather [hbm4b:s4+s23], $0x40, s23, s23, $0xb8;
	[tilespmem:$0x16260] =	vst v63  }
0x62: {  	s16 =	simm.s32 $0xA0  }
0x63: {  	[tilespmem:s29], [sflag:$0x1] =	stream.indirect.gather [hbm4b:s4+s23], $0x40, s16, s23, $0xb8;
	[tilespmem:$0x16260] =	vst v63  }
0x64: {  	s6 =	simm.s32 $0xF0  }
0x65: {  	[tilespmem:s31], [sflag:$0x1] =	stream.indirect.gather [hbm4b:s4+s23], $0x40, s6, s23, $0xb8;
	[tilespmem:$0x16260] =	vst v63  }
0x66: {  	_ =	swait.ge [sflag:s1], $0x1400  }
0x67: {  	[sflag:s1] =	ssyncset.done $0x0  }
0x68: {  	[sflag:s1] =	ssyncadd.s32 $0xFFFFEC00  }
0x69: {  	[spmem:s2] =	stream.indirect.scatter.add.bf16 [tilespmem:s24], [sflag:$0x2], $0x40, s21, s23, $0xb8;
	[tilespmem:$0x16260] =	vst v63  }
0x6a: {  	s8 =	simm.s32 $0x140  }
0x6b: {  	[tilespmem:s28], [sflag:$0x1] =	stream.indirect.gather [hbm4b:s4+s23], $0x40, s8, s23, $0xb8;
	[tilespmem:$0x16260] =	vst v63  }
0x6c: {  	_ =	swait.ge [sflag:s1], $0x1400  }
0x6d: {  	[sflag:s1] =	ssyncset.done $0x0  }
0x6e: {  	s9 =	simm.s32 $0x2760;
	[sflag:s1] =	ssyncadd.s32 $0xFFFFEC00  }
0x6f: {  	[spmem:s2] =	stream.indirect.scatter.add.bf16 [tilespmem:s26], [sflag:$0x2], $0x40, s9, s23, $0xb8;
	[tilespmem:$0x16260] =	vst v63  }
0x70: {  	_ =	swait.ge [sflag:s0], $0x1400  }
0x71: {  	[sflag:s0] =	ssyncset.done $0x0  }
0x72: {  	s10 =	simm.s32 $0x190;
	[sflag:s0] =	ssyncadd.s32 $0xFFFFEC00  }
0x73: {  	[tilespmem:s24], [sflag:$0x1] =	stream.indirect.gather [hbm4b:s4+s23], $0x40, s10, s23, $0xb8;
	[tilespmem:$0x16260] =	vst v63  }
0x74: {  	_ =	swait.ge [sflag:s1], $0x1400  }
0x75: {  	[sflag:s1] =	ssyncset.done $0x0  }
0x76: {  	s16 =	simm.s32 $0x27B0;
	[sflag:s1] =	ssyncadd.s32 $0xFFFFEC00  }
0x77: {  	[spmem:s2] =	stream.indirect.scatter.add.bf16 [tilespmem:s29], [sflag:$0x2], $0x40, s16, s23, $0xb8;
	[tilespmem:$0x16260] =	vst v63  }
0x78: {  	_ =	swait.ge [sflag:s0], $0x1400  }
0x79: {  	[sflag:s0] =	ssyncset.done $0x0  }
0x7a: {  	s6 =	simm.s32 $0x1E0;
	[sflag:s0] =	ssyncadd.s32 $0xFFFFEC00  }
0x7b: {  	[tilespmem:s26], [sflag:$0x1] =	stream.indirect.gather [hbm4b:s4+s23], $0x40, s6, s23, $0xb8;
	[tilespmem:$0x16260] =	vst v63  }
0x7c: {  	_ =	swait.ge [sflag:s1], $0x1400  }
0x7d: {  	[sflag:s1] =	ssyncset.done $0x0  }
0x7e: {  	s8 =	simm.s32 $0x2800;
	[sflag:s1] =	ssyncadd.s32 $0xFFFFEC00  }
0x7f: {  	[spmem:s2] =	stream.indirect.scatter.add.bf16 [tilespmem:s31], [sflag:$0x2], $0x40, s8, s23, $0xb8;
	[tilespmem:$0x16260] =	vst v63  }
0x80: {  	_ =	swait.ge [sflag:s0], $0x1400  }
0x81: {  	[sflag:s0] =	ssyncset.done $0x0  }
0x82: {  	s9 =	simm.s32 $0x230;
	[sflag:s0] =	ssyncadd.s32 $0xFFFFEC00  }
0x83: {  	[tilespmem:s29], [sflag:$0x1] =	stream.indirect.gather [hbm4b:s4+s23], $0x40, s9, s23, $0xb8;
	[tilespmem:$0x16260] =	vst v63  }
0x84: {  	_ =	swait.ge [sflag:s1], $0x1400  }
0x85: {  	[sflag:s1] =	ssyncset.done $0x0  }
0x86: {  	s10 =	simm.s32 $0x2850;
	[sflag:s1] =	ssyncadd.s32 $0xFFFFEC00  }
0x87: {  	[spmem:s2] =	stream.indirect.scatter.add.bf16 [tilespmem:s28], [sflag:$0x2], $0x40, s10, s23, $0xb8;
	[tilespmem:$0x16260] =	vst v63  }
0x88: {  	_ =	swait.ge [sflag:s0], $0x1400  }
0x89: {  	[sflag:s0] =	ssyncset.done $0x0  }
0x8a: {  	s5 =	simm.s32 $0x0;
	s16 =	simm.s32 $0x280;
	[sflag:s0] =	ssyncadd.s32 $0xFFFFEC00  }
0x8b: {  	[tilespmem:s31], [sflag:$0x1] =	stream.indirect.gather [hbm4b:s4+s23], $0x40, s16, s23, $0xb8;
	[tilespmem:$0x16260] =	vst v63  }
.LBB2_2:
0x8c: {  	_ =	swait.ge [sflag:s1], $0x1400  }
0x8d: {  	s6 =	sshra.s32 s5, $0x2;
	[sflag:s1] =	ssyncset.done $0x0  }
0x8e: {  	s8 =	sadd.s32 $0x28A0, s6;
	[sflag:s1] =	ssyncadd.s32 $0xFFFFEC00  }
0x8f: {  	[spmem:s2] =	stream.indirect.scatter.add.bf16 [tilespmem:s24], [sflag:$0x2], $0x40, s8, s23, $0xb8;
	[tilespmem:$0x16260] =	vst v63  }
0x90: {  	_ =	swait.ge [sflag:s0], $0x1400  }
0x91: {  	[sflag:s0] =	ssyncset.done $0x0  }
0x92: {  	s9 =	sadd.s32 $0x2D0, s6;
	[sflag:s0] =	ssyncadd.s32 $0xFFFFEC00  }
0x93: {  	[tilespmem:s28], [sflag:$0x1] =	stream.indirect.gather [hbm4b:s4+s23], $0x40, s9, s23, $0xb8;
	[tilespmem:$0x16260] =	vst v63  }
0x94: {  	_ =	swait.ge [sflag:s1], $0x1400  }
0x95: {  	[sflag:s1] =	ssyncset.done $0x0  }
0x96: {  	s10 =	sadd.s32 $0x28F0, s6;
	[sflag:s1] =	ssyncadd.s32 $0xFFFFEC00  }
0x97: {  	[spmem:s2] =	stream.indirect.scatter.add.bf16 [tilespmem:s26], [sflag:$0x2], $0x40, s10, s23, $0xb8;
	[tilespmem:$0x16260] =	vst v63  }
0x98: {  	_ =	swait.ge [sflag:s0], $0x1400  }
0x99: {  	p1 =	seq.s32 s5, $0x8FC0;
	[sflag:s0] =	ssyncset.done $0x0  }
0x9a: {  	s8 =	simm.s32 @p1 $0x1;
	[sflag:s0] =	ssyncadd.s32 $0xFFFFEC00  }
0x9b: {  	_ =	swait.ge @p1 [sflag:s8], $0x1400  }
0x9c: {  	[sflag:s8] =	ssyncset.done @p1 $0x0  }
0x9d: {  	[sflag:s8] =	ssyncadd.s32 @p1 $0xFFFFEC00;
	s8 =	sshra.s32 @p1 s5, $0x2  }
0x9e: {  	s9 =	simm.s32 @p1 $0x50;
	s10 =	simm.s32 @p1 $0x7620;
	s8 =	sadd.s32 @p1 $0x2940, s8  }
0x9f: {  	[spmem:s2] =	stream.indirect.scatter.add.bf16 @p1 [tilespmem:s10], [sflag:$0x2], $0x40, s8, s9, $0xb8;
	[tilespmem:$0x16260] =	vst v63  }
0xa0: {  	s8 =	simm.s32 @p1 $0x2  }
0xa1: {  	_ =	swait.ge @p1 [sflag:s8], $0x1400  }
0xa2: {  	[sflag:s8] =	ssyncset.done @p1 $0x0  }
0xa3: {  	[sflag:s8] =	ssyncadd.s32 @p1 $0xFFFFEC00;
	s8 =	sshra.s32 @!p1 s5, $0x2  }
0xa4: {  	s16 =	simm.s32 @!p1 $0x4E20;
	s10 =	simm.s32 @!p1 $0x50;
	s9 =	sadd.s32 @!p1 $0x320, s8  }
0xa5: {  	[tilespmem:s16], [sflag:$0x1] =	stream.indirect.gather @!p1 [hbm4b:s4+s10], $0x40, s9, s10, $0xb8;
	[tilespmem:$0x16260] =	vst v63  }
0xa6: {  	s9 =	simm.s32 @!p1 $0x1  }
0xa7: {  	_ =	swait.ge @!p1 [sflag:s9], $0x1400  }
0xa8: {  	[sflag:s9] =	ssyncset.done @!p1 $0x0  }
0xa9: {  	s16 =	simm.s32 @!p1 $0x7620;
	[sflag:s9] =	ssyncadd.s32 @!p1 $0xFFFFEC00;
	s9 =	sadd.s32 @!p1 $0x2940, s8  }
0xaa: {  	[spmem:s2] =	stream.indirect.scatter.add.bf16 @!p1 [tilespmem:s16], [sflag:$0x2], $0x40, s9, s10, $0xb8;
	[tilespmem:$0x16260] =	vst v63  }
0xab: {  	s9 =	simm.s32 @!p1 $0x2  }
0xac: {  	_ =	swait.ge @!p1 [sflag:s9], $0x1400  }
0xad: {  	[sflag:s9] =	ssyncset.done @!p1 $0x0  }
0xae: {  	s8 =	sadd.s32 @!p1 $0x370, s8;
	[sflag:s9] =	ssyncadd.s32 @!p1 $0xFFFFEC00;
	s9 =	simm.s32 @!p1 $0x6220  }
0xaf: {  	[tilespmem:s9], [sflag:$0x1] =	stream.indirect.gather @!p1 [hbm4b:s4+s10], $0x40, s8, s10, $0xb8;
	[tilespmem:$0x16260] =	vst v63  }
0xb0: {  	_ =	swait.ge [sflag:s1], $0x1400  }
0xb1: {  	[sflag:s1] =	ssyncset.done $0x0  }
.Ltmp2:
0xb2: {  	s16 =	sadd.s32 $0x2990, s6;
	[sflag:s1] =	ssyncadd.s32 $0xFFFFEC00;
	(pc) =	sbr.rel @p1 .LBB2_4-.Ltmp2, $4  }
0xb3: {  	[spmem:s2] =	stream.indirect.scatter.add.bf16 [tilespmem:s31], [sflag:$0x2], $0x40, s16, s23, $0xb8;
	[tilespmem:$0x16260] =	vst v63  }
0xb4: {  	_ =	swait.ge [sflag:s0], $0x1400  }
0xb5: {  	[sflag:s0] =	ssyncset.done $0x0  }
0xb6: {  	s8 =	sadd.s32 $0x29E0, s6;
	[sflag:s0] =	ssyncadd.s32 $0xFFFFEC00  }
0xb7: {  	s9 =	sadd.s32 $0x3C0, s6  }
0xb8: {  	[tilespmem:s29], [sflag:$0x1] =	stream.indirect.gather [hbm4b:s4+s23], $0x40, s9, s23, $0xb8;
	[tilespmem:$0x16260] =	vst v63  }
0xb9: {  	_ =	swait.ge [sflag:s1], $0x1400  }
0xba: {  	[sflag:s1] =	ssyncset.done $0x0  }
0xbb: {  	[sflag:s1] =	ssyncadd.s32 $0xFFFFEC00  }
0xbc: {  	[spmem:s2] =	stream.indirect.scatter.add.bf16 [tilespmem:s28], [sflag:$0x2], $0x40, s8, s23, $0xb8;
	[tilespmem:$0x16260] =	vst v63  }
.Ltmp3:
0xbd: {  	_ = 	snop;
	(pc) =	sbr.rel .LBB2_2-.Ltmp3, $4  }
0xbe: {  	_ =	swait.ge [sflag:s0], $0x1400  }
0xbf: {  	[sflag:s0] =	ssyncset.done $0x0  }
0xc0: {  	s16 =	sadd.s32 $0x410, s6;
	s5 =	sadd.s32 $0x640, s5;
	[sflag:s0] =	ssyncadd.s32 $0xFFFFEC00  }
0xc1: {  	[tilespmem:s31], [sflag:$0x1] =	stream.indirect.gather [hbm4b:s4+s23], $0x40, s16, s23, $0xb8;
	[tilespmem:$0x16260] =	vst v63  }
.LBB2_5:
0xc2: {  	_ =	sfence.sel $0x180000  }
0xc3: {  	[bflag:$0x0] =	sbarrier.arrive $0xFFFF  }
0xc4: {  	_ =	strace $0x9000004A  }
0xc5: {  	s0 =	stileid.u32;
	[bflag:$0x2] =	sbarrier.arrive $0xFFFF  }
0xc6: {  	p0 =	sne.s32 s0, $0x0;
	s0 =	rddreg [dreg:$0x3]  }
0xc7: {  	s0 =	sadd.s32 @!p0 $0x100000, s0  }
0xc8: {  	[sflag:s0] =	ssyncadd.tile.s32 @!p0 $0x1;
	_ =	shalt  }
.Lfunc_end2:
_tile_overlayer_lowered:
.L_overlay_start_2:
0xc9: {  	(tag) =	ssettag $0x2  }
0xca: {  	s0 =	rddreg [dreg:$0x0];
	s2 =	stileid.u32  }
0xcb: {  	s1 =	rddreg [dreg:$0x1];
	p0 =	sne.s32 s2, $0x0  }
0xcc: {  	s3 =	rddreg [dreg:$0x2];
	[bflag:$0x3] =	sbarrier.arrive $0xFFFF;
	s2 =	simm.s32 @!p0 $0x1C03  }
0xcd: {  	[timem:s3], [sflag:s2] =	dma.local @!p0 [hbm:s0], s1  }
0xce: {  	s0 =	simm.s32 @!p0 $0x3  }
0xcf: {  	_ =	swait.ge @!p0 [sflag:s0], s1  }
0xd0: {  	s1 =	ssub.s32 @!p0 $0x0, s1;
	[sflag:s0] =	ssyncset.done @!p0 $0x0  }
0xd1: {  	[sflag:s0] =	ssyncadd.s32 @!p0 s1  }
0xd2: {  	[bflag:$0x3] =	sbarrier.arrive $0xFFFF  }
0xd3: {  	_ =	shalt  }

</sc_bundles>
